<compile_context>
chip_gen: v7x
topology: tpu7x:2x2x1
jax: 0.10.2.dev20260603
libtpu: 0.0.44.dev20260713+nightly
codegen_flags: <defaults>
</compile_context>

<pallas_src>
import dataclasses
import functools

import jax
import jax.numpy as jnp
from jax import lax
from jax.experimental import pallas as pl
from jax.experimental.pallas import tpu as pltpu
from jax.experimental.pallas import tpu_sc as plsc

N = 10000
E = 320000
H = 128
EPS = 1e-3

NC = 2
NS = 16
NW = NC * NS
B = 128
K = 80
E_PAD = NW * K * B
N_PAD = 10112
RPS = N_PAD // NS

_mesh = plsc.VectorSubcoreMesh(core_axis_name="c", subcore_axis_name="s")



_cp_no_layout = pltpu.CompilerParams()
if "needs_layout_passes" in pltpu.CompilerParams.__dataclass_fields__:
    _cp_no_layout = dataclasses.replace(_cp_no_layout, needs_layout_passes=False)


@functools.partial(
    pl.kernel,
    out_type=jax.ShapeDtypeStruct((NW, N_PAD), jnp.float32),
    mesh=_mesh,
    compiler_params=_cp_no_layout,
    scratch_types=[
        pltpu.VMEM((K, B), jnp.int32),
        pltpu.VMEM((N_PAD,), jnp.float32),
    ],
)
def _sc_degree_hist(dstw_hbm, zeros_hbm, out_hbm, dst_v, loc):
    cid = lax.axis_index("c")
    sid = lax.axis_index("s")
    wid = sid * NC + cid
    pltpu.sync_copy(zeros_hbm, loc)
    pltpu.sync_copy(dstw_hbm.at[wid], dst_v)
    ones = jnp.full((16,), 1.0, jnp.float32)

    @pl.loop(0, K)
    def _(j):
        @pl.loop(0, B, step=16)
        def _(g):
            idx = dst_v[j, pl.ds(g, 16)]
            plsc.addupdate_scatter(loc, [idx], ones)

    pltpu.sync_copy(loc, out_hbm.at[wid])


NPH = 2
KP = K // NPH


@functools.partial(
    pl.kernel,
    out_type=jax.ShapeDtypeStruct((NC, N_PAD, H), jnp.float32),
    mesh=_mesh,
    scratch_types=[
        pltpu.VMEM((KP, B), jnp.int32),
        pltpu.VMEM((KP, B), jnp.int32),
    ] + [pltpu.VMEM((B, H), jnp.float32)] * 2
      + [pltpu.SemaphoreType.DMA] * 4
      + [pltpu.VMEM_SHARED((N_PAD, H), jnp.float32)],
)
def _sc_scatter_add(hs_hbm, srcw_hbm, dstw_hbm, zeros_hbm, out_hbm,
                    src_v, dst_v, buf0, buf1, gs0, gs1, ws0, ws1, agg_sh):
    bufs = (buf0, buf1)
    gsems = (gs0, gs1)
    wsems = (ws0, ws1)
    cid = lax.axis_index("c")
    sid = lax.axis_index("s")
    wid = sid * NC + cid
    pltpu.sync_copy(zeros_hbm.at[pl.ds(sid * RPS, RPS)],
                    agg_sh.at[pl.ds(sid * RPS, RPS)])
    plsc.subcore_barrier()

    def g_copy(j, r):
        return pltpu.make_async_copy(hs_hbm.at[src_v.at[j]], bufs[r], gsems[r])

    def s_desc(j, r):
        return pltpu.make_async_copy(bufs[r], agg_sh.at[dst_v.at[j]], wsems[r])

    for p in range(NPH):
        pltpu.sync_copy(srcw_hbm.at[wid, pl.ds(p * KP, KP)], src_v)
        pltpu.sync_copy(dstw_hbm.at[wid, pl.ds(p * KP, KP)], dst_v)
        for r in range(2):
            g_copy(r, r).start()

        @pl.loop(0, KP, step=2)
        def _(o):
            for r in range(2):
                g_copy(o + r, r).wait()
                pltpu.async_copy(bufs[r], agg_sh.at[dst_v.at[o + r]],
                                 wsems[r], add=True)

            @pl.when(o + 2 < KP)
            def _():
                for r in range(2):
                    s_desc(o + r, r).wait()
                    g_copy(o + 2 + r, r).start()

        for r in range(2):
            s_desc(KP - 2 + r, r).wait()

    plsc.subcore_barrier()
    pltpu.sync_copy(agg_sh.at[pl.ds(sid * RPS, RPS)],
                    out_hbm.at[cid, pl.ds(sid * RPS, RPS)])


def _make_score_gather(k_chunks):
    e_half = NW * k_chunks * B

    @functools.partial(
        pl.kernel,
        out_type=tuple(jax.ShapeDtypeStruct((e_half, H), jnp.float32)
                       for _ in range(4)),
        mesh=_mesh,
        scratch_types=[pltpu.VMEM((k_chunks, B), jnp.int32)] * 4
                     + [pltpu.VMEM((B, H), jnp.float32)] * 4
                     + [pltpu.SemaphoreType.DMA] * 8,
    )
    def score_gather(hw_hbm, h_hbm, srcw_hbm, dstw_hbm, n0w_hbm, n1w_hbm,
                     s_out, d_out, n0_out, n1_out,
                     src_v, dst_v, n0_v, n1_v, *scratch):
        bufs = scratch[:4]
        gsems = scratch[4:8]
        wsems = scratch[8:12]
        cid = lax.axis_index("c")
        sid = lax.axis_index("s")
        wid = sid * NC + cid
        pltpu.sync_copy(srcw_hbm.at[wid], src_v)
        pltpu.sync_copy(dstw_hbm.at[wid], dst_v)
        pltpu.sync_copy(n0w_hbm.at[wid], n0_v)
        pltpu.sync_copy(n1w_hbm.at[wid], n1_v)
        base = wid * k_chunks * B

        tbls = (hw_hbm, h_hbm, h_hbm, h_hbm)
        idxs = (src_v, dst_v, n0_v, n1_v)
        outs = (s_out, d_out, n0_out, n1_out)

        def g_copy(j, b):
            return pltpu.make_async_copy(tbls[b].at[idxs[b].at[j]], bufs[b],
                                         gsems[b])

        def w_copy(j, b):
            return pltpu.make_async_copy(bufs[b],
                                         outs[b].at[pl.ds(base + j * B, B)],
                                         wsems[b])

        for b in range(4):
            g_copy(0, b).start()

        @pl.loop(0, k_chunks)
        def _(j):
            for b in range(4):
                g_copy(j, b).wait()
                w_copy(j, b).start()

            @pl.when(j + 1 < k_chunks)
            def _():
                for b in range(4):
                    w_copy(j, b).wait()
                    g_copy(j + 1, b).start()

        for b in range(4):
            w_copy(k_chunks - 1, b).wait()

    return score_gather


KH = K
EH = NW * KH * B
_sc_score_gather = _make_score_gather(KH)



def _mm(a, b):
    return jnp.dot(a, b, preferred_element_type=jnp.float32)


def _softplus(x):
    return jnp.maximum(x, 0.0) + jnp.log(1.0 + jnp.exp(-jnp.abs(x)))


def _tc_dense0_body(x_ref, wemb_ref, bemb_ref, w1s_ref, w1d_ref, b1_ref,
                    h0_ref, hs1_ref, hd1_ref):
    h0 = _mm(x_ref[...], wemb_ref[...]) + bemb_ref[...]
    h0_ref[...] = h0
    hs1_ref[...] = _mm(h0, w1s_ref[...])
    hd1_ref[...] = _mm(h0, w1d_ref[...]) + b1_ref[...]


def _node_update(aggp_ref, histp_ref, hd_ref, hprev_ref, scale_ref, bias_ref):
    agg = aggp_ref[0, :N, :] + aggp_ref[1, :N, :]
    deg = lax.dot_general(histp_ref[...], jnp.ones((NW, 1), jnp.float32),
                          (((0,), (0,)), ((), ())),
                          preferred_element_type=jnp.float32)
    agg = agg + deg[:N, :] * hd_ref[...]
    t = 1.0 / (1.0 + jnp.exp(-agg)) + _softplus(hprev_ref[...])
    return jnp.maximum(t * scale_ref[...] + bias_ref[...], 0.0)


def _tc_dense_mid_body(aggp_ref, histp_ref, hd_ref, hprev_ref, scale_ref,
                       bias_ref, wns_ref, wnd_ref, bn_ref,
                       h_ref, hsn_ref, hdn_ref):
    h = _node_update(aggp_ref, histp_ref, hd_ref, hprev_ref, scale_ref, bias_ref)
    h_ref[...] = h
    hsn_ref[...] = _mm(h, wns_ref[...])
    hdn_ref[...] = _mm(h, wnd_ref[...]) + bn_ref[...]


def _tc_dense_fin_body(aggp_ref, histp_ref, hd_ref, hprev_ref, scale_ref,
                       bias_ref, wrel_ref, h_ref, hw_ref):
    h = _node_update(aggp_ref, histp_ref, hd_ref, hprev_ref, scale_ref, bias_ref)
    h_ref[:N, :] = h
    h_ref[N:, :] = jnp.zeros((N_PAD - N, H), jnp.float32)
    hw_ref[:N, :] = h * wrel_ref[...]
    hw_ref[N:, :] = jnp.zeros((N_PAD - N, H), jnp.float32)


SB = 2048


def _tc_score_body(s_ref, d_ref, n0_ref, n1_ref, pos_ref, neg0_ref, neg1_ref):
    s = s_ref[...]
    pos_ref[...] = jnp.sum(s * d_ref[...], axis=1).reshape(SB // 128, 128)
    neg0_ref[...] = jnp.sum(s * n0_ref[...], axis=1).reshape(SB // 128, 128)
    neg1_ref[...] = jnp.sum(s * n1_ref[...], axis=1).reshape(SB // 128, 128)


def _nh(n_out):
    return tuple(jax.ShapeDtypeStruct((N, H), jnp.float32) for _ in range(n_out))


_tc_dense0 = pl.pallas_call(_tc_dense0_body, out_shape=_nh(3))
_tc_dense_mid = pl.pallas_call(_tc_dense_mid_body, out_shape=_nh(3))
_tc_dense_fin = pl.pallas_call(
    _tc_dense_fin_body,
    out_shape=tuple(jax.ShapeDtypeStruct((N_PAD, H), jnp.float32)
                    for _ in range(2)))

_tc_score = pl.pallas_call(
    _tc_score_body,
    grid=(EH // SB,),
    in_specs=[pl.BlockSpec((SB, H), lambda i: (i, 0)) for _ in range(4)],
    out_specs=[pl.BlockSpec((SB // 128, 128), lambda i: (i, 0)) for _ in range(3)],
    out_shape=tuple(jax.ShapeDtypeStruct((EH // 128, 128), jnp.float32)
                    for _ in range(3)),
)



def kernel(x, edge_index, neg_dst, W_emb, b_emb, conv_w, conv_b, bn_gamma,
           bn_beta, bn_mean, bn_var, w_relation):
    f32 = jnp.float32
    src = edge_index[0]
    dst = edge_index[1]
    pad_e = E_PAD - E
    src_p = jnp.concatenate([src, jnp.zeros((pad_e,), jnp.int32)]).reshape(NW, K, B)
    dst_p = jnp.concatenate([dst, jnp.full((pad_e,), N, jnp.int32)]).reshape(NW, K, B)
    nd0_p = jnp.concatenate([neg_dst[0::2], jnp.zeros((pad_e,), jnp.int32)]).reshape(NW, K, B)
    nd1_p = jnp.concatenate([neg_dst[1::2], jnp.zeros((pad_e,), jnp.int32)]).reshape(NW, K, B)

    zerosN = jnp.zeros((N_PAD, H), f32)
    zeros1 = jnp.zeros((N_PAD,), f32)

    scale = bn_gamma / jnp.sqrt(bn_var + EPS)
    bias = bn_beta - bn_mean * scale
    w1s, w1d = conv_w[0, :H, :], conv_w[0, H:, :]
    w2s, w2d = conv_w[1, :H, :], conv_w[1, H:, :]

    hist_p = _sc_degree_hist(dst_p, zeros1)
    h0, hs1, hd1 = _tc_dense0(x, W_emb, b_emb.reshape(1, H), w1s, w1d,
                              conv_b[0].reshape(1, H))
    agg_p1 = _sc_scatter_add(hs1, src_p, dst_p, zerosN)
    h1, hs2, hd2 = _tc_dense_mid(agg_p1, hist_p, hd1, h0,
                                 scale[0].reshape(1, H), bias[0].reshape(1, H),
                                 w2s, w2d, conv_b[1].reshape(1, H))
    agg_p2 = _sc_scatter_add(hs2, src_p, dst_p, zerosN)
    h2, hw = _tc_dense_fin(agg_p2, hist_p, hd2, h1,
                           scale[1].reshape(1, H), bias[1].reshape(1, H),
                           w_relation)
    rows = _sc_score_gather(hw, h2, src_p, dst_p, nd0_p, nd1_p)
    pos2d, neg0_2d, neg1_2d = _tc_score(*rows)

    pos = pos2d.reshape(-1)[:E]
    n0 = neg0_2d.reshape(-1)[:E]
    n1 = neg1_2d.reshape(-1)[:E]
    neg = jnp.stack([n0, n1], axis=1).reshape(-1)
    return pos, neg

# --- scband reference (transcript-rebuilt; emitter-appended) ---
"""Pipeline reference for scband-link-prediction-mpnn-73289321939189 (READ-ONLY COPY).

The authoritative reference and input builder live on the scoring server;
editing this copy changes nothing except your own understanding.
"""

import jax, jax.numpy as jnp
import numpy as np

N_NODES = 10000
N_EDGES = 320000
D_FEAT = 128
H_DIM = 128
NUM_CONV = 2
NEG_RATE = 2
BN_EPS = 1e-3

def setup_inputs(seed: int = 0) -> dict:
    key = jax.random.key(seed)
    ks = jax.random.split(key, 16)
    x = jax.random.normal(ks[0], (N_NODES, D_FEAT), dtype=jnp.float32)
    edge_index = jax.random.randint(ks[1], (2, N_EDGES), 0, N_NODES, dtype=jnp.int32)
    neg_dst = jax.random.randint(ks[2], (N_EDGES * NEG_RATE,), 0, N_NODES, dtype=jnp.int32)
    W_emb = jax.random.normal(ks[3], (D_FEAT, H_DIM), dtype=jnp.float32) * (1.0 / np.sqrt(D_FEAT))
    b_emb = jnp.zeros((H_DIM,), dtype=jnp.float32)
    conv_w = jax.random.normal(ks[4], (NUM_CONV, 2 * H_DIM, H_DIM), dtype=jnp.float32) * (1.0 / np.sqrt(2 * H_DIM))
    conv_b = jnp.zeros((NUM_CONV, H_DIM), dtype=jnp.float32)
    bn_gamma = jnp.ones((NUM_CONV, H_DIM), dtype=jnp.float32)
    bn_beta = jnp.zeros((NUM_CONV, H_DIM), dtype=jnp.float32)
    bn_mean = jnp.zeros((NUM_CONV, H_DIM), dtype=jnp.float32)
    bn_var = jnp.ones((NUM_CONV, H_DIM), dtype=jnp.float32)
    w_relation = jax.random.normal(ks[5], (1, H_DIM), dtype=jnp.float32) * (1.0 / np.sqrt(H_DIM))
    return {"x": x, "edge_index": edge_index, "neg_dst": neg_dst, "W_emb": W_emb, "b_emb": b_emb,
            "conv_w": conv_w, "conv_b": conv_b, "bn_gamma": bn_gamma, "bn_beta": bn_beta,
            "bn_mean": bn_mean, "bn_var": bn_var, "w_relation": w_relation}

def reference(x, edge_index, neg_dst, W_emb, b_emb, conv_w, conv_b, bn_gamma, bn_beta, bn_mean, bn_var, w_relation):
    src = edge_index[0]
    dst = edge_index[1]
    # MPNNModel: embedding Dense layer
    h = x @ W_emb + b_emb
    for i in range(NUM_CONV):
        # MPNN.msg_func: concat src/dst node states per edge
        msg = jnp.concatenate([h[src], h[dst]], axis=-1)
        # edge transform: msg @ w + b
        edge_feat = msg @ conv_w[i] + conv_b[i]
        # update_all: copy_edge + reduce sum at dst nodes (scatter-add)
        agg = jnp.zeros((N_NODES, H_DIM), dtype=h.dtype).at[dst].add(edge_feat)
        # apply_nodes: sigmoid(msg) + softplus(h)
        h = jax.nn.sigmoid(agg) + jax.nn.softplus(h)
        # BatchNorm (inference mode, Keras eps=1e-3)
        h = bn_gamma[i] * (h - bn_mean[i]) / jnp.sqrt(bn_var[i] + BN_EPS) + bn_beta[i]
        # Activation relu; Dropout is identity at inference
        h = jax.nn.relu(h)
    # positive scores: u_mul_v then weighted sum with w_relation
    pos_scores = jnp.sum(h[src] * h[dst] * w_relation, axis=1)
    # negative graph: repeat src k times, random dst (passed in as neg_dst)
    neg_src = jnp.repeat(src, NEG_RATE)
    neg_raw = jnp.sum(h[neg_src] * h[neg_dst] * w_relation, axis=1)
    # reindex negative scores exactly as the original scatter logic
    E = N_EDGES
    pos_e_ids = jnp.arange(E, dtype=jnp.int32)
    pos_e_ids_neg = pos_e_ids * NEG_RATE
    neg_e_ids = jnp.repeat(pos_e_ids_neg, NEG_RATE)
    for i in range(NEG_RATE - 1):
        idx = (i + 1) + NEG_RATE * jnp.arange(E, dtype=jnp.int32)
        neg_e_ids = neg_e_ids.at[idx].set(pos_e_ids_neg + i + 1)
    neg_scores = jnp.zeros((E * NEG_RATE,), dtype=h.dtype).at[neg_e_ids].set(neg_raw)
    return (pos_scores, neg_scores)

if __name__ == "__main__":
    import jax
    _d = setup_inputs()
    print(jax.jit(kernel)(*tuple(_d.values())))

</pallas_src>

<mosaic_0001>
#map = affine_map<(d0, d1) -> (0, 0)>
#map1 = affine_map<(d0, d1) -> (0, 0, 0)>
module attributes {stable_mosaic.version = 14 : i64} {
  func.func @score_gather(%arg0: i32, %arg1: i32, %arg2: memref<10112x128xf32, #tpu.memory_space<hbm>>, %arg3: memref<10112x128xf32, #tpu.memory_space<hbm>>, %arg4: memref<32x80x128xi32, #tpu.memory_space<hbm>>, %arg5: memref<32x80x128xi32, #tpu.memory_space<hbm>>, %arg6: memref<32x80x128xi32, #tpu.memory_space<hbm>>, %arg7: memref<32x80x128xi32, #tpu.memory_space<hbm>>, %arg8: memref<327680x128xf32, #tpu.memory_space<hbm>>, %arg9: memref<327680x128xf32, #tpu.memory_space<hbm>>, %arg10: memref<327680x128xf32, #tpu.memory_space<hbm>>, %arg11: memref<327680x128xf32, #tpu.memory_space<hbm>>, %arg12: memref<80x128xi32, #tpu.memory_space<vmem>>, %arg13: memref<80x128xi32, #tpu.memory_space<vmem>>, %arg14: memref<80x128xi32, #tpu.memory_space<vmem>>, %arg15: memref<80x128xi32, #tpu.memory_space<vmem>>, %arg16: memref<128x128xf32, #tpu.memory_space<vmem>>, %arg17: memref<128x128xf32, #tpu.memory_space<vmem>>, %arg18: memref<128x128xf32, #tpu.memory_space<vmem>>, %arg19: memref<128x128xf32, #tpu.memory_space<vmem>>, %arg20: memref<!tpu.dma_semaphore, #tpu.memory_space<semaphore_mem>>, %arg21: memref<!tpu.dma_semaphore, #tpu.memory_space<semaphore_mem>>, %arg22: memref<!tpu.dma_semaphore, #tpu.memory_space<semaphore_mem>>, %arg23: memref<!tpu.dma_semaphore, #tpu.memory_space<semaphore_mem>>, %arg24: memref<!tpu.dma_semaphore, #tpu.memory_space<semaphore_mem>>, %arg25: memref<!tpu.dma_semaphore, #tpu.memory_space<semaphore_mem>>, %arg26: memref<!tpu.dma_semaphore, #tpu.memory_space<semaphore_mem>>, %arg27: memref<!tpu.dma_semaphore, #tpu.memory_space<semaphore_mem>>) attributes {dimension_semantics = [#tpu.dimension_semantics<core_parallel>, #tpu.dimension_semantics<subcore_parallel>], iteration_bounds = array<i64: 2, 16>, scalar_prefetch = 0 : i64, scratch_operands = 16 : i64, tpu.core_type = #tpu.core_type<sc_vector_subcore>, window_params = [{transform_indices = #map}, {transform_indices = #map}, {transform_indices = #map1}, {transform_indices = #map1}, {transform_indices = #map1}, {transform_indices = #map1}, {transform_indices = #map}, {transform_indices = #map}, {transform_indices = #map}, {transform_indices = #map}]} {
    %mul3A = arith.constant 2 : i32
    %mul3A_0 = arith.muli %arg1, %mul3A : i32
    %add3A = arith.addi %mul3A_0, %arg0 : i32
    "tpu.region"() ({
      %run_scoped3A = tpu.sem_alloc : memref<!tpu.dma_semaphore, #tpu.memory_space<semaphore_mem>>
      %dma_start3A_59 = arith.constant 0 : i32
      %dma_start3A_60 = arith.constant 0 : i32
      %dma_start3A_61 = tpu.memref_slice %arg4[%add3A, %dma_start3A_59, %dma_start3A_60] : memref<32x80x128xi32, #tpu.memory_space<hbm>> -> memref<1x80x128xi32, #tpu.memory_space<hbm>>
      %dma_start3A_62 = tpu.memref_squeeze %dma_start3A_61 : memref<1x80x128xi32, #tpu.memory_space<hbm>> -> memref<80x128xi32, #tpu.memory_space<hbm>>
      %dma_start3A_63 = arith.constant 0 : i32
      %dma_start3A_64 = arith.constant 0 : i32
      %dma_start3A_65 = tpu.memref_slice %arg4[%add3A, %dma_start3A_63, %dma_start3A_64] : memref<32x80x128xi32, #tpu.memory_space<hbm>> -> memref<1x80x128xi32, #tpu.memory_space<hbm>>
      %dma_start3A_66 = tpu.memref_squeeze %dma_start3A_65 : memref<1x80x128xi32, #tpu.memory_space<hbm>> -> memref<80x128xi32, #tpu.memory_space<hbm>>
      tpu.enqueue_dma source(%dma_start3A_66 : memref<80x128xi32, #tpu.memory_space<hbm>>) target(%arg12 : memref<80x128xi32, #tpu.memory_space<vmem>>) target_semaphore(%run_scoped3A : memref<!tpu.dma_semaphore, #tpu.memory_space<semaphore_mem>>)
      %dma_wait3A_67 = arith.constant 0 : i32
      %dma_wait3A_68 = arith.constant 0 : i32
      %dma_wait3A_69 = tpu.memref_slice %arg4[%add3A, %dma_wait3A_67, %dma_wait3A_68] : memref<32x80x128xi32, #tpu.memory_space<hbm>> -> memref<1x80x128xi32, #tpu.memory_space<hbm>>
      %dma_wait3A_70 = tpu.memref_squeeze %dma_wait3A_69 : memref<1x80x128xi32, #tpu.memory_space<hbm>> -> memref<80x128xi32, #tpu.memory_space<hbm>>
      %dma_wait3A_71 = arith.constant 0 : i32
      %dma_wait3A_72 = arith.constant 0 : i32
      %dma_wait3A_73 = tpu.memref_slice %arg4[%add3A, %dma_wait3A_71, %dma_wait3A_72] : memref<32x80x128xi32, #tpu.memory_space<hbm>> -> memref<1x80x128xi32, #tpu.memory_space<hbm>>
      %dma_wait3A_74 = tpu.memref_squeeze %dma_wait3A_73 : memref<1x80x128xi32, #tpu.memory_space<hbm>> -> memref<80x128xi32, #tpu.memory_space<hbm>>
      tpu.wait_dma2 semaphore(%run_scoped3A : memref<!tpu.dma_semaphore, #tpu.memory_space<semaphore_mem>>) src(%dma_wait3A_74 : memref<80x128xi32, #tpu.memory_space<hbm>>) dst(%arg12 : memref<80x128xi32, #tpu.memory_space<vmem>>)
      tpu.yield
    }) : () -> ()
    "tpu.region"() ({
      %run_scoped3A = tpu.sem_alloc : memref<!tpu.dma_semaphore, #tpu.memory_space<semaphore_mem>>
      %dma_start3A_59 = arith.constant 0 : i32
      %dma_start3A_60 = arith.constant 0 : i32
      %dma_start3A_61 = tpu.memref_slice %arg5[%add3A, %dma_start3A_59, %dma_start3A_60] : memref<32x80x128xi32, #tpu.memory_space<hbm>> -> memref<1x80x128xi32, #tpu.memory_space<hbm>>
      %dma_start3A_62 = tpu.memref_squeeze %dma_start3A_61 : memref<1x80x128xi32, #tpu.memory_space<hbm>> -> memref<80x128xi32, #tpu.memory_space<hbm>>
      %dma_start3A_63 = arith.constant 0 : i32
      %dma_start3A_64 = arith.constant 0 : i32
      %dma_start3A_65 = tpu.memref_slice %arg5[%add3A, %dma_start3A_63, %dma_start3A_64] : memref<32x80x128xi32, #tpu.memory_space<hbm>> -> memref<1x80x128xi32, #tpu.memory_space<hbm>>
      %dma_start3A_66 = tpu.memref_squeeze %dma_start3A_65 : memref<1x80x128xi32, #tpu.memory_space<hbm>> -> memref<80x128xi32, #tpu.memory_space<hbm>>
      tpu.enqueue_dma source(%dma_start3A_66 : memref<80x128xi32, #tpu.memory_space<hbm>>) target(%arg13 : memref<80x128xi32, #tpu.memory_space<vmem>>) target_semaphore(%run_scoped3A : memref<!tpu.dma_semaphore, #tpu.memory_space<semaphore_mem>>)
      %dma_wait3A_67 = arith.constant 0 : i32
      %dma_wait3A_68 = arith.constant 0 : i32
      %dma_wait3A_69 = tpu.memref_slice %arg5[%add3A, %dma_wait3A_67, %dma_wait3A_68] : memref<32x80x128xi32, #tpu.memory_space<hbm>> -> memref<1x80x128xi32, #tpu.memory_space<hbm>>
      %dma_wait3A_70 = tpu.memref_squeeze %dma_wait3A_69 : memref<1x80x128xi32, #tpu.memory_space<hbm>> -> memref<80x128xi32, #tpu.memory_space<hbm>>
      %dma_wait3A_71 = arith.constant 0 : i32
      %dma_wait3A_72 = arith.constant 0 : i32
      %dma_wait3A_73 = tpu.memref_slice %arg5[%add3A, %dma_wait3A_71, %dma_wait3A_72] : memref<32x80x128xi32, #tpu.memory_space<hbm>> -> memref<1x80x128xi32, #tpu.memory_space<hbm>>
      %dma_wait3A_74 = tpu.memref_squeeze %dma_wait3A_73 : memref<1x80x128xi32, #tpu.memory_space<hbm>> -> memref<80x128xi32, #tpu.memory_space<hbm>>
      tpu.wait_dma2 semaphore(%run_scoped3A : memref<!tpu.dma_semaphore, #tpu.memory_space<semaphore_mem>>) src(%dma_wait3A_74 : memref<80x128xi32, #tpu.memory_space<hbm>>) dst(%arg13 : memref<80x128xi32, #tpu.memory_space<vmem>>)
      tpu.yield
    }) : () -> ()
    "tpu.region"() ({
      %run_scoped3A = tpu.sem_alloc : memref<!tpu.dma_semaphore, #tpu.memory_space<semaphore_mem>>
      %dma_start3A_59 = arith.constant 0 : i32
      %dma_start3A_60 = arith.constant 0 : i32
      %dma_start3A_61 = tpu.memref_slice %arg6[%add3A, %dma_start3A_59, %dma_start3A_60] : memref<32x80x128xi32, #tpu.memory_space<hbm>> -> memref<1x80x128xi32, #tpu.memory_space<hbm>>
      %dma_start3A_62 = tpu.memref_squeeze %dma_start3A_61 : memref<1x80x128xi32, #tpu.memory_space<hbm>> -> memref<80x128xi32, #tpu.memory_space<hbm>>
      %dma_start3A_63 = arith.constant 0 : i32
      %dma_start3A_64 = arith.constant 0 : i32
      %dma_start3A_65 = tpu.memref_slice %arg6[%add3A, %dma_start3A_63, %dma_start3A_64] : memref<32x80x128xi32, #tpu.memory_space<hbm>> -> memref<1x80x128xi32, #tpu.memory_space<hbm>>
      %dma_start3A_66 = tpu.memref_squeeze %dma_start3A_65 : memref<1x80x128xi32, #tpu.memory_space<hbm>> -> memref<80x128xi32, #tpu.memory_space<hbm>>
      tpu.enqueue_dma source(%dma_start3A_66 : memref<80x128xi32, #tpu.memory_space<hbm>>) target(%arg14 : memref<80x128xi32, #tpu.memory_space<vmem>>) target_semaphore(%run_scoped3A : memref<!tpu.dma_semaphore, #tpu.memory_space<semaphore_mem>>)
      %dma_wait3A_67 = arith.constant 0 : i32
      %dma_wait3A_68 = arith.constant 0 : i32
      %dma_wait3A_69 = tpu.memref_slice %arg6[%add3A, %dma_wait3A_67, %dma_wait3A_68] : memref<32x80x128xi32, #tpu.memory_space<hbm>> -> memref<1x80x128xi32, #tpu.memory_space<hbm>>
      %dma_wait3A_70 = tpu.memref_squeeze %dma_wait3A_69 : memref<1x80x128xi32, #tpu.memory_space<hbm>> -> memref<80x128xi32, #tpu.memory_space<hbm>>
      %dma_wait3A_71 = arith.constant 0 : i32
      %dma_wait3A_72 = arith.constant 0 : i32
      %dma_wait3A_73 = tpu.memref_slice %arg6[%add3A, %dma_wait3A_71, %dma_wait3A_72] : memref<32x80x128xi32, #tpu.memory_space<hbm>> -> memref<1x80x128xi32, #tpu.memory_space<hbm>>
      %dma_wait3A_74 = tpu.memref_squeeze %dma_wait3A_73 : memref<1x80x128xi32, #tpu.memory_space<hbm>> -> memref<80x128xi32, #tpu.memory_space<hbm>>
      tpu.wait_dma2 semaphore(%run_scoped3A : memref<!tpu.dma_semaphore, #tpu.memory_space<semaphore_mem>>) src(%dma_wait3A_74 : memref<80x128xi32, #tpu.memory_space<hbm>>) dst(%arg14 : memref<80x128xi32, #tpu.memory_space<vmem>>)
      tpu.yield
    }) : () -> ()
    "tpu.region"() ({
      %run_scoped3A = tpu.sem_alloc : memref<!tpu.dma_semaphore, #tpu.memory_space<semaphore_mem>>
      %dma_start3A_59 = arith.constant 0 : i32
      %dma_start3A_60 = arith.constant 0 : i32
      %dma_start3A_61 = tpu.memref_slice %arg7[%add3A, %dma_start3A_59, %dma_start3A_60] : memref<32x80x128xi32, #tpu.memory_space<hbm>> -> memref<1x80x128xi32, #tpu.memory_space<hbm>>
      %dma_start3A_62 = tpu.memref_squeeze %dma_start3A_61 : memref<1x80x128xi32, #tpu.memory_space<hbm>> -> memref<80x128xi32, #tpu.memory_space<hbm>>
      %dma_start3A_63 = arith.constant 0 : i32
      %dma_start3A_64 = arith.constant 0 : i32
      %dma_start3A_65 = tpu.memref_slice %arg7[%add3A, %dma_start3A_63, %dma_start3A_64] : memref<32x80x128xi32, #tpu.memory_space<hbm>> -> memref<1x80x128xi32, #tpu.memory_space<hbm>>
      %dma_start3A_66 = tpu.memref_squeeze %dma_start3A_65 : memref<1x80x128xi32, #tpu.memory_space<hbm>> -> memref<80x128xi32, #tpu.memory_space<hbm>>
      tpu.enqueue_dma source(%dma_start3A_66 : memref<80x128xi32, #tpu.memory_space<hbm>>) target(%arg15 : memref<80x128xi32, #tpu.memory_space<vmem>>) target_semaphore(%run_scoped3A : memref<!tpu.dma_semaphore, #tpu.memory_space<semaphore_mem>>)
      %dma_wait3A_67 = arith.constant 0 : i32
      %dma_wait3A_68 = arith.constant 0 : i32
      %dma_wait3A_69 = tpu.memref_slice %arg7[%add3A, %dma_wait3A_67, %dma_wait3A_68] : memref<32x80x128xi32, #tpu.memory_space<hbm>> -> memref<1x80x128xi32, #tpu.memory_space<hbm>>
      %dma_wait3A_70 = tpu.memref_squeeze %dma_wait3A_69 : memref<1x80x128xi32, #tpu.memory_space<hbm>> -> memref<80x128xi32, #tpu.memory_space<hbm>>
      %dma_wait3A_71 = arith.constant 0 : i32
      %dma_wait3A_72 = arith.constant 0 : i32
      %dma_wait3A_73 = tpu.memref_slice %arg7[%add3A, %dma_wait3A_71, %dma_wait3A_72] : memref<32x80x128xi32, #tpu.memory_space<hbm>> -> memref<1x80x128xi32, #tpu.memory_space<hbm>>
      %dma_wait3A_74 = tpu.memref_squeeze %dma_wait3A_73 : memref<1x80x128xi32, #tpu.memory_space<hbm>> -> memref<80x128xi32, #tpu.memory_space<hbm>>
      tpu.wait_dma2 semaphore(%run_scoped3A : memref<!tpu.dma_semaphore, #tpu.memory_space<semaphore_mem>>) src(%dma_wait3A_74 : memref<80x128xi32, #tpu.memory_space<hbm>>) dst(%arg15 : memref<80x128xi32, #tpu.memory_space<vmem>>)
      tpu.yield
    }) : () -> ()
    %mul3A_1 = arith.constant 80 : i32
    %mul3A_2 = arith.muli %add3A, %mul3A_1 : i32
    %mul3A_3 = arith.constant 128 : i32
    %mul3A_4 = arith.muli %mul3A_2, %mul3A_3 : i32
    %dma_start3A = arith.constant 0 : i32
    %dma_start3A_5 = arith.constant 0 : i32
    %dma_start3A_6 = tpu.memref_slice %arg12[%dma_start3A, %dma_start3A_5] : memref<80x128xi32, #tpu.memory_space<vmem>> -> memref<1x128xi32, #tpu.memory_space<vmem>>
    %dma_start3A_7 = tpu.memref_squeeze %dma_start3A_6 : memref<1x128xi32, #tpu.memory_space<vmem>> -> memref<128xi32, #tpu.memory_space<vmem>>
    %dma_start3A_8 = arith.constant 0 : i32
    %dma_start3A_9 = arith.constant 0 : i32
    %dma_start3A_10 = tpu.memref_slice %arg2[%dma_start3A_8, %dma_start3A_9] : memref<10112x128xf32, #tpu.memory_space<hbm>> -> memref<10112x128xf32, #tpu.memory_space<hbm>>
    tpu.enqueue_indirect_dma source(%dma_start3A_10 : memref<10112x128xf32, #tpu.memory_space<hbm>>) target(%arg16 : memref<128x128xf32, #tpu.memory_space<vmem>>) offsets(%dma_start3A_7 : memref<128xi32, #tpu.memory_space<vmem>>) semaphore(%arg20 : memref<!tpu.dma_semaphore, #tpu.memory_space<semaphore_mem>>)
    %dma_start3A_11 = arith.constant 0 : i32
    %dma_start3A_12 = arith.constant 0 : i32
    %dma_start3A_13 = tpu.memref_slice %arg13[%dma_start3A_11, %dma_start3A_12] : memref<80x128xi32, #tpu.memory_space<vmem>> -> memref<1x128xi32, #tpu.memory_space<vmem>>
    %dma_start3A_14 = tpu.memref_squeeze %dma_start3A_13 : memref<1x128xi32, #tpu.memory_space<vmem>> -> memref<128xi32, #tpu.memory_space<vmem>>
    %dma_start3A_15 = arith.constant 0 : i32
    %dma_start3A_16 = arith.constant 0 : i32
    %dma_start3A_17 = tpu.memref_slice %arg3[%dma_start3A_15, %dma_start3A_16] : memref<10112x128xf32, #tpu.memory_space<hbm>> -> memref<10112x128xf32, #tpu.memory_space<hbm>>
    tpu.enqueue_indirect_dma source(%dma_start3A_17 : memref<10112x128xf32, #tpu.memory_space<hbm>>) target(%arg17 : memref<128x128xf32, #tpu.memory_space<vmem>>) offsets(%dma_start3A_14 : memref<128xi32, #tpu.memory_space<vmem>>) semaphore(%arg21 : memref<!tpu.dma_semaphore, #tpu.memory_space<semaphore_mem>>)
    %dma_start3A_18 = arith.constant 0 : i32
    %dma_start3A_19 = arith.constant 0 : i32
    %dma_start3A_20 = tpu.memref_slice %arg14[%dma_start3A_18, %dma_start3A_19] : memref<80x128xi32, #tpu.memory_space<vmem>> -> memref<1x128xi32, #tpu.memory_space<vmem>>
    %dma_start3A_21 = tpu.memref_squeeze %dma_start3A_20 : memref<1x128xi32, #tpu.memory_space<vmem>> -> memref<128xi32, #tpu.memory_space<vmem>>
    %dma_start3A_22 = arith.constant 0 : i32
    %dma_start3A_23 = arith.constant 0 : i32
    %dma_start3A_24 = tpu.memref_slice %arg3[%dma_start3A_22, %dma_start3A_23] : memref<10112x128xf32, #tpu.memory_space<hbm>> -> memref<10112x128xf32, #tpu.memory_space<hbm>>
    tpu.enqueue_indirect_dma source(%dma_start3A_24 : memref<10112x128xf32, #tpu.memory_space<hbm>>) target(%arg18 : memref<128x128xf32, #tpu.memory_space<vmem>>) offsets(%dma_start3A_21 : memref<128xi32, #tpu.memory_space<vmem>>) semaphore(%arg22 : memref<!tpu.dma_semaphore, #tpu.memory_space<semaphore_mem>>)
    %dma_start3A_25 = arith.constant 0 : i32
    %dma_start3A_26 = arith.constant 0 : i32
    %dma_start3A_27 = tpu.memref_slice %arg15[%dma_start3A_25, %dma_start3A_26] : memref<80x128xi32, #tpu.memory_space<vmem>> -> memref<1x128xi32, #tpu.memory_space<vmem>>
    %dma_start3A_28 = tpu.memref_squeeze %dma_start3A_27 : memref<1x128xi32, #tpu.memory_space<vmem>> -> memref<128xi32, #tpu.memory_space<vmem>>
    %dma_start3A_29 = arith.constant 0 : i32
    %dma_start3A_30 = arith.constant 0 : i32
    %dma_start3A_31 = tpu.memref_slice %arg3[%dma_start3A_29, %dma_start3A_30] : memref<10112x128xf32, #tpu.memory_space<hbm>> -> memref<10112x128xf32, #tpu.memory_space<hbm>>
    tpu.enqueue_indirect_dma source(%dma_start3A_31 : memref<10112x128xf32, #tpu.memory_space<hbm>>) target(%arg19 : memref<128x128xf32, #tpu.memory_space<vmem>>) offsets(%dma_start3A_28 : memref<128xi32, #tpu.memory_space<vmem>>) semaphore(%arg23 : memref<!tpu.dma_semaphore, #tpu.memory_space<semaphore_mem>>)
    %scan3A = arith.constant 0 : i32
    %scan3A_32 = arith.constant 80 : i32
    %scan3A_33 = arith.addi %scan3A, %scan3A_32 : i32
    %scan3A_34 = arith.constant 1 : i32
    scf.for %scan3A_59 = %scan3A to %scan3A_33 step %scan3A_34  : i32 {
      %mul3A_60 = arith.constant 1 : i32
      %mul3A_61 = arith.muli %scan3A_59, %mul3A_60 : i32
      %add3A_62 = arith.constant 0 : i32
      %add3A_63 = arith.addi %add3A_62, %mul3A_61 : i32
      %dma_wait3A_64 = arith.constant 0 : i32
      %dma_wait3A_65 = tpu.memref_slice %arg12[%add3A_63, %dma_wait3A_64] : memref<80x128xi32, #tpu.memory_space<vmem>> -> memref<1x128xi32, #tpu.memory_space<vmem>>
      %dma_wait3A_66 = tpu.memref_squeeze %dma_wait3A_65 : memref<1x128xi32, #tpu.memory_space<vmem>> -> memref<128xi32, #tpu.memory_space<vmem>>
      %dma_wait3A_67 = arith.constant 0 : i32
      %dma_wait3A_68 = arith.constant 0 : i32
      %dma_wait3A_69 = tpu.memref_slice %arg2[%dma_wait3A_67, %dma_wait3A_68] : memref<10112x128xf32, #tpu.memory_space<hbm>> -> memref<10112x128xf32, #tpu.memory_space<hbm>>
      tpu.wait_indirect_dma semaphore(%arg20 : memref<!tpu.dma_semaphore, #tpu.memory_space<semaphore_mem>>) src(%dma_wait3A_69 : memref<10112x128xf32, #tpu.memory_space<hbm>>) dst(%arg16 : memref<128x128xf32, #tpu.memory_space<vmem>>)
      %mul3A_70 = arith.constant 128 : i32
      %mul3A_71 = arith.muli %add3A_63, %mul3A_70 : i32
      %add3A_72 = arith.addi %mul3A_4, %mul3A_71 : i32
      %dma_start3A_73 = arith.constant 0 : i32
      %dma_start3A_74 = tpu.memref_slice %arg8[%add3A_72, %dma_start3A_73] : memref<327680x128xf32, #tpu.memory_space<hbm>> -> memref<128x128xf32, #tpu.memory_space<hbm>>
      %dma_start3A_75 = arith.constant 0 : i32
      %dma_start3A_76 = tpu.memref_slice %arg8[%add3A_72, %dma_start3A_75] : memref<327680x128xf32, #tpu.memory_space<hbm>> -> memref<128x128xf32, #tpu.memory_space<hbm>>
      tpu.enqueue_dma source(%arg16 : memref<128x128xf32, #tpu.memory_space<vmem>>) target(%dma_start3A_76 : memref<128x128xf32, #tpu.memory_space<hbm>>) target_semaphore(%arg24 : memref<!tpu.dma_semaphore, #tpu.memory_space<semaphore_mem>>)
      %dma_wait3A_77 = arith.constant 0 : i32
      %dma_wait3A_78 = tpu.memref_slice %arg13[%add3A_63, %dma_wait3A_77] : memref<80x128xi32, #tpu.memory_space<vmem>> -> memref<1x128xi32, #tpu.memory_space<vmem>>
      %dma_wait3A_79 = tpu.memref_squeeze %dma_wait3A_78 : memref<1x128xi32, #tpu.memory_space<vmem>> -> memref<128xi32, #tpu.memory_space<vmem>>
      %dma_wait3A_80 = arith.constant 0 : i32
      %dma_wait3A_81 = arith.constant 0 : i32
      %dma_wait3A_82 = tpu.memref_slice %arg3[%dma_wait3A_80, %dma_wait3A_81] : memref<10112x128xf32, #tpu.memory_space<hbm>> -> memref<10112x128xf32, #tpu.memory_space<hbm>>
      tpu.wait_indirect_dma semaphore(%arg21 : memref<!tpu.dma_semaphore, #tpu.memory_space<semaphore_mem>>) src(%dma_wait3A_82 : memref<10112x128xf32, #tpu.memory_space<hbm>>) dst(%arg17 : memref<128x128xf32, #tpu.memory_space<vmem>>)
      %mul3A_83 = arith.constant 128 : i32
      %mul3A_84 = arith.muli %add3A_63, %mul3A_83 : i32
      %add3A_85 = arith.addi %mul3A_4, %mul3A_84 : i32
      %dma_start3A_86 = arith.constant 0 : i32
      %dma_start3A_87 = tpu.memref_slice %arg9[%add3A_85, %dma_start3A_86] : memref<327680x128xf32, #tpu.memory_space<hbm>> -> memref<128x128xf32, #tpu.memory_space<hbm>>
      %dma_start3A_88 = arith.constant 0 : i32
      %dma_start3A_89 = tpu.memref_slice %arg9[%add3A_85, %dma_start3A_88] : memref<327680x128xf32, #tpu.memory_space<hbm>> -> memref<128x128xf32, #tpu.memory_space<hbm>>
      tpu.enqueue_dma source(%arg17 : memref<128x128xf32, #tpu.memory_space<vmem>>) target(%dma_start3A_89 : memref<128x128xf32, #tpu.memory_space<hbm>>) target_semaphore(%arg25 : memref<!tpu.dma_semaphore, #tpu.memory_space<semaphore_mem>>)
      %dma_wait3A_90 = arith.constant 0 : i32
      %dma_wait3A_91 = tpu.memref_slice %arg14[%add3A_63, %dma_wait3A_90] : memref<80x128xi32, #tpu.memory_space<vmem>> -> memref<1x128xi32, #tpu.memory_space<vmem>>
      %dma_wait3A_92 = tpu.memref_squeeze %dma_wait3A_91 : memref<1x128xi32, #tpu.memory_space<vmem>> -> memref<128xi32, #tpu.memory_space<vmem>>
      %dma_wait3A_93 = arith.constant 0 : i32
      %dma_wait3A_94 = arith.constant 0 : i32
      %dma_wait3A_95 = tpu.memref_slice %arg3[%dma_wait3A_93, %dma_wait3A_94] : memref<10112x128xf32, #tpu.memory_space<hbm>> -> memref<10112x128xf32, #tpu.memory_space<hbm>>
      tpu.wait_indirect_dma semaphore(%arg22 : memref<!tpu.dma_semaphore, #tpu.memory_space<semaphore_mem>>) src(%dma_wait3A_95 : memref<10112x128xf32, #tpu.memory_space<hbm>>) dst(%arg18 : memref<128x128xf32, #tpu.memory_space<vmem>>)
      %mul3A_96 = arith.constant 128 : i32
      %mul3A_97 = arith.muli %add3A_63, %mul3A_96 : i32
      %add3A_98 = arith.addi %mul3A_4, %mul3A_97 : i32
      %dma_start3A_99 = arith.constant 0 : i32
      %dma_start3A_100 = tpu.memref_slice %arg10[%add3A_98, %dma_start3A_99] : memref<327680x128xf32, #tpu.memory_space<hbm>> -> memref<128x128xf32, #tpu.memory_space<hbm>>
      %dma_start3A_101 = arith.constant 0 : i32
      %dma_start3A_102 = tpu.memref_slice %arg10[%add3A_98, %dma_start3A_101] : memref<327680x128xf32, #tpu.memory_space<hbm>> -> memref<128x128xf32, #tpu.memory_space<hbm>>
      tpu.enqueue_dma source(%arg18 : memref<128x128xf32, #tpu.memory_space<vmem>>) target(%dma_start3A_102 : memref<128x128xf32, #tpu.memory_space<hbm>>) target_semaphore(%arg26 : memref<!tpu.dma_semaphore, #tpu.memory_space<semaphore_mem>>)
      %dma_wait3A_103 = arith.constant 0 : i32
      %dma_wait3A_104 = tpu.memref_slice %arg15[%add3A_63, %dma_wait3A_103] : memref<80x128xi32, #tpu.memory_space<vmem>> -> memref<1x128xi32, #tpu.memory_space<vmem>>
      %dma_wait3A_105 = tpu.memref_squeeze %dma_wait3A_104 : memref<1x128xi32, #tpu.memory_space<vmem>> -> memref<128xi32, #tpu.memory_space<vmem>>
      %dma_wait3A_106 = arith.constant 0 : i32
      %dma_wait3A_107 = arith.constant 0 : i32
      %dma_wait3A_108 = tpu.memref_slice %arg3[%dma_wait3A_106, %dma_wait3A_107] : memref<10112x128xf32, #tpu.memory_space<hbm>> -> memref<10112x128xf32, #tpu.memory_space<hbm>>
      tpu.wait_indirect_dma semaphore(%arg23 : memref<!tpu.dma_semaphore, #tpu.memory_space<semaphore_mem>>) src(%dma_wait3A_108 : memref<10112x128xf32, #tpu.memory_space<hbm>>) dst(%arg19 : memref<128x128xf32, #tpu.memory_space<vmem>>)
      %mul3A_109 = arith.constant 128 : i32
      %mul3A_110 = arith.muli %add3A_63, %mul3A_109 : i32
      %add3A_111 = arith.addi %mul3A_4, %mul3A_110 : i32
      %dma_start3A_112 = arith.constant 0 : i32
      %dma_start3A_113 = tpu.memref_slice %arg11[%add3A_111, %dma_start3A_112] : memref<327680x128xf32, #tpu.memory_space<hbm>> -> memref<128x128xf32, #tpu.memory_space<hbm>>
      %dma_start3A_114 = arith.constant 0 : i32
      %dma_start3A_115 = tpu.memref_slice %arg11[%add3A_111, %dma_start3A_114] : memref<327680x128xf32, #tpu.memory_space<hbm>> -> memref<128x128xf32, #tpu.memory_space<hbm>>
      tpu.enqueue_dma source(%arg19 : memref<128x128xf32, #tpu.memory_space<vmem>>) target(%dma_start3A_115 : memref<128x128xf32, #tpu.memory_space<hbm>>) target_semaphore(%arg27 : memref<!tpu.dma_semaphore, #tpu.memory_space<semaphore_mem>>)
      %add3A_116 = arith.constant 1 : i32
      %add3A_117 = arith.addi %add3A_63, %add3A_116 : i32
      %lt3A = arith.constant 80 : i32
      %lt3A_118 = arith.cmpi slt, %add3A_117, %lt3A : i32
      %convert_element_type3A = arith.extui %lt3A_118 : i1 to i32
      %cond3A = arith.constant 0 : i32
      %cond3A_119 = arith.cmpi ne, %convert_element_type3A, %cond3A : i32
      scf.if %cond3A_119 {
        %mul3A_120 = arith.constant 128 : i32
        %mul3A_121 = arith.muli %add3A_63, %mul3A_120 : i32
        %add3A_122 = arith.addi %mul3A_4, %mul3A_121 : i32
        %dma_wait3A_123 = arith.constant 0 : i32
        %dma_wait3A_124 = tpu.memref_slice %arg8[%add3A_122, %dma_wait3A_123] : memref<327680x128xf32, #tpu.memory_space<hbm>> -> memref<128x128xf32, #tpu.memory_space<hbm>>
        %dma_wait3A_125 = arith.constant 0 : i32
        %dma_wait3A_126 = tpu.memref_slice %arg8[%add3A_122, %dma_wait3A_125] : memref<327680x128xf32, #tpu.memory_space<hbm>> -> memref<128x128xf32, #tpu.memory_space<hbm>>
        tpu.wait_dma2 semaphore(%arg24 : memref<!tpu.dma_semaphore, #tpu.memory_space<semaphore_mem>>) src(%arg16 : memref<128x128xf32, #tpu.memory_space<vmem>>) dst(%dma_wait3A_126 : memref<128x128xf32, #tpu.memory_space<hbm>>)
        %add3A_127 = arith.constant 1 : i32
        %add3A_128 = arith.addi %add3A_63, %add3A_127 : i32
        %dma_start3A_129 = arith.constant 0 : i32
        %dma_start3A_130 = tpu.memref_slice %arg12[%add3A_128, %dma_start3A_129] : memref<80x128xi32, #tpu.memory_space<vmem>> -> memref<1x128xi32, #tpu.memory_space<vmem>>
        %dma_start3A_131 = tpu.memref_squeeze %dma_start3A_130 : memref<1x128xi32, #tpu.memory_space<vmem>> -> memref<128xi32, #tpu.memory_space<vmem>>
        %dma_start3A_132 = arith.constant 0 : i32
        %dma_start3A_133 = arith.constant 0 : i32
        %dma_start3A_134 = tpu.memref_slice %arg2[%dma_start3A_132, %dma_start3A_133] : memref<10112x128xf32, #tpu.memory_space<hbm>> -> memref<10112x128xf32, #tpu.memory_space<hbm>>
        tpu.enqueue_indirect_dma source(%dma_start3A_134 : memref<10112x128xf32, #tpu.memory_space<hbm>>) target(%arg16 : memref<128x128xf32, #tpu.memory_space<vmem>>) offsets(%dma_start3A_131 : memref<128xi32, #tpu.memory_space<vmem>>) semaphore(%arg20 : memref<!tpu.dma_semaphore, #tpu.memory_space<semaphore_mem>>)
        %mul3A_135 = arith.constant 128 : i32
        %mul3A_136 = arith.muli %add3A_63, %mul3A_135 : i32
        %add3A_137 = arith.addi %mul3A_4, %mul3A_136 : i32
        %dma_wait3A_138 = arith.constant 0 : i32
        %dma_wait3A_139 = tpu.memref_slice %arg9[%add3A_137, %dma_wait3A_138] : memref<327680x128xf32, #tpu.memory_space<hbm>> -> memref<128x128xf32, #tpu.memory_space<hbm>>
        %dma_wait3A_140 = arith.constant 0 : i32
        %dma_wait3A_141 = tpu.memref_slice %arg9[%add3A_137, %dma_wait3A_140] : memref<327680x128xf32, #tpu.memory_space<hbm>> -> memref<128x128xf32, #tpu.memory_space<hbm>>
        tpu.wait_dma2 semaphore(%arg25 : memref<!tpu.dma_semaphore, #tpu.memory_space<semaphore_mem>>) src(%arg17 : memref<128x128xf32, #tpu.memory_space<vmem>>) dst(%dma_wait3A_141 : memref<128x128xf32, #tpu.memory_space<hbm>>)
        %add3A_142 = arith.constant 1 : i32
        %add3A_143 = arith.addi %add3A_63, %add3A_142 : i32
        %dma_start3A_144 = arith.constant 0 : i32
        %dma_start3A_145 = tpu.memref_slice %arg13[%add3A_143, %dma_start3A_144] : memref<80x128xi32, #tpu.memory_space<vmem>> -> memref<1x128xi32, #tpu.memory_space<vmem>>
        %dma_start3A_146 = tpu.memref_squeeze %dma_start3A_145 : memref<1x128xi32, #tpu.memory_space<vmem>> -> memref<128xi32, #tpu.memory_space<vmem>>
        %dma_start3A_147 = arith.constant 0 : i32
        %dma_start3A_148 = arith.constant 0 : i32
        %dma_start3A_149 = tpu.memref_slice %arg3[%dma_start3A_147, %dma_start3A_148] : memref<10112x128xf32, #tpu.memory_space<hbm>> -> memref<10112x128xf32, #tpu.memory_space<hbm>>
        tpu.enqueue_indirect_dma source(%dma_start3A_149 : memref<10112x128xf32, #tpu.memory_space<hbm>>) target(%arg17 : memref<128x128xf32, #tpu.memory_space<vmem>>) offsets(%dma_start3A_146 : memref<128xi32, #tpu.memory_space<vmem>>) semaphore(%arg21 : memref<!tpu.dma_semaphore, #tpu.memory_space<semaphore_mem>>)
        %mul3A_150 = arith.constant 128 : i32
        %mul3A_151 = arith.muli %add3A_63, %mul3A_150 : i32
        %add3A_152 = arith.addi %mul3A_4, %mul3A_151 : i32
        %dma_wait3A_153 = arith.constant 0 : i32
        %dma_wait3A_154 = tpu.memref_slice %arg10[%add3A_152, %dma_wait3A_153] : memref<327680x128xf32, #tpu.memory_space<hbm>> -> memref<128x128xf32, #tpu.memory_space<hbm>>
        %dma_wait3A_155 = arith.constant 0 : i32
        %dma_wait3A_156 = tpu.memref_slice %arg10[%add3A_152, %dma_wait3A_155] : memref<327680x128xf32, #tpu.memory_space<hbm>> -> memref<128x128xf32, #tpu.memory_space<hbm>>
        tpu.wait_dma2 semaphore(%arg26 : memref<!tpu.dma_semaphore, #tpu.memory_space<semaphore_mem>>) src(%arg18 : memref<128x128xf32, #tpu.memory_space<vmem>>) dst(%dma_wait3A_156 : memref<128x128xf32, #tpu.memory_space<hbm>>)
        %add3A_157 = arith.constant 1 : i32
        %add3A_158 = arith.addi %add3A_63, %add3A_157 : i32
        %dma_start3A_159 = arith.constant 0 : i32
        %dma_start3A_160 = tpu.memref_slice %arg14[%add3A_158, %dma_start3A_159] : memref<80x128xi32, #tpu.memory_space<vmem>> -> memref<1x128xi32, #tpu.memory_space<vmem>>
        %dma_start3A_161 = tpu.memref_squeeze %dma_start3A_160 : memref<1x128xi32, #tpu.memory_space<vmem>> -> memref<128xi32, #tpu.memory_space<vmem>>
        %dma_start3A_162 = arith.constant 0 : i32
        %dma_start3A_163 = arith.constant 0 : i32
        %dma_start3A_164 = tpu.memref_slice %arg3[%dma_start3A_162, %dma_start3A_163] : memref<10112x128xf32, #tpu.memory_space<hbm>> -> memref<10112x128xf32, #tpu.memory_space<hbm>>
        tpu.enqueue_indirect_dma source(%dma_start3A_164 : memref<10112x128xf32, #tpu.memory_space<hbm>>) target(%arg18 : memref<128x128xf32, #tpu.memory_space<vmem>>) offsets(%dma_start3A_161 : memref<128xi32, #tpu.memory_space<vmem>>) semaphore(%arg22 : memref<!tpu.dma_semaphore, #tpu.memory_space<semaphore_mem>>)
        %mul3A_165 = arith.constant 128 : i32
        %mul3A_166 = arith.muli %add3A_63, %mul3A_165 : i32
        %add3A_167 = arith.addi %mul3A_4, %mul3A_166 : i32
        %dma_wait3A_168 = arith.constant 0 : i32
        %dma_wait3A_169 = tpu.memref_slice %arg11[%add3A_167, %dma_wait3A_168] : memref<327680x128xf32, #tpu.memory_space<hbm>> -> memref<128x128xf32, #tpu.memory_space<hbm>>
        %dma_wait3A_170 = arith.constant 0 : i32
        %dma_wait3A_171 = tpu.memref_slice %arg11[%add3A_167, %dma_wait3A_170] : memref<327680x128xf32, #tpu.memory_space<hbm>> -> memref<128x128xf32, #tpu.memory_space<hbm>>
        tpu.wait_dma2 semaphore(%arg27 : memref<!tpu.dma_semaphore, #tpu.memory_space<semaphore_mem>>) src(%arg19 : memref<128x128xf32, #tpu.memory_space<vmem>>) dst(%dma_wait3A_171 : memref<128x128xf32, #tpu.memory_space<hbm>>)
        %add3A_172 = arith.constant 1 : i32
        %add3A_173 = arith.addi %add3A_63, %add3A_172 : i32
        %dma_start3A_174 = arith.constant 0 : i32
        %dma_start3A_175 = tpu.memref_slice %arg15[%add3A_173, %dma_start3A_174] : memref<80x128xi32, #tpu.memory_space<vmem>> -> memref<1x128xi32, #tpu.memory_space<vmem>>
        %dma_start3A_176 = tpu.memref_squeeze %dma_start3A_175 : memref<1x128xi32, #tpu.memory_space<vmem>> -> memref<128xi32, #tpu.memory_space<vmem>>
        %dma_start3A_177 = arith.constant 0 : i32
        %dma_start3A_178 = arith.constant 0 : i32
        %dma_start3A_179 = tpu.memref_slice %arg3[%dma_start3A_177, %dma_start3A_178] : memref<10112x128xf32, #tpu.memory_space<hbm>> -> memref<10112x128xf32, #tpu.memory_space<hbm>>
        tpu.enqueue_indirect_dma source(%dma_start3A_179 : memref<10112x128xf32, #tpu.memory_space<hbm>>) target(%arg19 : memref<128x128xf32, #tpu.memory_space<vmem>>) offsets(%dma_start3A_176 : memref<128xi32, #tpu.memory_space<vmem>>) semaphore(%arg23 : memref<!tpu.dma_semaphore, #tpu.memory_space<semaphore_mem>>)
      } else {
      }
    }
    %scan3A_35 = arith.constant 80 : i32
    %add3A_36 = arith.constant 10112 : i32
    %add3A_37 = arith.addi %mul3A_4, %add3A_36 : i32
    %dma_wait3A = arith.constant 0 : i32
    %dma_wait3A_38 = tpu.memref_slice %arg8[%add3A_37, %dma_wait3A] : memref<327680x128xf32, #tpu.memory_space<hbm>> -> memref<128x128xf32, #tpu.memory_space<hbm>>
    %dma_wait3A_39 = arith.constant 0 : i32
    %dma_wait3A_40 = tpu.memref_slice %arg8[%add3A_37, %dma_wait3A_39] : memref<327680x128xf32, #tpu.memory_space<hbm>> -> memref<128x128xf32, #tpu.memory_space<hbm>>
    tpu.wait_dma2 semaphore(%arg24 : memref<!tpu.dma_semaphore, #tpu.memory_space<semaphore_mem>>) src(%arg16 : memref<128x128xf32, #tpu.memory_space<vmem>>) dst(%dma_wait3A_40 : memref<128x128xf32, #tpu.memory_space<hbm>>)
    %add3A_41 = arith.constant 10112 : i32
    %add3A_42 = arith.addi %mul3A_4, %add3A_41 : i32
    %dma_wait3A_43 = arith.constant 0 : i32
    %dma_wait3A_44 = tpu.memref_slice %arg9[%add3A_42, %dma_wait3A_43] : memref<327680x128xf32, #tpu.memory_space<hbm>> -> memref<128x128xf32, #tpu.memory_space<hbm>>
    %dma_wait3A_45 = arith.constant 0 : i32
    %dma_wait3A_46 = tpu.memref_slice %arg9[%add3A_42, %dma_wait3A_45] : memref<327680x128xf32, #tpu.memory_space<hbm>> -> memref<128x128xf32, #tpu.memory_space<hbm>>
    tpu.wait_dma2 semaphore(%arg25 : memref<!tpu.dma_semaphore, #tpu.memory_space<semaphore_mem>>) src(%arg17 : memref<128x128xf32, #tpu.memory_space<vmem>>) dst(%dma_wait3A_46 : memref<128x128xf32, #tpu.memory_space<hbm>>)
    %add3A_47 = arith.constant 10112 : i32
    %add3A_48 = arith.addi %mul3A_4, %add3A_47 : i32
    %dma_wait3A_49 = arith.constant 0 : i32
    %dma_wait3A_50 = tpu.memref_slice %arg10[%add3A_48, %dma_wait3A_49] : memref<327680x128xf32, #tpu.memory_space<hbm>> -> memref<128x128xf32, #tpu.memory_space<hbm>>
    %dma_wait3A_51 = arith.constant 0 : i32
    %dma_wait3A_52 = tpu.memref_slice %arg10[%add3A_48, %dma_wait3A_51] : memref<327680x128xf32, #tpu.memory_space<hbm>> -> memref<128x128xf32, #tpu.memory_space<hbm>>
    tpu.wait_dma2 semaphore(%arg26 : memref<!tpu.dma_semaphore, #tpu.memory_space<semaphore_mem>>) src(%arg18 : memref<128x128xf32, #tpu.memory_space<vmem>>) dst(%dma_wait3A_52 : memref<128x128xf32, #tpu.memory_space<hbm>>)
    %add3A_53 = arith.constant 10112 : i32
    %add3A_54 = arith.addi %mul3A_4, %add3A_53 : i32
    %dma_wait3A_55 = arith.constant 0 : i32
    %dma_wait3A_56 = tpu.memref_slice %arg11[%add3A_54, %dma_wait3A_55] : memref<327680x128xf32, #tpu.memory_space<hbm>> -> memref<128x128xf32, #tpu.memory_space<hbm>>
    %dma_wait3A_57 = arith.constant 0 : i32
    %dma_wait3A_58 = tpu.memref_slice %arg11[%add3A_54, %dma_wait3A_57] : memref<327680x128xf32, #tpu.memory_space<hbm>> -> memref<128x128xf32, #tpu.memory_space<hbm>>
    tpu.wait_dma2 semaphore(%arg27 : memref<!tpu.dma_semaphore, #tpu.memory_space<semaphore_mem>>) src(%arg19 : memref<128x128xf32, #tpu.memory_space<vmem>>) dst(%dma_wait3A_58 : memref<128x128xf32, #tpu.memory_space<hbm>>)
    return
  }
}

#map = affine_map<(d0, d1) -> (0, 0, 0)>
#map1 = affine_map<(d0, d1) -> (0)>
#map2 = affine_map<(d0, d1) -> (0, 0)>
module attributes {stable_mosaic.version = 14 : i64} {
  func.func @_sc_degree_hist(%arg0: i32, %arg1: i32, %arg2: memref<32x80x128xi32, #tpu.memory_space<hbm>>, %arg3: memref<10112xf32, #tpu.memory_space<hbm>>, %arg4: memref<32x10112xf32, #tpu.memory_space<hbm>>, %arg5: memref<80x128xi32, #tpu.memory_space<vmem>>, %arg6: memref<10112xf32, #tpu.memory_space<vmem>>) attributes {dimension_semantics = [#tpu.dimension_semantics<core_parallel>, #tpu.dimension_semantics<subcore_parallel>], iteration_bounds = array<i64: 2, 16>, scalar_prefetch = 0 : i64, scratch_operands = 2 : i64, tpu.core_type = #tpu.core_type<sc_vector_subcore>, window_params = [{transform_indices = #map}, {transform_indices = #map1}, {transform_indices = #map2}]} {
    %mul3A = arith.constant 2 : i32
    %mul3A_0 = arith.muli %arg1, %mul3A : i32
    %add3A = arith.addi %mul3A_0, %arg0 : i32
    "tpu.region"() ({
      %run_scoped3A = tpu.sem_alloc : memref<!tpu.dma_semaphore, #tpu.memory_space<semaphore_mem>>
      tpu.enqueue_dma source(%arg3 : memref<10112xf32, #tpu.memory_space<hbm>>) target(%arg6 : memref<10112xf32, #tpu.memory_space<vmem>>) target_semaphore(%run_scoped3A : memref<!tpu.dma_semaphore, #tpu.memory_space<semaphore_mem>>)
      tpu.wait_dma2 semaphore(%run_scoped3A : memref<!tpu.dma_semaphore, #tpu.memory_space<semaphore_mem>>) src(%arg3 : memref<10112xf32, #tpu.memory_space<hbm>>) dst(%arg6 : memref<10112xf32, #tpu.memory_space<vmem>>)
      tpu.yield
    }) : () -> ()
    "tpu.region"() ({
      %run_scoped3A = tpu.sem_alloc : memref<!tpu.dma_semaphore, #tpu.memory_space<semaphore_mem>>
      %dma_start3A = arith.constant 0 : i32
      %dma_start3A_6 = arith.constant 0 : i32
      %dma_start3A_7 = tpu.memref_slice %arg2[%add3A, %dma_start3A, %dma_start3A_6] : memref<32x80x128xi32, #tpu.memory_space<hbm>> -> memref<1x80x128xi32, #tpu.memory_space<hbm>>
      %dma_start3A_8 = tpu.memref_squeeze %dma_start3A_7 : memref<1x80x128xi32, #tpu.memory_space<hbm>> -> memref<80x128xi32, #tpu.memory_space<hbm>>
      %dma_start3A_9 = arith.constant 0 : i32
      %dma_start3A_10 = arith.constant 0 : i32
      %dma_start3A_11 = tpu.memref_slice %arg2[%add3A, %dma_start3A_9, %dma_start3A_10] : memref<32x80x128xi32, #tpu.memory_space<hbm>> -> memref<1x80x128xi32, #tpu.memory_space<hbm>>
      %dma_start3A_12 = tpu.memref_squeeze %dma_start3A_11 : memref<1x80x128xi32, #tpu.memory_space<hbm>> -> memref<80x128xi32, #tpu.memory_space<hbm>>
      tpu.enqueue_dma source(%dma_start3A_12 : memref<80x128xi32, #tpu.memory_space<hbm>>) target(%arg5 : memref<80x128xi32, #tpu.memory_space<vmem>>) target_semaphore(%run_scoped3A : memref<!tpu.dma_semaphore, #tpu.memory_space<semaphore_mem>>)
      %dma_wait3A = arith.constant 0 : i32
      %dma_wait3A_13 = arith.constant 0 : i32
      %dma_wait3A_14 = tpu.memref_slice %arg2[%add3A, %dma_wait3A, %dma_wait3A_13] : memref<32x80x128xi32, #tpu.memory_space<hbm>> -> memref<1x80x128xi32, #tpu.memory_space<hbm>>
      %dma_wait3A_15 = tpu.memref_squeeze %dma_wait3A_14 : memref<1x80x128xi32, #tpu.memory_space<hbm>> -> memref<80x128xi32, #tpu.memory_space<hbm>>
      %dma_wait3A_16 = arith.constant 0 : i32
      %dma_wait3A_17 = arith.constant 0 : i32
      %dma_wait3A_18 = tpu.memref_slice %arg2[%add3A, %dma_wait3A_16, %dma_wait3A_17] : memref<32x80x128xi32, #tpu.memory_space<hbm>> -> memref<1x80x128xi32, #tpu.memory_space<hbm>>
      %dma_wait3A_19 = tpu.memref_squeeze %dma_wait3A_18 : memref<1x80x128xi32, #tpu.memory_space<hbm>> -> memref<80x128xi32, #tpu.memory_space<hbm>>
      tpu.wait_dma2 semaphore(%run_scoped3A : memref<!tpu.dma_semaphore, #tpu.memory_space<semaphore_mem>>) src(%dma_wait3A_19 : memref<80x128xi32, #tpu.memory_space<hbm>>) dst(%arg5 : memref<80x128xi32, #tpu.memory_space<vmem>>)
      tpu.yield
    }) : () -> ()
    %broadcast_in_dim3A = arith.constant 1.000000e+00 : f32
    %broadcast_in_dim3A_1 = vector.broadcast %broadcast_in_dim3A : f32 to vector<16xf32>
    %scan3A = arith.constant 0 : i32
    %scan3A_2 = arith.constant 80 : i32
    %scan3A_3 = arith.addi %scan3A, %scan3A_2 : i32
    %scan3A_4 = arith.constant 1 : i32
    scf.for %scan3A_6 = %scan3A to %scan3A_3 step %scan3A_4  : i32 {
      %mul3A_7 = arith.constant 1 : i32
      %mul3A_8 = arith.muli %scan3A_6, %mul3A_7 : i32
      %add3A_9 = arith.constant 0 : i32
      %add3A_10 = arith.addi %add3A_9, %mul3A_8 : i32
      %scan3A_11 = arith.constant 0 : i32
      %scan3A_12 = arith.constant 8 : i32
      %scan3A_13 = arith.addi %scan3A_11, %scan3A_12 : i32
      %scan3A_14 = arith.constant 1 : i32
      scf.for %scan3A_16 = %scan3A_11 to %scan3A_13 step %scan3A_14  : i32 {
        %mul3A_17 = arith.constant 16 : i32
        %mul3A_18 = arith.muli %scan3A_16, %mul3A_17 : i32
        %add3A_19 = arith.constant 0 : i32
        %add3A_20 = arith.addi %add3A_19, %mul3A_18 : i32
        %get3A = arith.index_cast %add3A_10 : i32 to index
        %get3A_21 = arith.index_cast %add3A_20 : i32 to index
        %get3A_22 = tpu.vector_load %arg5[%get3A, %get3A_21] {strides = array<i32>} : memref<80x128xi32, #tpu.memory_space<vmem>>, vector<16xi32>,
        tpu.vector_store_idx %arg6[%get3A_22], %broadcast_in_dim3A_1 {add = true} : memref<10112xf32, #tpu.memory_space<vmem>>[vector<16xi32>], vector<16xf32>,
      }
      %scan3A_15 = arith.constant 8 : i32
    }
    %scan3A_5 = arith.constant 80 : i32
    "tpu.region"() ({
      %run_scoped3A = tpu.sem_alloc : memref<!tpu.dma_semaphore, #tpu.memory_space<semaphore_mem>>
      %dma_start3A = arith.constant 0 : i32
      %dma_start3A_6 = tpu.memref_slice %arg4[%add3A, %dma_start3A] : memref<32x10112xf32, #tpu.memory_space<hbm>> -> memref<1x10112xf32, #tpu.memory_space<hbm>>
      %dma_start3A_7 = tpu.memref_squeeze %dma_start3A_6 : memref<1x10112xf32, #tpu.memory_space<hbm>> -> memref<10112xf32, #tpu.memory_space<hbm>>
      %dma_start3A_8 = arith.constant 0 : i32
      %dma_start3A_9 = tpu.memref_slice %arg4[%add3A, %dma_start3A_8] : memref<32x10112xf32, #tpu.memory_space<hbm>> -> memref<1x10112xf32, #tpu.memory_space<hbm>>
      %dma_start3A_10 = tpu.memref_squeeze %dma_start3A_9 : memref<1x10112xf32, #tpu.memory_space<hbm>> -> memref<10112xf32, #tpu.memory_space<hbm>>
      tpu.enqueue_dma source(%arg6 : memref<10112xf32, #tpu.memory_space<vmem>>) target(%dma_start3A_10 : memref<10112xf32, #tpu.memory_space<hbm>>) target_semaphore(%run_scoped3A : memref<!tpu.dma_semaphore, #tpu.memory_space<semaphore_mem>>)
      %dma_wait3A = arith.constant 0 : i32
      %dma_wait3A_11 = tpu.memref_slice %arg4[%add3A, %dma_wait3A] : memref<32x10112xf32, #tpu.memory_space<hbm>> -> memref<1x10112xf32, #tpu.memory_space<hbm>>
      %dma_wait3A_12 = tpu.memref_squeeze %dma_wait3A_11 : memref<1x10112xf32, #tpu.memory_space<hbm>> -> memref<10112xf32, #tpu.memory_space<hbm>>
      %dma_wait3A_13 = arith.constant 0 : i32
      %dma_wait3A_14 = tpu.memref_slice %arg4[%add3A, %dma_wait3A_13] : memref<32x10112xf32, #tpu.memory_space<hbm>> -> memref<1x10112xf32, #tpu.memory_space<hbm>>
      %dma_wait3A_15 = tpu.memref_squeeze %dma_wait3A_14 : memref<1x10112xf32, #tpu.memory_space<hbm>> -> memref<10112xf32, #tpu.memory_space<hbm>>
      tpu.wait_dma2 semaphore(%run_scoped3A : memref<!tpu.dma_semaphore, #tpu.memory_space<semaphore_mem>>) src(%arg6 : memref<10112xf32, #tpu.memory_space<vmem>>) dst(%dma_wait3A_15 : memref<10112xf32, #tpu.memory_space<hbm>>)
      tpu.yield
    }) : () -> ()
    return
  }
}

#map = affine_map<(d0, d1) -> (0, 0)>
#map1 = affine_map<(d0, d1) -> (0, 0, 0)>
module attributes {stable_mosaic.version = 14 : i64} {
  func.func @_sc_scatter_add(%arg0: i32, %arg1: i32, %arg2: memref<10000x128xf32, #tpu.memory_space<hbm>>, %arg3: memref<32x80x128xi32, #tpu.memory_space<hbm>>, %arg4: memref<32x80x128xi32, #tpu.memory_space<hbm>>, %arg5: memref<10112x128xf32, #tpu.memory_space<hbm>>, %arg6: memref<2x10112x128xf32, #tpu.memory_space<hbm>>, %arg7: memref<40x128xi32, #tpu.memory_space<vmem>>, %arg8: memref<40x128xi32, #tpu.memory_space<vmem>>, %arg9: memref<128x128xf32, #tpu.memory_space<vmem>>, %arg10: memref<128x128xf32, #tpu.memory_space<vmem>>, %arg11: memref<!tpu.dma_semaphore, #tpu.memory_space<semaphore_mem>>, %arg12: memref<!tpu.dma_semaphore, #tpu.memory_space<semaphore_mem>>, %arg13: memref<!tpu.dma_semaphore, #tpu.memory_space<semaphore_mem>>, %arg14: memref<!tpu.dma_semaphore, #tpu.memory_space<semaphore_mem>>, %arg15: memref<10112x128xf32, #tpu.memory_space<vmem_shared>>) attributes {dimension_semantics = [#tpu.dimension_semantics<core_parallel>, #tpu.dimension_semantics<subcore_parallel>], iteration_bounds = array<i64: 2, 16>, scalar_prefetch = 0 : i64, scratch_operands = 9 : i64, tpu.core_type = #tpu.core_type<sc_vector_subcore>, window_params = [{transform_indices = #map}, {transform_indices = #map1}, {transform_indices = #map1}, {transform_indices = #map}, {transform_indices = #map1}]} {
    %mul3A = arith.constant 2 : i32
    %mul3A_0 = arith.muli %arg1, %mul3A : i32
    %add3A = arith.addi %mul3A_0, %arg0 : i32
    %mul3A_1 = arith.constant 632 : i32
    %mul3A_2 = arith.muli %arg1, %mul3A_1 : i32
    %mul3A_3 = arith.constant 632 : i32
    %mul3A_4 = arith.muli %arg1, %mul3A_3 : i32
    "tpu.region"() ({
      %run_scoped3A = tpu.sem_alloc : memref<!tpu.dma_semaphore, #tpu.memory_space<semaphore_mem>>
      %dma_start3A_73 = arith.constant 0 : i32
      %dma_start3A_74 = tpu.memref_slice %arg15[%mul3A_4, %dma_start3A_73] : memref<10112x128xf32, #tpu.memory_space<vmem_shared>> -> memref<632x128xf32, #tpu.memory_space<vmem_shared>>
      %dma_start3A_75 = arith.constant 0 : i32
      %dma_start3A_76 = tpu.memref_slice %arg5[%mul3A_2, %dma_start3A_75] : memref<10112x128xf32, #tpu.memory_space<hbm>> -> memref<632x128xf32, #tpu.memory_space<hbm>>
      tpu.enqueue_dma source(%dma_start3A_76 : memref<632x128xf32, #tpu.memory_space<hbm>>) target(%dma_start3A_74 : memref<632x128xf32, #tpu.memory_space<vmem_shared>>) target_semaphore(%run_scoped3A : memref<!tpu.dma_semaphore, #tpu.memory_space<semaphore_mem>>)
      %dma_wait3A_77 = arith.constant 0 : i32
      %dma_wait3A_78 = tpu.memref_slice %arg15[%mul3A_4, %dma_wait3A_77] : memref<10112x128xf32, #tpu.memory_space<vmem_shared>> -> memref<632x128xf32, #tpu.memory_space<vmem_shared>>
      %dma_wait3A_79 = arith.constant 0 : i32
      %dma_wait3A_80 = tpu.memref_slice %arg5[%mul3A_2, %dma_wait3A_79] : memref<10112x128xf32, #tpu.memory_space<hbm>> -> memref<632x128xf32, #tpu.memory_space<hbm>>
      tpu.wait_dma2 semaphore(%run_scoped3A : memref<!tpu.dma_semaphore, #tpu.memory_space<semaphore_mem>>) src(%dma_wait3A_80 : memref<632x128xf32, #tpu.memory_space<hbm>>) dst(%dma_wait3A_78 : memref<632x128xf32, #tpu.memory_space<vmem_shared>>)
      tpu.yield
    }) : () -> ()
    %barrier3A = arith.constant 0 : index
    tpu.barrier barrier_id(%barrier3A)
    "tpu.region"() ({
      %run_scoped3A = tpu.sem_alloc : memref<!tpu.dma_semaphore, #tpu.memory_space<semaphore_mem>>
      %dma_start3A_73 = arith.constant 0 : i32
      %dma_start3A_74 = arith.constant 0 : i32
      %dma_start3A_75 = tpu.memref_slice %arg3[%add3A, %dma_start3A_73, %dma_start3A_74] : memref<32x80x128xi32, #tpu.memory_space<hbm>> -> memref<1x40x128xi32, #tpu.memory_space<hbm>>
      %dma_start3A_76 = tpu.memref_squeeze %dma_start3A_75 : memref<1x40x128xi32, #tpu.memory_space<hbm>> -> memref<40x128xi32, #tpu.memory_space<hbm>>
      %dma_start3A_77 = arith.constant 0 : i32
      %dma_start3A_78 = arith.constant 0 : i32
      %dma_start3A_79 = tpu.memref_slice %arg3[%add3A, %dma_start3A_77, %dma_start3A_78] : memref<32x80x128xi32, #tpu.memory_space<hbm>> -> memref<1x40x128xi32, #tpu.memory_space<hbm>>
      %dma_start3A_80 = tpu.memref_squeeze %dma_start3A_79 : memref<1x40x128xi32, #tpu.memory_space<hbm>> -> memref<40x128xi32, #tpu.memory_space<hbm>>
      tpu.enqueue_dma source(%dma_start3A_80 : memref<40x128xi32, #tpu.memory_space<hbm>>) target(%arg7 : memref<40x128xi32, #tpu.memory_space<vmem>>) target_semaphore(%run_scoped3A : memref<!tpu.dma_semaphore, #tpu.memory_space<semaphore_mem>>)
      %dma_wait3A_81 = arith.constant 0 : i32
      %dma_wait3A_82 = arith.constant 0 : i32
      %dma_wait3A_83 = tpu.memref_slice %arg3[%add3A, %dma_wait3A_81, %dma_wait3A_82] : memref<32x80x128xi32, #tpu.memory_space<hbm>> -> memref<1x40x128xi32, #tpu.memory_space<hbm>>
      %dma_wait3A_84 = tpu.memref_squeeze %dma_wait3A_83 : memref<1x40x128xi32, #tpu.memory_space<hbm>> -> memref<40x128xi32, #tpu.memory_space<hbm>>
      %dma_wait3A_85 = arith.constant 0 : i32
      %dma_wait3A_86 = arith.constant 0 : i32
      %dma_wait3A_87 = tpu.memref_slice %arg3[%add3A, %dma_wait3A_85, %dma_wait3A_86] : memref<32x80x128xi32, #tpu.memory_space<hbm>> -> memref<1x40x128xi32, #tpu.memory_space<hbm>>
      %dma_wait3A_88 = tpu.memref_squeeze %dma_wait3A_87 : memref<1x40x128xi32, #tpu.memory_space<hbm>> -> memref<40x128xi32, #tpu.memory_space<hbm>>
      tpu.wait_dma2 semaphore(%run_scoped3A : memref<!tpu.dma_semaphore, #tpu.memory_space<semaphore_mem>>) src(%dma_wait3A_88 : memref<40x128xi32, #tpu.memory_space<hbm>>) dst(%arg7 : memref<40x128xi32, #tpu.memory_space<vmem>>)
      tpu.yield
    }) : () -> ()
    "tpu.region"() ({
      %run_scoped3A = tpu.sem_alloc : memref<!tpu.dma_semaphore, #tpu.memory_space<semaphore_mem>>
      %dma_start3A_73 = arith.constant 0 : i32
      %dma_start3A_74 = arith.constant 0 : i32
      %dma_start3A_75 = tpu.memref_slice %arg4[%add3A, %dma_start3A_73, %dma_start3A_74] : memref<32x80x128xi32, #tpu.memory_space<hbm>> -> memref<1x40x128xi32, #tpu.memory_space<hbm>>
      %dma_start3A_76 = tpu.memref_squeeze %dma_start3A_75 : memref<1x40x128xi32, #tpu.memory_space<hbm>> -> memref<40x128xi32, #tpu.memory_space<hbm>>
      %dma_start3A_77 = arith.constant 0 : i32
      %dma_start3A_78 = arith.constant 0 : i32
      %dma_start3A_79 = tpu.memref_slice %arg4[%add3A, %dma_start3A_77, %dma_start3A_78] : memref<32x80x128xi32, #tpu.memory_space<hbm>> -> memref<1x40x128xi32, #tpu.memory_space<hbm>>
      %dma_start3A_80 = tpu.memref_squeeze %dma_start3A_79 : memref<1x40x128xi32, #tpu.memory_space<hbm>> -> memref<40x128xi32, #tpu.memory_space<hbm>>
      tpu.enqueue_dma source(%dma_start3A_80 : memref<40x128xi32, #tpu.memory_space<hbm>>) target(%arg8 : memref<40x128xi32, #tpu.memory_space<vmem>>) target_semaphore(%run_scoped3A : memref<!tpu.dma_semaphore, #tpu.memory_space<semaphore_mem>>)
      %dma_wait3A_81 = arith.constant 0 : i32
      %dma_wait3A_82 = arith.constant 0 : i32
      %dma_wait3A_83 = tpu.memref_slice %arg4[%add3A, %dma_wait3A_81, %dma_wait3A_82] : memref<32x80x128xi32, #tpu.memory_space<hbm>> -> memref<1x40x128xi32, #tpu.memory_space<hbm>>
      %dma_wait3A_84 = tpu.memref_squeeze %dma_wait3A_83 : memref<1x40x128xi32, #tpu.memory_space<hbm>> -> memref<40x128xi32, #tpu.memory_space<hbm>>
      %dma_wait3A_85 = arith.constant 0 : i32
      %dma_wait3A_86 = arith.constant 0 : i32
      %dma_wait3A_87 = tpu.memref_slice %arg4[%add3A, %dma_wait3A_85, %dma_wait3A_86] : memref<32x80x128xi32, #tpu.memory_space<hbm>> -> memref<1x40x128xi32, #tpu.memory_space<hbm>>
      %dma_wait3A_88 = tpu.memref_squeeze %dma_wait3A_87 : memref<1x40x128xi32, #tpu.memory_space<hbm>> -> memref<40x128xi32, #tpu.memory_space<hbm>>
      tpu.wait_dma2 semaphore(%run_scoped3A : memref<!tpu.dma_semaphore, #tpu.memory_space<semaphore_mem>>) src(%dma_wait3A_88 : memref<40x128xi32, #tpu.memory_space<hbm>>) dst(%arg8 : memref<40x128xi32, #tpu.memory_space<vmem>>)
      tpu.yield
    }) : () -> ()
    %dma_start3A = arith.constant 0 : i32
    %dma_start3A_5 = arith.constant 0 : i32
    %dma_start3A_6 = tpu.memref_slice %arg7[%dma_start3A, %dma_start3A_5] : memref<40x128xi32, #tpu.memory_space<vmem>> -> memref<1x128xi32, #tpu.memory_space<vmem>>
    %dma_start3A_7 = tpu.memref_squeeze %dma_start3A_6 : memref<1x128xi32, #tpu.memory_space<vmem>> -> memref<128xi32, #tpu.memory_space<vmem>>
    %dma_start3A_8 = arith.constant 0 : i32
    %dma_start3A_9 = arith.constant 0 : i32
    %dma_start3A_10 = tpu.memref_slice %arg2[%dma_start3A_8, %dma_start3A_9] : memref<10000x128xf32, #tpu.memory_space<hbm>> -> memref<10000x128xf32, #tpu.memory_space<hbm>>
    tpu.enqueue_indirect_dma source(%dma_start3A_10 : memref<10000x128xf32, #tpu.memory_space<hbm>>) target(%arg9 : memref<128x128xf32, #tpu.memory_space<vmem>>) offsets(%dma_start3A_7 : memref<128xi32, #tpu.memory_space<vmem>>) semaphore(%arg11 : memref<!tpu.dma_semaphore, #tpu.memory_space<semaphore_mem>>)
    %dma_start3A_11 = arith.constant 1 : i32
    %dma_start3A_12 = arith.constant 0 : i32
    %dma_start3A_13 = tpu.memref_slice %arg7[%dma_start3A_11, %dma_start3A_12] : memref<40x128xi32, #tpu.memory_space<vmem>> -> memref<1x128xi32, #tpu.memory_space<vmem>>
    %dma_start3A_14 = tpu.memref_squeeze %dma_start3A_13 : memref<1x128xi32, #tpu.memory_space<vmem>> -> memref<128xi32, #tpu.memory_space<vmem>>
    %dma_start3A_15 = arith.constant 0 : i32
    %dma_start3A_16 = arith.constant 0 : i32
    %dma_start3A_17 = tpu.memref_slice %arg2[%dma_start3A_15, %dma_start3A_16] : memref<10000x128xf32, #tpu.memory_space<hbm>> -> memref<10000x128xf32, #tpu.memory_space<hbm>>
    tpu.enqueue_indirect_dma source(%dma_start3A_17 : memref<10000x128xf32, #tpu.memory_space<hbm>>) target(%arg10 : memref<128x128xf32, #tpu.memory_space<vmem>>) offsets(%dma_start3A_14 : memref<128xi32, #tpu.memory_space<vmem>>) semaphore(%arg12 : memref<!tpu.dma_semaphore, #tpu.memory_space<semaphore_mem>>)
    %scan3A = arith.constant 0 : i32
    %scan3A_18 = arith.constant 20 : i32
    %scan3A_19 = arith.addi %scan3A, %scan3A_18 : i32
    %scan3A_20 = arith.constant 1 : i32
    scf.for %scan3A_73 = %scan3A to %scan3A_19 step %scan3A_20  : i32 {
      %mul3A_74 = arith.constant 2 : i32
      %mul3A_75 = arith.muli %scan3A_73, %mul3A_74 : i32
      %add3A_76 = arith.constant 0 : i32
      %add3A_77 = arith.addi %add3A_76, %mul3A_75 : i32
      %add3A_78 = arith.constant 0 : i32
      %add3A_79 = arith.addi %add3A_77, %add3A_78 : i32
      %dma_wait3A_80 = arith.constant 0 : i32
      %dma_wait3A_81 = tpu.memref_slice %arg7[%add3A_79, %dma_wait3A_80] : memref<40x128xi32, #tpu.memory_space<vmem>> -> memref<1x128xi32, #tpu.memory_space<vmem>>
      %dma_wait3A_82 = tpu.memref_squeeze %dma_wait3A_81 : memref<1x128xi32, #tpu.memory_space<vmem>> -> memref<128xi32, #tpu.memory_space<vmem>>
      %dma_wait3A_83 = arith.constant 0 : i32
      %dma_wait3A_84 = arith.constant 0 : i32
      %dma_wait3A_85 = tpu.memref_slice %arg2[%dma_wait3A_83, %dma_wait3A_84] : memref<10000x128xf32, #tpu.memory_space<hbm>> -> memref<10000x128xf32, #tpu.memory_space<hbm>>
      tpu.wait_indirect_dma semaphore(%arg11 : memref<!tpu.dma_semaphore, #tpu.memory_space<semaphore_mem>>) src(%dma_wait3A_85 : memref<10000x128xf32, #tpu.memory_space<hbm>>) dst(%arg9 : memref<128x128xf32, #tpu.memory_space<vmem>>)
      %add3A_86 = arith.constant 0 : i32
      %add3A_87 = arith.addi %add3A_77, %add3A_86 : i32
      %dma_start3A_88 = arith.constant 0 : i32
      %dma_start3A_89 = tpu.memref_slice %arg8[%add3A_87, %dma_start3A_88] : memref<40x128xi32, #tpu.memory_space<vmem>> -> memref<1x128xi32, #tpu.memory_space<vmem>>
      %dma_start3A_90 = tpu.memref_squeeze %dma_start3A_89 : memref<1x128xi32, #tpu.memory_space<vmem>> -> memref<128xi32, #tpu.memory_space<vmem>>
      %dma_start3A_91 = arith.constant 0 : i32
      %dma_start3A_92 = arith.constant 0 : i32
      %dma_start3A_93 = tpu.memref_slice %arg15[%dma_start3A_91, %dma_start3A_92] : memref<10112x128xf32, #tpu.memory_space<vmem_shared>> -> memref<10112x128xf32, #tpu.memory_space<vmem_shared>>
      tpu.enqueue_indirect_dma source(%arg9 : memref<128x128xf32, #tpu.memory_space<vmem>>) target(%dma_start3A_93 : memref<10112x128xf32, #tpu.memory_space<vmem_shared>>) offsets(%dma_start3A_90 : memref<128xi32, #tpu.memory_space<vmem>>) semaphore(%arg13 : memref<!tpu.dma_semaphore, #tpu.memory_space<semaphore_mem>>) {add = true}
      %add3A_94 = arith.constant 1 : i32
      %add3A_95 = arith.addi %add3A_77, %add3A_94 : i32
      %dma_wait3A_96 = arith.constant 0 : i32
      %dma_wait3A_97 = tpu.memref_slice %arg7[%add3A_95, %dma_wait3A_96] : memref<40x128xi32, #tpu.memory_space<vmem>> -> memref<1x128xi32, #tpu.memory_space<vmem>>
      %dma_wait3A_98 = tpu.memref_squeeze %dma_wait3A_97 : memref<1x128xi32, #tpu.memory_space<vmem>> -> memref<128xi32, #tpu.memory_space<vmem>>
      %dma_wait3A_99 = arith.constant 0 : i32
      %dma_wait3A_100 = arith.constant 0 : i32
      %dma_wait3A_101 = tpu.memref_slice %arg2[%dma_wait3A_99, %dma_wait3A_100] : memref<10000x128xf32, #tpu.memory_space<hbm>> -> memref<10000x128xf32, #tpu.memory_space<hbm>>
      tpu.wait_indirect_dma semaphore(%arg12 : memref<!tpu.dma_semaphore, #tpu.memory_space<semaphore_mem>>) src(%dma_wait3A_101 : memref<10000x128xf32, #tpu.memory_space<hbm>>) dst(%arg10 : memref<128x128xf32, #tpu.memory_space<vmem>>)
      %add3A_102 = arith.constant 1 : i32
      %add3A_103 = arith.addi %add3A_77, %add3A_102 : i32
      %dma_start3A_104 = arith.constant 0 : i32
      %dma_start3A_105 = tpu.memref_slice %arg8[%add3A_103, %dma_start3A_104] : memref<40x128xi32, #tpu.memory_space<vmem>> -> memref<1x128xi32, #tpu.memory_space<vmem>>
      %dma_start3A_106 = tpu.memref_squeeze %dma_start3A_105 : memref<1x128xi32, #tpu.memory_space<vmem>> -> memref<128xi32, #tpu.memory_space<vmem>>
      %dma_start3A_107 = arith.constant 0 : i32
      %dma_start3A_108 = arith.constant 0 : i32
      %dma_start3A_109 = tpu.memref_slice %arg15[%dma_start3A_107, %dma_start3A_108] : memref<10112x128xf32, #tpu.memory_space<vmem_shared>> -> memref<10112x128xf32, #tpu.memory_space<vmem_shared>>
      tpu.enqueue_indirect_dma source(%arg10 : memref<128x128xf32, #tpu.memory_space<vmem>>) target(%dma_start3A_109 : memref<10112x128xf32, #tpu.memory_space<vmem_shared>>) offsets(%dma_start3A_106 : memref<128xi32, #tpu.memory_space<vmem>>) semaphore(%arg14 : memref<!tpu.dma_semaphore, #tpu.memory_space<semaphore_mem>>) {add = true}
      %add3A_110 = arith.constant 2 : i32
      %add3A_111 = arith.addi %add3A_77, %add3A_110 : i32
      %lt3A = arith.constant 40 : i32
      %lt3A_112 = arith.cmpi slt, %add3A_111, %lt3A : i32
      %convert_element_type3A = arith.extui %lt3A_112 : i1 to i32
      %cond3A = arith.constant 0 : i32
      %cond3A_113 = arith.cmpi ne, %convert_element_type3A, %cond3A : i32
      scf.if %cond3A_113 {
        %add3A_114 = arith.constant 0 : i32
        %add3A_115 = arith.addi %add3A_77, %add3A_114 : i32
        %dma_wait3A_116 = arith.constant 0 : i32
        %dma_wait3A_117 = tpu.memref_slice %arg8[%add3A_115, %dma_wait3A_116] : memref<40x128xi32, #tpu.memory_space<vmem>> -> memref<1x128xi32, #tpu.memory_space<vmem>>
        %dma_wait3A_118 = tpu.memref_squeeze %dma_wait3A_117 : memref<1x128xi32, #tpu.memory_space<vmem>> -> memref<128xi32, #tpu.memory_space<vmem>>
        %dma_wait3A_119 = arith.constant 0 : i32
        %dma_wait3A_120 = arith.constant 0 : i32
        %dma_wait3A_121 = tpu.memref_slice %arg15[%dma_wait3A_119, %dma_wait3A_120] : memref<10112x128xf32, #tpu.memory_space<vmem_shared>> -> memref<10112x128xf32, #tpu.memory_space<vmem_shared>>
        tpu.wait_indirect_dma semaphore(%arg13 : memref<!tpu.dma_semaphore, #tpu.memory_space<semaphore_mem>>) src(%arg9 : memref<128x128xf32, #tpu.memory_space<vmem>>) dst(%dma_wait3A_121 : memref<10112x128xf32, #tpu.memory_space<vmem_shared>>)
        %add3A_122 = arith.constant 2 : i32
        %add3A_123 = arith.addi %add3A_77, %add3A_122 : i32
        %add3A_124 = arith.constant 0 : i32
        %add3A_125 = arith.addi %add3A_123, %add3A_124 : i32
        %dma_start3A_126 = arith.constant 0 : i32
        %dma_start3A_127 = tpu.memref_slice %arg7[%add3A_125, %dma_start3A_126] : memref<40x128xi32, #tpu.memory_space<vmem>> -> memref<1x128xi32, #tpu.memory_space<vmem>>
        %dma_start3A_128 = tpu.memref_squeeze %dma_start3A_127 : memref<1x128xi32, #tpu.memory_space<vmem>> -> memref<128xi32, #tpu.memory_space<vmem>>
        %dma_start3A_129 = arith.constant 0 : i32
        %dma_start3A_130 = arith.constant 0 : i32
        %dma_start3A_131 = tpu.memref_slice %arg2[%dma_start3A_129, %dma_start3A_130] : memref<10000x128xf32, #tpu.memory_space<hbm>> -> memref<10000x128xf32, #tpu.memory_space<hbm>>
        tpu.enqueue_indirect_dma source(%dma_start3A_131 : memref<10000x128xf32, #tpu.memory_space<hbm>>) target(%arg9 : memref<128x128xf32, #tpu.memory_space<vmem>>) offsets(%dma_start3A_128 : memref<128xi32, #tpu.memory_space<vmem>>) semaphore(%arg11 : memref<!tpu.dma_semaphore, #tpu.memory_space<semaphore_mem>>)
        %add3A_132 = arith.constant 1 : i32
        %add3A_133 = arith.addi %add3A_77, %add3A_132 : i32
        %dma_wait3A_134 = arith.constant 0 : i32
        %dma_wait3A_135 = tpu.memref_slice %arg8[%add3A_133, %dma_wait3A_134] : memref<40x128xi32, #tpu.memory_space<vmem>> -> memref<1x128xi32, #tpu.memory_space<vmem>>
        %dma_wait3A_136 = tpu.memref_squeeze %dma_wait3A_135 : memref<1x128xi32, #tpu.memory_space<vmem>> -> memref<128xi32, #tpu.memory_space<vmem>>
        %dma_wait3A_137 = arith.constant 0 : i32
        %dma_wait3A_138 = arith.constant 0 : i32
        %dma_wait3A_139 = tpu.memref_slice %arg15[%dma_wait3A_137, %dma_wait3A_138] : memref<10112x128xf32, #tpu.memory_space<vmem_shared>> -> memref<10112x128xf32, #tpu.memory_space<vmem_shared>>
        tpu.wait_indirect_dma semaphore(%arg14 : memref<!tpu.dma_semaphore, #tpu.memory_space<semaphore_mem>>) src(%arg10 : memref<128x128xf32, #tpu.memory_space<vmem>>) dst(%dma_wait3A_139 : memref<10112x128xf32, #tpu.memory_space<vmem_shared>>)
        %add3A_140 = arith.constant 2 : i32
        %add3A_141 = arith.addi %add3A_77, %add3A_140 : i32
        %add3A_142 = arith.constant 1 : i32
        %add3A_143 = arith.addi %add3A_141, %add3A_142 : i32
        %dma_start3A_144 = arith.constant 0 : i32
        %dma_start3A_145 = tpu.memref_slice %arg7[%add3A_143, %dma_start3A_144] : memref<40x128xi32, #tpu.memory_space<vmem>> -> memref<1x128xi32, #tpu.memory_space<vmem>>
        %dma_start3A_146 = tpu.memref_squeeze %dma_start3A_145 : memref<1x128xi32, #tpu.memory_space<vmem>> -> memref<128xi32, #tpu.memory_space<vmem>>
        %dma_start3A_147 = arith.constant 0 : i32
        %dma_start3A_148 = arith.constant 0 : i32
        %dma_start3A_149 = tpu.memref_slice %arg2[%dma_start3A_147, %dma_start3A_148] : memref<10000x128xf32, #tpu.memory_space<hbm>> -> memref<10000x128xf32, #tpu.memory_space<hbm>>
        tpu.enqueue_indirect_dma source(%dma_start3A_149 : memref<10000x128xf32, #tpu.memory_space<hbm>>) target(%arg10 : memref<128x128xf32, #tpu.memory_space<vmem>>) offsets(%dma_start3A_146 : memref<128xi32, #tpu.memory_space<vmem>>) semaphore(%arg12 : memref<!tpu.dma_semaphore, #tpu.memory_space<semaphore_mem>>)
      } else {
      }
    }
    %scan3A_21 = arith.constant 20 : i32
    %dma_wait3A = arith.constant 38 : i32
    %dma_wait3A_22 = arith.constant 0 : i32
    %dma_wait3A_23 = tpu.memref_slice %arg8[%dma_wait3A, %dma_wait3A_22] : memref<40x128xi32, #tpu.memory_space<vmem>> -> memref<1x128xi32, #tpu.memory_space<vmem>>
    %dma_wait3A_24 = tpu.memref_squeeze %dma_wait3A_23 : memref<1x128xi32, #tpu.memory_space<vmem>> -> memref<128xi32, #tpu.memory_space<vmem>>
    %dma_wait3A_25 = arith.constant 0 : i32
    %dma_wait3A_26 = arith.constant 0 : i32
    %dma_wait3A_27 = tpu.memref_slice %arg15[%dma_wait3A_25, %dma_wait3A_26] : memref<10112x128xf32, #tpu.memory_space<vmem_shared>> -> memref<10112x128xf32, #tpu.memory_space<vmem_shared>>
    tpu.wait_indirect_dma semaphore(%arg13 : memref<!tpu.dma_semaphore, #tpu.memory_space<semaphore_mem>>) src(%arg9 : memref<128x128xf32, #tpu.memory_space<vmem>>) dst(%dma_wait3A_27 : memref<10112x128xf32, #tpu.memory_space<vmem_shared>>)
    %dma_wait3A_28 = arith.constant 39 : i32
    %dma_wait3A_29 = arith.constant 0 : i32
    %dma_wait3A_30 = tpu.memref_slice %arg8[%dma_wait3A_28, %dma_wait3A_29] : memref<40x128xi32, #tpu.memory_space<vmem>> -> memref<1x128xi32, #tpu.memory_space<vmem>>
    %dma_wait3A_31 = tpu.memref_squeeze %dma_wait3A_30 : memref<1x128xi32, #tpu.memory_space<vmem>> -> memref<128xi32, #tpu.memory_space<vmem>>
    %dma_wait3A_32 = arith.constant 0 : i32
    %dma_wait3A_33 = arith.constant 0 : i32
    %dma_wait3A_34 = tpu.memref_slice %arg15[%dma_wait3A_32, %dma_wait3A_33] : memref<10112x128xf32, #tpu.memory_space<vmem_shared>> -> memref<10112x128xf32, #tpu.memory_space<vmem_shared>>
    tpu.wait_indirect_dma semaphore(%arg14 : memref<!tpu.dma_semaphore, #tpu.memory_space<semaphore_mem>>) src(%arg10 : memref<128x128xf32, #tpu.memory_space<vmem>>) dst(%dma_wait3A_34 : memref<10112x128xf32, #tpu.memory_space<vmem_shared>>)
    "tpu.region"() ({
      %run_scoped3A = tpu.sem_alloc : memref<!tpu.dma_semaphore, #tpu.memory_space<semaphore_mem>>
      %dma_start3A_73 = arith.constant 40 : i32
      %dma_start3A_74 = arith.constant 0 : i32
      %dma_start3A_75 = tpu.memref_slice %arg3[%add3A, %dma_start3A_73, %dma_start3A_74] : memref<32x80x128xi32, #tpu.memory_space<hbm>> -> memref<1x40x128xi32, #tpu.memory_space<hbm>>
      %dma_start3A_76 = tpu.memref_squeeze %dma_start3A_75 : memref<1x40x128xi32, #tpu.memory_space<hbm>> -> memref<40x128xi32, #tpu.memory_space<hbm>>
      %dma_start3A_77 = arith.constant 40 : i32
      %dma_start3A_78 = arith.constant 0 : i32
      %dma_start3A_79 = tpu.memref_slice %arg3[%add3A, %dma_start3A_77, %dma_start3A_78] : memref<32x80x128xi32, #tpu.memory_space<hbm>> -> memref<1x40x128xi32, #tpu.memory_space<hbm>>
      %dma_start3A_80 = tpu.memref_squeeze %dma_start3A_79 : memref<1x40x128xi32, #tpu.memory_space<hbm>> -> memref<40x128xi32, #tpu.memory_space<hbm>>
      tpu.enqueue_dma source(%dma_start3A_80 : memref<40x128xi32, #tpu.memory_space<hbm>>) target(%arg7 : memref<40x128xi32, #tpu.memory_space<vmem>>) target_semaphore(%run_scoped3A : memref<!tpu.dma_semaphore, #tpu.memory_space<semaphore_mem>>)
      %dma_wait3A_81 = arith.constant 40 : i32
      %dma_wait3A_82 = arith.constant 0 : i32
      %dma_wait3A_83 = tpu.memref_slice %arg3[%add3A, %dma_wait3A_81, %dma_wait3A_82] : memref<32x80x128xi32, #tpu.memory_space<hbm>> -> memref<1x40x128xi32, #tpu.memory_space<hbm>>
      %dma_wait3A_84 = tpu.memref_squeeze %dma_wait3A_83 : memref<1x40x128xi32, #tpu.memory_space<hbm>> -> memref<40x128xi32, #tpu.memory_space<hbm>>
      %dma_wait3A_85 = arith.constant 40 : i32
      %dma_wait3A_86 = arith.constant 0 : i32
      %dma_wait3A_87 = tpu.memref_slice %arg3[%add3A, %dma_wait3A_85, %dma_wait3A_86] : memref<32x80x128xi32, #tpu.memory_space<hbm>> -> memref<1x40x128xi32, #tpu.memory_space<hbm>>
      %dma_wait3A_88 = tpu.memref_squeeze %dma_wait3A_87 : memref<1x40x128xi32, #tpu.memory_space<hbm>> -> memref<40x128xi32, #tpu.memory_space<hbm>>
      tpu.wait_dma2 semaphore(%run_scoped3A : memref<!tpu.dma_semaphore, #tpu.memory_space<semaphore_mem>>) src(%dma_wait3A_88 : memref<40x128xi32, #tpu.memory_space<hbm>>) dst(%arg7 : memref<40x128xi32, #tpu.memory_space<vmem>>)
      tpu.yield
    }) : () -> ()
    "tpu.region"() ({
      %run_scoped3A = tpu.sem_alloc : memref<!tpu.dma_semaphore, #tpu.memory_space<semaphore_mem>>
      %dma_start3A_73 = arith.constant 40 : i32
      %dma_start3A_74 = arith.constant 0 : i32
      %dma_start3A_75 = tpu.memref_slice %arg4[%add3A, %dma_start3A_73, %dma_start3A_74] : memref<32x80x128xi32, #tpu.memory_space<hbm>> -> memref<1x40x128xi32, #tpu.memory_space<hbm>>
      %dma_start3A_76 = tpu.memref_squeeze %dma_start3A_75 : memref<1x40x128xi32, #tpu.memory_space<hbm>> -> memref<40x128xi32, #tpu.memory_space<hbm>>
      %dma_start3A_77 = arith.constant 40 : i32
      %dma_start3A_78 = arith.constant 0 : i32
      %dma_start3A_79 = tpu.memref_slice %arg4[%add3A, %dma_start3A_77, %dma_start3A_78] : memref<32x80x128xi32, #tpu.memory_space<hbm>> -> memref<1x40x128xi32, #tpu.memory_space<hbm>>
      %dma_start3A_80 = tpu.memref_squeeze %dma_start3A_79 : memref<1x40x128xi32, #tpu.memory_space<hbm>> -> memref<40x128xi32, #tpu.memory_space<hbm>>
      tpu.enqueue_dma source(%dma_start3A_80 : memref<40x128xi32, #tpu.memory_space<hbm>>) target(%arg8 : memref<40x128xi32, #tpu.memory_space<vmem>>) target_semaphore(%run_scoped3A : memref<!tpu.dma_semaphore, #tpu.memory_space<semaphore_mem>>)
      %dma_wait3A_81 = arith.constant 40 : i32
      %dma_wait3A_82 = arith.constant 0 : i32
      %dma_wait3A_83 = tpu.memref_slice %arg4[%add3A, %dma_wait3A_81, %dma_wait3A_82] : memref<32x80x128xi32, #tpu.memory_space<hbm>> -> memref<1x40x128xi32, #tpu.memory_space<hbm>>
      %dma_wait3A_84 = tpu.memref_squeeze %dma_wait3A_83 : memref<1x40x128xi32, #tpu.memory_space<hbm>> -> memref<40x128xi32, #tpu.memory_space<hbm>>
      %dma_wait3A_85 = arith.constant 40 : i32
      %dma_wait3A_86 = arith.constant 0 : i32
      %dma_wait3A_87 = tpu.memref_slice %arg4[%add3A, %dma_wait3A_85, %dma_wait3A_86] : memref<32x80x128xi32, #tpu.memory_space<hbm>> -> memref<1x40x128xi32, #tpu.memory_space<hbm>>
      %dma_wait3A_88 = tpu.memref_squeeze %dma_wait3A_87 : memref<1x40x128xi32, #tpu.memory_space<hbm>> -> memref<40x128xi32, #tpu.memory_space<hbm>>
      tpu.wait_dma2 semaphore(%run_scoped3A : memref<!tpu.dma_semaphore, #tpu.memory_space<semaphore_mem>>) src(%dma_wait3A_88 : memref<40x128xi32, #tpu.memory_space<hbm>>) dst(%arg8 : memref<40x128xi32, #tpu.memory_space<vmem>>)
      tpu.yield
    }) : () -> ()
    %dma_start3A_35 = arith.constant 0 : i32
    %dma_start3A_36 = arith.constant 0 : i32
    %dma_start3A_37 = tpu.memref_slice %arg7[%dma_start3A_35, %dma_start3A_36] : memref<40x128xi32, #tpu.memory_space<vmem>> -> memref<1x128xi32, #tpu.memory_space<vmem>>
    %dma_start3A_38 = tpu.memref_squeeze %dma_start3A_37 : memref<1x128xi32, #tpu.memory_space<vmem>> -> memref<128xi32, #tpu.memory_space<vmem>>
    %dma_start3A_39 = arith.constant 0 : i32
    %dma_start3A_40 = arith.constant 0 : i32
    %dma_start3A_41 = tpu.memref_slice %arg2[%dma_start3A_39, %dma_start3A_40] : memref<10000x128xf32, #tpu.memory_space<hbm>> -> memref<10000x128xf32, #tpu.memory_space<hbm>>
    tpu.enqueue_indirect_dma source(%dma_start3A_41 : memref<10000x128xf32, #tpu.memory_space<hbm>>) target(%arg9 : memref<128x128xf32, #tpu.memory_space<vmem>>) offsets(%dma_start3A_38 : memref<128xi32, #tpu.memory_space<vmem>>) semaphore(%arg11 : memref<!tpu.dma_semaphore, #tpu.memory_space<semaphore_mem>>)
    %dma_start3A_42 = arith.constant 1 : i32
    %dma_start3A_43 = arith.constant 0 : i32
    %dma_start3A_44 = tpu.memref_slice %arg7[%dma_start3A_42, %dma_start3A_43] : memref<40x128xi32, #tpu.memory_space<vmem>> -> memref<1x128xi32, #tpu.memory_space<vmem>>
    %dma_start3A_45 = tpu.memref_squeeze %dma_start3A_44 : memref<1x128xi32, #tpu.memory_space<vmem>> -> memref<128xi32, #tpu.memory_space<vmem>>
    %dma_start3A_46 = arith.constant 0 : i32
    %dma_start3A_47 = arith.constant 0 : i32
    %dma_start3A_48 = tpu.memref_slice %arg2[%dma_start3A_46, %dma_start3A_47] : memref<10000x128xf32, #tpu.memory_space<hbm>> -> memref<10000x128xf32, #tpu.memory_space<hbm>>
    tpu.enqueue_indirect_dma source(%dma_start3A_48 : memref<10000x128xf32, #tpu.memory_space<hbm>>) target(%arg10 : memref<128x128xf32, #tpu.memory_space<vmem>>) offsets(%dma_start3A_45 : memref<128xi32, #tpu.memory_space<vmem>>) semaphore(%arg12 : memref<!tpu.dma_semaphore, #tpu.memory_space<semaphore_mem>>)
    %scan3A_49 = arith.constant 0 : i32
    %scan3A_50 = arith.constant 20 : i32
    %scan3A_51 = arith.addi %scan3A_49, %scan3A_50 : i32
    %scan3A_52 = arith.constant 1 : i32
    scf.for %scan3A_73 = %scan3A_49 to %scan3A_51 step %scan3A_52  : i32 {
      %mul3A_74 = arith.constant 2 : i32
      %mul3A_75 = arith.muli %scan3A_73, %mul3A_74 : i32
      %add3A_76 = arith.constant 0 : i32
      %add3A_77 = arith.addi %add3A_76, %mul3A_75 : i32
      %add3A_78 = arith.constant 0 : i32
      %add3A_79 = arith.addi %add3A_77, %add3A_78 : i32
      %dma_wait3A_80 = arith.constant 0 : i32
      %dma_wait3A_81 = tpu.memref_slice %arg7[%add3A_79, %dma_wait3A_80] : memref<40x128xi32, #tpu.memory_space<vmem>> -> memref<1x128xi32, #tpu.memory_space<vmem>>
      %dma_wait3A_82 = tpu.memref_squeeze %dma_wait3A_81 : memref<1x128xi32, #tpu.memory_space<vmem>> -> memref<128xi32, #tpu.memory_space<vmem>>
      %dma_wait3A_83 = arith.constant 0 : i32
      %dma_wait3A_84 = arith.constant 0 : i32
      %dma_wait3A_85 = tpu.memref_slice %arg2[%dma_wait3A_83, %dma_wait3A_84] : memref<10000x128xf32, #tpu.memory_space<hbm>> -> memref<10000x128xf32, #tpu.memory_space<hbm>>
      tpu.wait_indirect_dma semaphore(%arg11 : memref<!tpu.dma_semaphore, #tpu.memory_space<semaphore_mem>>) src(%dma_wait3A_85 : memref<10000x128xf32, #tpu.memory_space<hbm>>) dst(%arg9 : memref<128x128xf32, #tpu.memory_space<vmem>>)
      %add3A_86 = arith.constant 0 : i32
      %add3A_87 = arith.addi %add3A_77, %add3A_86 : i32
      %dma_start3A_88 = arith.constant 0 : i32
      %dma_start3A_89 = tpu.memref_slice %arg8[%add3A_87, %dma_start3A_88] : memref<40x128xi32, #tpu.memory_space<vmem>> -> memref<1x128xi32, #tpu.memory_space<vmem>>
      %dma_start3A_90 = tpu.memref_squeeze %dma_start3A_89 : memref<1x128xi32, #tpu.memory_space<vmem>> -> memref<128xi32, #tpu.memory_space<vmem>>
      %dma_start3A_91 = arith.constant 0 : i32
      %dma_start3A_92 = arith.constant 0 : i32
      %dma_start3A_93 = tpu.memref_slice %arg15[%dma_start3A_91, %dma_start3A_92] : memref<10112x128xf32, #tpu.memory_space<vmem_shared>> -> memref<10112x128xf32, #tpu.memory_space<vmem_shared>>
      tpu.enqueue_indirect_dma source(%arg9 : memref<128x128xf32, #tpu.memory_space<vmem>>) target(%dma_start3A_93 : memref<10112x128xf32, #tpu.memory_space<vmem_shared>>) offsets(%dma_start3A_90 : memref<128xi32, #tpu.memory_space<vmem>>) semaphore(%arg13 : memref<!tpu.dma_semaphore, #tpu.memory_space<semaphore_mem>>) {add = true}
      %add3A_94 = arith.constant 1 : i32
      %add3A_95 = arith.addi %add3A_77, %add3A_94 : i32
      %dma_wait3A_96 = arith.constant 0 : i32
      %dma_wait3A_97 = tpu.memref_slice %arg7[%add3A_95, %dma_wait3A_96] : memref<40x128xi32, #tpu.memory_space<vmem>> -> memref<1x128xi32, #tpu.memory_space<vmem>>
      %dma_wait3A_98 = tpu.memref_squeeze %dma_wait3A_97 : memref<1x128xi32, #tpu.memory_space<vmem>> -> memref<128xi32, #tpu.memory_space<vmem>>
      %dma_wait3A_99 = arith.constant 0 : i32
      %dma_wait3A_100 = arith.constant 0 : i32
      %dma_wait3A_101 = tpu.memref_slice %arg2[%dma_wait3A_99, %dma_wait3A_100] : memref<10000x128xf32, #tpu.memory_space<hbm>> -> memref<10000x128xf32, #tpu.memory_space<hbm>>
      tpu.wait_indirect_dma semaphore(%arg12 : memref<!tpu.dma_semaphore, #tpu.memory_space<semaphore_mem>>) src(%dma_wait3A_101 : memref<10000x128xf32, #tpu.memory_space<hbm>>) dst(%arg10 : memref<128x128xf32, #tpu.memory_space<vmem>>)
      %add3A_102 = arith.constant 1 : i32
      %add3A_103 = arith.addi %add3A_77, %add3A_102 : i32
      %dma_start3A_104 = arith.constant 0 : i32
      %dma_start3A_105 = tpu.memref_slice %arg8[%add3A_103, %dma_start3A_104] : memref<40x128xi32, #tpu.memory_space<vmem>> -> memref<1x128xi32, #tpu.memory_space<vmem>>
      %dma_start3A_106 = tpu.memref_squeeze %dma_start3A_105 : memref<1x128xi32, #tpu.memory_space<vmem>> -> memref<128xi32, #tpu.memory_space<vmem>>
      %dma_start3A_107 = arith.constant 0 : i32
      %dma_start3A_108 = arith.constant 0 : i32
      %dma_start3A_109 = tpu.memref_slice %arg15[%dma_start3A_107, %dma_start3A_108] : memref<10112x128xf32, #tpu.memory_space<vmem_shared>> -> memref<10112x128xf32, #tpu.memory_space<vmem_shared>>
      tpu.enqueue_indirect_dma source(%arg10 : memref<128x128xf32, #tpu.memory_space<vmem>>) target(%dma_start3A_109 : memref<10112x128xf32, #tpu.memory_space<vmem_shared>>) offsets(%dma_start3A_106 : memref<128xi32, #tpu.memory_space<vmem>>) semaphore(%arg14 : memref<!tpu.dma_semaphore, #tpu.memory_space<semaphore_mem>>) {add = true}
      %add3A_110 = arith.constant 2 : i32
      %add3A_111 = arith.addi %add3A_77, %add3A_110 : i32
      %lt3A = arith.constant 40 : i32
      %lt3A_112 = arith.cmpi slt, %add3A_111, %lt3A : i32
      %convert_element_type3A = arith.extui %lt3A_112 : i1 to i32
      %cond3A = arith.constant 0 : i32
      %cond3A_113 = arith.cmpi ne, %convert_element_type3A, %cond3A : i32
      scf.if %cond3A_113 {
        %add3A_114 = arith.constant 0 : i32
        %add3A_115 = arith.addi %add3A_77, %add3A_114 : i32
        %dma_wait3A_116 = arith.constant 0 : i32
        %dma_wait3A_117 = tpu.memref_slice %arg8[%add3A_115, %dma_wait3A_116] : memref<40x128xi32, #tpu.memory_space<vmem>> -> memref<1x128xi32, #tpu.memory_space<vmem>>
        %dma_wait3A_118 = tpu.memref_squeeze %dma_wait3A_117 : memref<1x128xi32, #tpu.memory_space<vmem>> -> memref<128xi32, #tpu.memory_space<vmem>>
        %dma_wait3A_119 = arith.constant 0 : i32
        %dma_wait3A_120 = arith.constant 0 : i32
        %dma_wait3A_121 = tpu.memref_slice %arg15[%dma_wait3A_119, %dma_wait3A_120] : memref<10112x128xf32, #tpu.memory_space<vmem_shared>> -> memref<10112x128xf32, #tpu.memory_space<vmem_shared>>
        tpu.wait_indirect_dma semaphore(%arg13 : memref<!tpu.dma_semaphore, #tpu.memory_space<semaphore_mem>>) src(%arg9 : memref<128x128xf32, #tpu.memory_space<vmem>>) dst(%dma_wait3A_121 : memref<10112x128xf32, #tpu.memory_space<vmem_shared>>)
        %add3A_122 = arith.constant 2 : i32
        %add3A_123 = arith.addi %add3A_77, %add3A_122 : i32
        %add3A_124 = arith.constant 0 : i32
        %add3A_125 = arith.addi %add3A_123, %add3A_124 : i32
        %dma_start3A_126 = arith.constant 0 : i32
        %dma_start3A_127 = tpu.memref_slice %arg7[%add3A_125, %dma_start3A_126] : memref<40x128xi32, #tpu.memory_space<vmem>> -> memref<1x128xi32, #tpu.memory_space<vmem>>
        %dma_start3A_128 = tpu.memref_squeeze %dma_start3A_127 : memref<1x128xi32, #tpu.memory_space<vmem>> -> memref<128xi32, #tpu.memory_space<vmem>>
        %dma_start3A_129 = arith.constant 0 : i32
        %dma_start3A_130 = arith.constant 0 : i32
        %dma_start3A_131 = tpu.memref_slice %arg2[%dma_start3A_129, %dma_start3A_130] : memref<10000x128xf32, #tpu.memory_space<hbm>> -> memref<10000x128xf32, #tpu.memory_space<hbm>>
        tpu.enqueue_indirect_dma source(%dma_start3A_131 : memref<10000x128xf32, #tpu.memory_space<hbm>>) target(%arg9 : memref<128x128xf32, #tpu.memory_space<vmem>>) offsets(%dma_start3A_128 : memref<128xi32, #tpu.memory_space<vmem>>) semaphore(%arg11 : memref<!tpu.dma_semaphore, #tpu.memory_space<semaphore_mem>>)
        %add3A_132 = arith.constant 1 : i32
        %add3A_133 = arith.addi %add3A_77, %add3A_132 : i32
        %dma_wait3A_134 = arith.constant 0 : i32
        %dma_wait3A_135 = tpu.memref_slice %arg8[%add3A_133, %dma_wait3A_134] : memref<40x128xi32, #tpu.memory_space<vmem>> -> memref<1x128xi32, #tpu.memory_space<vmem>>
        %dma_wait3A_136 = tpu.memref_squeeze %dma_wait3A_135 : memref<1x128xi32, #tpu.memory_space<vmem>> -> memref<128xi32, #tpu.memory_space<vmem>>
        %dma_wait3A_137 = arith.constant 0 : i32
        %dma_wait3A_138 = arith.constant 0 : i32
        %dma_wait3A_139 = tpu.memref_slice %arg15[%dma_wait3A_137, %dma_wait3A_138] : memref<10112x128xf32, #tpu.memory_space<vmem_shared>> -> memref<10112x128xf32, #tpu.memory_space<vmem_shared>>
        tpu.wait_indirect_dma semaphore(%arg14 : memref<!tpu.dma_semaphore, #tpu.memory_space<semaphore_mem>>) src(%arg10 : memref<128x128xf32, #tpu.memory_space<vmem>>) dst(%dma_wait3A_139 : memref<10112x128xf32, #tpu.memory_space<vmem_shared>>)
        %add3A_140 = arith.constant 2 : i32
        %add3A_141 = arith.addi %add3A_77, %add3A_140 : i32
        %add3A_142 = arith.constant 1 : i32
        %add3A_143 = arith.addi %add3A_141, %add3A_142 : i32
        %dma_start3A_144 = arith.constant 0 : i32
        %dma_start3A_145 = tpu.memref_slice %arg7[%add3A_143, %dma_start3A_144] : memref<40x128xi32, #tpu.memory_space<vmem>> -> memref<1x128xi32, #tpu.memory_space<vmem>>
        %dma_start3A_146 = tpu.memref_squeeze %dma_start3A_145 : memref<1x128xi32, #tpu.memory_space<vmem>> -> memref<128xi32, #tpu.memory_space<vmem>>
        %dma_start3A_147 = arith.constant 0 : i32
        %dma_start3A_148 = arith.constant 0 : i32
        %dma_start3A_149 = tpu.memref_slice %arg2[%dma_start3A_147, %dma_start3A_148] : memref<10000x128xf32, #tpu.memory_space<hbm>> -> memref<10000x128xf32, #tpu.memory_space<hbm>>
        tpu.enqueue_indirect_dma source(%dma_start3A_149 : memref<10000x128xf32, #tpu.memory_space<hbm>>) target(%arg10 : memref<128x128xf32, #tpu.memory_space<vmem>>) offsets(%dma_start3A_146 : memref<128xi32, #tpu.memory_space<vmem>>) semaphore(%arg12 : memref<!tpu.dma_semaphore, #tpu.memory_space<semaphore_mem>>)
      } else {
      }
    }
    %scan3A_53 = arith.constant 20 : i32
    %dma_wait3A_54 = arith.constant 38 : i32
    %dma_wait3A_55 = arith.constant 0 : i32
    %dma_wait3A_56 = tpu.memref_slice %arg8[%dma_wait3A_54, %dma_wait3A_55] : memref<40x128xi32, #tpu.memory_space<vmem>> -> memref<1x128xi32, #tpu.memory_space<vmem>>
    %dma_wait3A_57 = tpu.memref_squeeze %dma_wait3A_56 : memref<1x128xi32, #tpu.memory_space<vmem>> -> memref<128xi32, #tpu.memory_space<vmem>>
    %dma_wait3A_58 = arith.constant 0 : i32
    %dma_wait3A_59 = arith.constant 0 : i32
    %dma_wait3A_60 = tpu.memref_slice %arg15[%dma_wait3A_58, %dma_wait3A_59] : memref<10112x128xf32, #tpu.memory_space<vmem_shared>> -> memref<10112x128xf32, #tpu.memory_space<vmem_shared>>
    tpu.wait_indirect_dma semaphore(%arg13 : memref<!tpu.dma_semaphore, #tpu.memory_space<semaphore_mem>>) src(%arg9 : memref<128x128xf32, #tpu.memory_space<vmem>>) dst(%dma_wait3A_60 : memref<10112x128xf32, #tpu.memory_space<vmem_shared>>)
    %dma_wait3A_61 = arith.constant 39 : i32
    %dma_wait3A_62 = arith.constant 0 : i32
    %dma_wait3A_63 = tpu.memref_slice %arg8[%dma_wait3A_61, %dma_wait3A_62] : memref<40x128xi32, #tpu.memory_space<vmem>> -> memref<1x128xi32, #tpu.memory_space<vmem>>
    %dma_wait3A_64 = tpu.memref_squeeze %dma_wait3A_63 : memref<1x128xi32, #tpu.memory_space<vmem>> -> memref<128xi32, #tpu.memory_space<vmem>>
    %dma_wait3A_65 = arith.constant 0 : i32
    %dma_wait3A_66 = arith.constant 0 : i32
    %dma_wait3A_67 = tpu.memref_slice %arg15[%dma_wait3A_65, %dma_wait3A_66] : memref<10112x128xf32, #tpu.memory_space<vmem_shared>> -> memref<10112x128xf32, #tpu.memory_space<vmem_shared>>
    tpu.wait_indirect_dma semaphore(%arg14 : memref<!tpu.dma_semaphore, #tpu.memory_space<semaphore_mem>>) src(%arg10 : memref<128x128xf32, #tpu.memory_space<vmem>>) dst(%dma_wait3A_67 : memref<10112x128xf32, #tpu.memory_space<vmem_shared>>)
    %barrier3A_68 = arith.constant 0 : index
    tpu.barrier barrier_id(%barrier3A_68)
    %mul3A_69 = arith.constant 632 : i32
    %mul3A_70 = arith.muli %arg1, %mul3A_69 : i32
    %mul3A_71 = arith.constant 632 : i32
    %mul3A_72 = arith.muli %arg1, %mul3A_71 : i32
    "tpu.region"() ({
      %run_scoped3A = tpu.sem_alloc : memref<!tpu.dma_semaphore, #tpu.memory_space<semaphore_mem>>
      %dma_start3A_73 = arith.constant 0 : i32
      %dma_start3A_74 = tpu.memref_slice %arg6[%arg0, %mul3A_72, %dma_start3A_73] : memref<2x10112x128xf32, #tpu.memory_space<hbm>> -> memref<1x632x128xf32, #tpu.memory_space<hbm>>
      %dma_start3A_75 = tpu.memref_squeeze %dma_start3A_74 : memref<1x632x128xf32, #tpu.memory_space<hbm>> -> memref<632x128xf32, #tpu.memory_space<hbm>>
      %dma_start3A_76 = arith.constant 0 : i32
      %dma_start3A_77 = tpu.memref_slice %arg15[%mul3A_70, %dma_start3A_76] : memref<10112x128xf32, #tpu.memory_space<vmem_shared>> -> memref<632x128xf32, #tpu.memory_space<vmem_shared>>
      tpu.enqueue_dma source(%dma_start3A_77 : memref<632x128xf32, #tpu.memory_space<vmem_shared>>) target(%dma_start3A_75 : memref<632x128xf32, #tpu.memory_space<hbm>>) target_semaphore(%run_scoped3A : memref<!tpu.dma_semaphore, #tpu.memory_space<semaphore_mem>>)
      %dma_wait3A_78 = arith.constant 0 : i32
      %dma_wait3A_79 = tpu.memref_slice %arg6[%arg0, %mul3A_72, %dma_wait3A_78] : memref<2x10112x128xf32, #tpu.memory_space<hbm>> -> memref<1x632x128xf32, #tpu.memory_space<hbm>>
      %dma_wait3A_80 = tpu.memref_squeeze %dma_wait3A_79 : memref<1x632x128xf32, #tpu.memory_space<hbm>> -> memref<632x128xf32, #tpu.memory_space<hbm>>
      %dma_wait3A_81 = arith.constant 0 : i32
      %dma_wait3A_82 = tpu.memref_slice %arg15[%mul3A_70, %dma_wait3A_81] : memref<10112x128xf32, #tpu.memory_space<vmem_shared>> -> memref<632x128xf32, #tpu.memory_space<vmem_shared>>
      tpu.wait_dma2 semaphore(%run_scoped3A : memref<!tpu.dma_semaphore, #tpu.memory_space<semaphore_mem>>) src(%dma_wait3A_82 : memref<632x128xf32, #tpu.memory_space<vmem_shared>>) dst(%dma_wait3A_80 : memref<632x128xf32, #tpu.memory_space<hbm>>)
      tpu.yield
    }) : () -> ()
    return
  }
}

#map = affine_map<(d0, d1) -> (0, 0)>
#map1 = affine_map<(d0, d1) -> (0, 0, 0)>
module attributes {stable_mosaic.version = 14 : i64} {
  func.func @_sc_scatter_add(%arg0: i32, %arg1: i32, %arg2: memref<10000x128xf32, #tpu.memory_space<hbm>>, %arg3: memref<32x80x128xi32, #tpu.memory_space<hbm>>, %arg4: memref<32x80x128xi32, #tpu.memory_space<hbm>>, %arg5: memref<10112x128xf32, #tpu.memory_space<hbm>>, %arg6: memref<2x10112x128xf32, #tpu.memory_space<hbm>>, %arg7: memref<40x128xi32, #tpu.memory_space<vmem>>, %arg8: memref<40x128xi32, #tpu.memory_space<vmem>>, %arg9: memref<128x128xf32, #tpu.memory_space<vmem>>, %arg10: memref<128x128xf32, #tpu.memory_space<vmem>>, %arg11: memref<!tpu.dma_semaphore, #tpu.memory_space<semaphore_mem>>, %arg12: memref<!tpu.dma_semaphore, #tpu.memory_space<semaphore_mem>>, %arg13: memref<!tpu.dma_semaphore, #tpu.memory_space<semaphore_mem>>, %arg14: memref<!tpu.dma_semaphore, #tpu.memory_space<semaphore_mem>>, %arg15: memref<10112x128xf32, #tpu.memory_space<vmem_shared>>) attributes {dimension_semantics = [#tpu.dimension_semantics<core_parallel>, #tpu.dimension_semantics<subcore_parallel>], iteration_bounds = array<i64: 2, 16>, scalar_prefetch = 0 : i64, scratch_operands = 9 : i64, tpu.core_type = #tpu.core_type<sc_vector_subcore>, window_params = [{transform_indices = #map}, {transform_indices = #map1}, {transform_indices = #map1}, {transform_indices = #map}, {transform_indices = #map1}]} {
    %mul3A = arith.constant 2 : i32
    %mul3A_0 = arith.muli %arg1, %mul3A : i32
    %add3A = arith.addi %mul3A_0, %arg0 : i32
    %mul3A_1 = arith.constant 632 : i32
    %mul3A_2 = arith.muli %arg1, %mul3A_1 : i32
    %mul3A_3 = arith.constant 632 : i32
    %mul3A_4 = arith.muli %arg1, %mul3A_3 : i32
    "tpu.region"() ({
      %run_scoped3A = tpu.sem_alloc : memref<!tpu.dma_semaphore, #tpu.memory_space<semaphore_mem>>
      %dma_start3A_73 = arith.constant 0 : i32
      %dma_start3A_74 = tpu.memref_slice %arg15[%mul3A_4, %dma_start3A_73] : memref<10112x128xf32, #tpu.memory_space<vmem_shared>> -> memref<632x128xf32, #tpu.memory_space<vmem_shared>>
      %dma_start3A_75 = arith.constant 0 : i32
      %dma_start3A_76 = tpu.memref_slice %arg5[%mul3A_2, %dma_start3A_75] : memref<10112x128xf32, #tpu.memory_space<hbm>> -> memref<632x128xf32, #tpu.memory_space<hbm>>
      tpu.enqueue_dma source(%dma_start3A_76 : memref<632x128xf32, #tpu.memory_space<hbm>>) target(%dma_start3A_74 : memref<632x128xf32, #tpu.memory_space<vmem_shared>>) target_semaphore(%run_scoped3A : memref<!tpu.dma_semaphore, #tpu.memory_space<semaphore_mem>>)
      %dma_wait3A_77 = arith.constant 0 : i32
      %dma_wait3A_78 = tpu.memref_slice %arg15[%mul3A_4, %dma_wait3A_77] : memref<10112x128xf32, #tpu.memory_space<vmem_shared>> -> memref<632x128xf32, #tpu.memory_space<vmem_shared>>
      %dma_wait3A_79 = arith.constant 0 : i32
      %dma_wait3A_80 = tpu.memref_slice %arg5[%mul3A_2, %dma_wait3A_79] : memref<10112x128xf32, #tpu.memory_space<hbm>> -> memref<632x128xf32, #tpu.memory_space<hbm>>
      tpu.wait_dma2 semaphore(%run_scoped3A : memref<!tpu.dma_semaphore, #tpu.memory_space<semaphore_mem>>) src(%dma_wait3A_80 : memref<632x128xf32, #tpu.memory_space<hbm>>) dst(%dma_wait3A_78 : memref<632x128xf32, #tpu.memory_space<vmem_shared>>)
      tpu.yield
    }) : () -> ()
    %barrier3A = arith.constant 0 : index
    tpu.barrier barrier_id(%barrier3A)
    "tpu.region"() ({
      %run_scoped3A = tpu.sem_alloc : memref<!tpu.dma_semaphore, #tpu.memory_space<semaphore_mem>>
      %dma_start3A_73 = arith.constant 0 : i32
      %dma_start3A_74 = arith.constant 0 : i32
      %dma_start3A_75 = tpu.memref_slice %arg3[%add3A, %dma_start3A_73, %dma_start3A_74] : memref<32x80x128xi32, #tpu.memory_space<hbm>> -> memref<1x40x128xi32, #tpu.memory_space<hbm>>
      %dma_start3A_76 = tpu.memref_squeeze %dma_start3A_75 : memref<1x40x128xi32, #tpu.memory_space<hbm>> -> memref<40x128xi32, #tpu.memory_space<hbm>>
      %dma_start3A_77 = arith.constant 0 : i32
      %dma_start3A_78 = arith.constant 0 : i32
      %dma_start3A_79 = tpu.memref_slice %arg3[%add3A, %dma_start3A_77, %dma_start3A_78] : memref<32x80x128xi32, #tpu.memory_space<hbm>> -> memref<1x40x128xi32, #tpu.memory_space<hbm>>
      %dma_start3A_80 = tpu.memref_squeeze %dma_start3A_79 : memref<1x40x128xi32, #tpu.memory_space<hbm>> -> memref<40x128xi32, #tpu.memory_space<hbm>>
      tpu.enqueue_dma source(%dma_start3A_80 : memref<40x128xi32, #tpu.memory_space<hbm>>) target(%arg7 : memref<40x128xi32, #tpu.memory_space<vmem>>) target_semaphore(%run_scoped3A : memref<!tpu.dma_semaphore, #tpu.memory_space<semaphore_mem>>)
      %dma_wait3A_81 = arith.constant 0 : i32
      %dma_wait3A_82 = arith.constant 0 : i32
      %dma_wait3A_83 = tpu.memref_slice %arg3[%add3A, %dma_wait3A_81, %dma_wait3A_82] : memref<32x80x128xi32, #tpu.memory_space<hbm>> -> memref<1x40x128xi32, #tpu.memory_space<hbm>>
      %dma_wait3A_84 = tpu.memref_squeeze %dma_wait3A_83 : memref<1x40x128xi32, #tpu.memory_space<hbm>> -> memref<40x128xi32, #tpu.memory_space<hbm>>
      %dma_wait3A_85 = arith.constant 0 : i32
      %dma_wait3A_86 = arith.constant 0 : i32
      %dma_wait3A_87 = tpu.memref_slice %arg3[%add3A, %dma_wait3A_85, %dma_wait3A_86] : memref<32x80x128xi32, #tpu.memory_space<hbm>> -> memref<1x40x128xi32, #tpu.memory_space<hbm>>
      %dma_wait3A_88 = tpu.memref_squeeze %dma_wait3A_87 : memref<1x40x128xi32, #tpu.memory_space<hbm>> -> memref<40x128xi32, #tpu.memory_space<hbm>>
      tpu.wait_dma2 semaphore(%run_scoped3A : memref<!tpu.dma_semaphore, #tpu.memory_space<semaphore_mem>>) src(%dma_wait3A_88 : memref<40x128xi32, #tpu.memory_space<hbm>>) dst(%arg7 : memref<40x128xi32, #tpu.memory_space<vmem>>)
      tpu.yield
    }) : () -> ()
    "tpu.region"() ({
      %run_scoped3A = tpu.sem_alloc : memref<!tpu.dma_semaphore, #tpu.memory_space<semaphore_mem>>
      %dma_start3A_73 = arith.constant 0 : i32
      %dma_start3A_74 = arith.constant 0 : i32
      %dma_start3A_75 = tpu.memref_slice %arg4[%add3A, %dma_start3A_73, %dma_start3A_74] : memref<32x80x128xi32, #tpu.memory_space<hbm>> -> memref<1x40x128xi32, #tpu.memory_space<hbm>>
      %dma_start3A_76 = tpu.memref_squeeze %dma_start3A_75 : memref<1x40x128xi32, #tpu.memory_space<hbm>> -> memref<40x128xi32, #tpu.memory_space<hbm>>
      %dma_start3A_77 = arith.constant 0 : i32
      %dma_start3A_78 = arith.constant 0 : i32
      %dma_start3A_79 = tpu.memref_slice %arg4[%add3A, %dma_start3A_77, %dma_start3A_78] : memref<32x80x128xi32, #tpu.memory_space<hbm>> -> memref<1x40x128xi32, #tpu.memory_space<hbm>>
      %dma_start3A_80 = tpu.memref_squeeze %dma_start3A_79 : memref<1x40x128xi32, #tpu.memory_space<hbm>> -> memref<40x128xi32, #tpu.memory_space<hbm>>
      tpu.enqueue_dma source(%dma_start3A_80 : memref<40x128xi32, #tpu.memory_space<hbm>>) target(%arg8 : memref<40x128xi32, #tpu.memory_space<vmem>>) target_semaphore(%run_scoped3A : memref<!tpu.dma_semaphore, #tpu.memory_space<semaphore_mem>>)
      %dma_wait3A_81 = arith.constant 0 : i32
      %dma_wait3A_82 = arith.constant 0 : i32
      %dma_wait3A_83 = tpu.memref_slice %arg4[%add3A, %dma_wait3A_81, %dma_wait3A_82] : memref<32x80x128xi32, #tpu.memory_space<hbm>> -> memref<1x40x128xi32, #tpu.memory_space<hbm>>
      %dma_wait3A_84 = tpu.memref_squeeze %dma_wait3A_83 : memref<1x40x128xi32, #tpu.memory_space<hbm>> -> memref<40x128xi32, #tpu.memory_space<hbm>>
      %dma_wait3A_85 = arith.constant 0 : i32
      %dma_wait3A_86 = arith.constant 0 : i32
      %dma_wait3A_87 = tpu.memref_slice %arg4[%add3A, %dma_wait3A_85, %dma_wait3A_86] : memref<32x80x128xi32, #tpu.memory_space<hbm>> -> memref<1x40x128xi32, #tpu.memory_space<hbm>>
      %dma_wait3A_88 = tpu.memref_squeeze %dma_wait3A_87 : memref<1x40x128xi32, #tpu.memory_space<hbm>> -> memref<40x128xi32, #tpu.memory_space<hbm>>
      tpu.wait_dma2 semaphore(%run_scoped3A : memref<!tpu.dma_semaphore, #tpu.memory_space<semaphore_mem>>) src(%dma_wait3A_88 : memref<40x128xi32, #tpu.memory_space<hbm>>) dst(%arg8 : memref<40x128xi32, #tpu.memory_space<vmem>>)
      tpu.yield
    }) : () -> ()
    %dma_start3A = arith.constant 0 : i32
    %dma_start3A_5 = arith.constant 0 : i32
    %dma_start3A_6 = tpu.memref_slice %arg7[%dma_start3A, %dma_start3A_5] : memref<40x128xi32, #tpu.memory_space<vmem>> -> memref<1x128xi32, #tpu.memory_space<vmem>>
    %dma_start3A_7 = tpu.memref_squeeze %dma_start3A_6 : memref<1x128xi32, #tpu.memory_space<vmem>> -> memref<128xi32, #tpu.memory_space<vmem>>
    %dma_start3A_8 = arith.constant 0 : i32
    %dma_start3A_9 = arith.constant 0 : i32
    %dma_start3A_10 = tpu.memref_slice %arg2[%dma_start3A_8, %dma_start3A_9] : memref<10000x128xf32, #tpu.memory_space<hbm>> -> memref<10000x128xf32, #tpu.memory_space<hbm>>
    tpu.enqueue_indirect_dma source(%dma_start3A_10 : memref<10000x128xf32, #tpu.memory_space<hbm>>) target(%arg9 : memref<128x128xf32, #tpu.memory_space<vmem>>) offsets(%dma_start3A_7 : memref<128xi32, #tpu.memory_space<vmem>>) semaphore(%arg11 : memref<!tpu.dma_semaphore, #tpu.memory_space<semaphore_mem>>)
    %dma_start3A_11 = arith.constant 1 : i32
    %dma_start3A_12 = arith.constant 0 : i32
    %dma_start3A_13 = tpu.memref_slice %arg7[%dma_start3A_11, %dma_start3A_12] : memref<40x128xi32, #tpu.memory_space<vmem>> -> memref<1x128xi32, #tpu.memory_space<vmem>>
    %dma_start3A_14 = tpu.memref_squeeze %dma_start3A_13 : memref<1x128xi32, #tpu.memory_space<vmem>> -> memref<128xi32, #tpu.memory_space<vmem>>
    %dma_start3A_15 = arith.constant 0 : i32
    %dma_start3A_16 = arith.constant 0 : i32
    %dma_start3A_17 = tpu.memref_slice %arg2[%dma_start3A_15, %dma_start3A_16] : memref<10000x128xf32, #tpu.memory_space<hbm>> -> memref<10000x128xf32, #tpu.memory_space<hbm>>
    tpu.enqueue_indirect_dma source(%dma_start3A_17 : memref<10000x128xf32, #tpu.memory_space<hbm>>) target(%arg10 : memref<128x128xf32, #tpu.memory_space<vmem>>) offsets(%dma_start3A_14 : memref<128xi32, #tpu.memory_space<vmem>>) semaphore(%arg12 : memref<!tpu.dma_semaphore, #tpu.memory_space<semaphore_mem>>)
    %scan3A = arith.constant 0 : i32
    %scan3A_18 = arith.constant 20 : i32
    %scan3A_19 = arith.addi %scan3A, %scan3A_18 : i32
    %scan3A_20 = arith.constant 1 : i32
    scf.for %scan3A_73 = %scan3A to %scan3A_19 step %scan3A_20  : i32 {
      %mul3A_74 = arith.constant 2 : i32
      %mul3A_75 = arith.muli %scan3A_73, %mul3A_74 : i32
      %add3A_76 = arith.constant 0 : i32
      %add3A_77 = arith.addi %add3A_76, %mul3A_75 : i32
      %add3A_78 = arith.constant 0 : i32
      %add3A_79 = arith.addi %add3A_77, %add3A_78 : i32
      %dma_wait3A_80 = arith.constant 0 : i32
      %dma_wait3A_81 = tpu.memref_slice %arg7[%add3A_79, %dma_wait3A_80] : memref<40x128xi32, #tpu.memory_space<vmem>> -> memref<1x128xi32, #tpu.memory_space<vmem>>
      %dma_wait3A_82 = tpu.memref_squeeze %dma_wait3A_81 : memref<1x128xi32, #tpu.memory_space<vmem>> -> memref<128xi32, #tpu.memory_space<vmem>>
      %dma_wait3A_83 = arith.constant 0 : i32
      %dma_wait3A_84 = arith.constant 0 : i32
      %dma_wait3A_85 = tpu.memref_slice %arg2[%dma_wait3A_83, %dma_wait3A_84] : memref<10000x128xf32, #tpu.memory_space<hbm>> -> memref<10000x128xf32, #tpu.memory_space<hbm>>
      tpu.wait_indirect_dma semaphore(%arg11 : memref<!tpu.dma_semaphore, #tpu.memory_space<semaphore_mem>>) src(%dma_wait3A_85 : memref<10000x128xf32, #tpu.memory_space<hbm>>) dst(%arg9 : memref<128x128xf32, #tpu.memory_space<vmem>>)
      %add3A_86 = arith.constant 0 : i32
      %add3A_87 = arith.addi %add3A_77, %add3A_86 : i32
      %dma_start3A_88 = arith.constant 0 : i32
      %dma_start3A_89 = tpu.memref_slice %arg8[%add3A_87, %dma_start3A_88] : memref<40x128xi32, #tpu.memory_space<vmem>> -> memref<1x128xi32, #tpu.memory_space<vmem>>
      %dma_start3A_90 = tpu.memref_squeeze %dma_start3A_89 : memref<1x128xi32, #tpu.memory_space<vmem>> -> memref<128xi32, #tpu.memory_space<vmem>>
      %dma_start3A_91 = arith.constant 0 : i32
      %dma_start3A_92 = arith.constant 0 : i32
      %dma_start3A_93 = tpu.memref_slice %arg15[%dma_start3A_91, %dma_start3A_92] : memref<10112x128xf32, #tpu.memory_space<vmem_shared>> -> memref<10112x128xf32, #tpu.memory_space<vmem_shared>>
      tpu.enqueue_indirect_dma source(%arg9 : memref<128x128xf32, #tpu.memory_space<vmem>>) target(%dma_start3A_93 : memref<10112x128xf32, #tpu.memory_space<vmem_shared>>) offsets(%dma_start3A_90 : memref<128xi32, #tpu.memory_space<vmem>>) semaphore(%arg13 : memref<!tpu.dma_semaphore, #tpu.memory_space<semaphore_mem>>) {add = true}
      %add3A_94 = arith.constant 1 : i32
      %add3A_95 = arith.addi %add3A_77, %add3A_94 : i32
      %dma_wait3A_96 = arith.constant 0 : i32
      %dma_wait3A_97 = tpu.memref_slice %arg7[%add3A_95, %dma_wait3A_96] : memref<40x128xi32, #tpu.memory_space<vmem>> -> memref<1x128xi32, #tpu.memory_space<vmem>>
      %dma_wait3A_98 = tpu.memref_squeeze %dma_wait3A_97 : memref<1x128xi32, #tpu.memory_space<vmem>> -> memref<128xi32, #tpu.memory_space<vmem>>
      %dma_wait3A_99 = arith.constant 0 : i32
      %dma_wait3A_100 = arith.constant 0 : i32
      %dma_wait3A_101 = tpu.memref_slice %arg2[%dma_wait3A_99, %dma_wait3A_100] : memref<10000x128xf32, #tpu.memory_space<hbm>> -> memref<10000x128xf32, #tpu.memory_space<hbm>>
      tpu.wait_indirect_dma semaphore(%arg12 : memref<!tpu.dma_semaphore, #tpu.memory_space<semaphore_mem>>) src(%dma_wait3A_101 : memref<10000x128xf32, #tpu.memory_space<hbm>>) dst(%arg10 : memref<128x128xf32, #tpu.memory_space<vmem>>)
      %add3A_102 = arith.constant 1 : i32
      %add3A_103 = arith.addi %add3A_77, %add3A_102 : i32
      %dma_start3A_104 = arith.constant 0 : i32
      %dma_start3A_105 = tpu.memref_slice %arg8[%add3A_103, %dma_start3A_104] : memref<40x128xi32, #tpu.memory_space<vmem>> -> memref<1x128xi32, #tpu.memory_space<vmem>>
      %dma_start3A_106 = tpu.memref_squeeze %dma_start3A_105 : memref<1x128xi32, #tpu.memory_space<vmem>> -> memref<128xi32, #tpu.memory_space<vmem>>
      %dma_start3A_107 = arith.constant 0 : i32
      %dma_start3A_108 = arith.constant 0 : i32
      %dma_start3A_109 = tpu.memref_slice %arg15[%dma_start3A_107, %dma_start3A_108] : memref<10112x128xf32, #tpu.memory_space<vmem_shared>> -> memref<10112x128xf32, #tpu.memory_space<vmem_shared>>
      tpu.enqueue_indirect_dma source(%arg10 : memref<128x128xf32, #tpu.memory_space<vmem>>) target(%dma_start3A_109 : memref<10112x128xf32, #tpu.memory_space<vmem_shared>>) offsets(%dma_start3A_106 : memref<128xi32, #tpu.memory_space<vmem>>) semaphore(%arg14 : memref<!tpu.dma_semaphore, #tpu.memory_space<semaphore_mem>>) {add = true}
      %add3A_110 = arith.constant 2 : i32
      %add3A_111 = arith.addi %add3A_77, %add3A_110 : i32
      %lt3A = arith.constant 40 : i32
      %lt3A_112 = arith.cmpi slt, %add3A_111, %lt3A : i32
      %convert_element_type3A = arith.extui %lt3A_112 : i1 to i32
      %cond3A = arith.constant 0 : i32
      %cond3A_113 = arith.cmpi ne, %convert_element_type3A, %cond3A : i32
      scf.if %cond3A_113 {
        %add3A_114 = arith.constant 0 : i32
        %add3A_115 = arith.addi %add3A_77, %add3A_114 : i32
        %dma_wait3A_116 = arith.constant 0 : i32
        %dma_wait3A_117 = tpu.memref_slice %arg8[%add3A_115, %dma_wait3A_116] : memref<40x128xi32, #tpu.memory_space<vmem>> -> memref<1x128xi32, #tpu.memory_space<vmem>>
        %dma_wait3A_118 = tpu.memref_squeeze %dma_wait3A_117 : memref<1x128xi32, #tpu.memory_space<vmem>> -> memref<128xi32, #tpu.memory_space<vmem>>
        %dma_wait3A_119 = arith.constant 0 : i32
        %dma_wait3A_120 = arith.constant 0 : i32
        %dma_wait3A_121 = tpu.memref_slice %arg15[%dma_wait3A_119, %dma_wait3A_120] : memref<10112x128xf32, #tpu.memory_space<vmem_shared>> -> memref<10112x128xf32, #tpu.memory_space<vmem_shared>>
        tpu.wait_indirect_dma semaphore(%arg13 : memref<!tpu.dma_semaphore, #tpu.memory_space<semaphore_mem>>) src(%arg9 : memref<128x128xf32, #tpu.memory_space<vmem>>) dst(%dma_wait3A_121 : memref<10112x128xf32, #tpu.memory_space<vmem_shared>>)
        %add3A_122 = arith.constant 2 : i32
        %add3A_123 = arith.addi %add3A_77, %add3A_122 : i32
        %add3A_124 = arith.constant 0 : i32
        %add3A_125 = arith.addi %add3A_123, %add3A_124 : i32
        %dma_start3A_126 = arith.constant 0 : i32
        %dma_start3A_127 = tpu.memref_slice %arg7[%add3A_125, %dma_start3A_126] : memref<40x128xi32, #tpu.memory_space<vmem>> -> memref<1x128xi32, #tpu.memory_space<vmem>>
        %dma_start3A_128 = tpu.memref_squeeze %dma_start3A_127 : memref<1x128xi32, #tpu.memory_space<vmem>> -> memref<128xi32, #tpu.memory_space<vmem>>
        %dma_start3A_129 = arith.constant 0 : i32
        %dma_start3A_130 = arith.constant 0 : i32
        %dma_start3A_131 = tpu.memref_slice %arg2[%dma_start3A_129, %dma_start3A_130] : memref<10000x128xf32, #tpu.memory_space<hbm>> -> memref<10000x128xf32, #tpu.memory_space<hbm>>
        tpu.enqueue_indirect_dma source(%dma_start3A_131 : memref<10000x128xf32, #tpu.memory_space<hbm>>) target(%arg9 : memref<128x128xf32, #tpu.memory_space<vmem>>) offsets(%dma_start3A_128 : memref<128xi32, #tpu.memory_space<vmem>>) semaphore(%arg11 : memref<!tpu.dma_semaphore, #tpu.memory_space<semaphore_mem>>)
        %add3A_132 = arith.constant 1 : i32
        %add3A_133 = arith.addi %add3A_77, %add3A_132 : i32
        %dma_wait3A_134 = arith.constant 0 : i32
        %dma_wait3A_135 = tpu.memref_slice %arg8[%add3A_133, %dma_wait3A_134] : memref<40x128xi32, #tpu.memory_space<vmem>> -> memref<1x128xi32, #tpu.memory_space<vmem>>
        %dma_wait3A_136 = tpu.memref_squeeze %dma_wait3A_135 : memref<1x128xi32, #tpu.memory_space<vmem>> -> memref<128xi32, #tpu.memory_space<vmem>>
        %dma_wait3A_137 = arith.constant 0 : i32
        %dma_wait3A_138 = arith.constant 0 : i32
        %dma_wait3A_139 = tpu.memref_slice %arg15[%dma_wait3A_137, %dma_wait3A_138] : memref<10112x128xf32, #tpu.memory_space<vmem_shared>> -> memref<10112x128xf32, #tpu.memory_space<vmem_shared>>
        tpu.wait_indirect_dma semaphore(%arg14 : memref<!tpu.dma_semaphore, #tpu.memory_space<semaphore_mem>>) src(%arg10 : memref<128x128xf32, #tpu.memory_space<vmem>>) dst(%dma_wait3A_139 : memref<10112x128xf32, #tpu.memory_space<vmem_shared>>)
        %add3A_140 = arith.constant 2 : i32
        %add3A_141 = arith.addi %add3A_77, %add3A_140 : i32
        %add3A_142 = arith.constant 1 : i32
        %add3A_143 = arith.addi %add3A_141, %add3A_142 : i32
        %dma_start3A_144 = arith.constant 0 : i32
        %dma_start3A_145 = tpu.memref_slice %arg7[%add3A_143, %dma_start3A_144] : memref<40x128xi32, #tpu.memory_space<vmem>> -> memref<1x128xi32, #tpu.memory_space<vmem>>
        %dma_start3A_146 = tpu.memref_squeeze %dma_start3A_145 : memref<1x128xi32, #tpu.memory_space<vmem>> -> memref<128xi32, #tpu.memory_space<vmem>>
        %dma_start3A_147 = arith.constant 0 : i32
        %dma_start3A_148 = arith.constant 0 : i32
        %dma_start3A_149 = tpu.memref_slice %arg2[%dma_start3A_147, %dma_start3A_148] : memref<10000x128xf32, #tpu.memory_space<hbm>> -> memref<10000x128xf32, #tpu.memory_space<hbm>>
        tpu.enqueue_indirect_dma source(%dma_start3A_149 : memref<10000x128xf32, #tpu.memory_space<hbm>>) target(%arg10 : memref<128x128xf32, #tpu.memory_space<vmem>>) offsets(%dma_start3A_146 : memref<128xi32, #tpu.memory_space<vmem>>) semaphore(%arg12 : memref<!tpu.dma_semaphore, #tpu.memory_space<semaphore_mem>>)
      } else {
      }
    }
    %scan3A_21 = arith.constant 20 : i32
    %dma_wait3A = arith.constant 38 : i32
    %dma_wait3A_22 = arith.constant 0 : i32
    %dma_wait3A_23 = tpu.memref_slice %arg8[%dma_wait3A, %dma_wait3A_22] : memref<40x128xi32, #tpu.memory_space<vmem>> -> memref<1x128xi32, #tpu.memory_space<vmem>>
    %dma_wait3A_24 = tpu.memref_squeeze %dma_wait3A_23 : memref<1x128xi32, #tpu.memory_space<vmem>> -> memref<128xi32, #tpu.memory_space<vmem>>
    %dma_wait3A_25 = arith.constant 0 : i32
    %dma_wait3A_26 = arith.constant 0 : i32
    %dma_wait3A_27 = tpu.memref_slice %arg15[%dma_wait3A_25, %dma_wait3A_26] : memref<10112x128xf32, #tpu.memory_space<vmem_shared>> -> memref<10112x128xf32, #tpu.memory_space<vmem_shared>>
    tpu.wait_indirect_dma semaphore(%arg13 : memref<!tpu.dma_semaphore, #tpu.memory_space<semaphore_mem>>) src(%arg9 : memref<128x128xf32, #tpu.memory_space<vmem>>) dst(%dma_wait3A_27 : memref<10112x128xf32, #tpu.memory_space<vmem_shared>>)
    %dma_wait3A_28 = arith.constant 39 : i32
    %dma_wait3A_29 = arith.constant 0 : i32
    %dma_wait3A_30 = tpu.memref_slice %arg8[%dma_wait3A_28, %dma_wait3A_29] : memref<40x128xi32, #tpu.memory_space<vmem>> -> memref<1x128xi32, #tpu.memory_space<vmem>>
    %dma_wait3A_31 = tpu.memref_squeeze %dma_wait3A_30 : memref<1x128xi32, #tpu.memory_space<vmem>> -> memref<128xi32, #tpu.memory_space<vmem>>
    %dma_wait3A_32 = arith.constant 0 : i32
    %dma_wait3A_33 = arith.constant 0 : i32
    %dma_wait3A_34 = tpu.memref_slice %arg15[%dma_wait3A_32, %dma_wait3A_33] : memref<10112x128xf32, #tpu.memory_space<vmem_shared>> -> memref<10112x128xf32, #tpu.memory_space<vmem_shared>>
    tpu.wait_indirect_dma semaphore(%arg14 : memref<!tpu.dma_semaphore, #tpu.memory_space<semaphore_mem>>) src(%arg10 : memref<128x128xf32, #tpu.memory_space<vmem>>) dst(%dma_wait3A_34 : memref<10112x128xf32, #tpu.memory_space<vmem_shared>>)
    "tpu.region"() ({
      %run_scoped3A = tpu.sem_alloc : memref<!tpu.dma_semaphore, #tpu.memory_space<semaphore_mem>>
      %dma_start3A_73 = arith.constant 40 : i32
      %dma_start3A_74 = arith.constant 0 : i32
      %dma_start3A_75 = tpu.memref_slice %arg3[%add3A, %dma_start3A_73, %dma_start3A_74] : memref<32x80x128xi32, #tpu.memory_space<hbm>> -> memref<1x40x128xi32, #tpu.memory_space<hbm>>
      %dma_start3A_76 = tpu.memref_squeeze %dma_start3A_75 : memref<1x40x128xi32, #tpu.memory_space<hbm>> -> memref<40x128xi32, #tpu.memory_space<hbm>>
      %dma_start3A_77 = arith.constant 40 : i32
      %dma_start3A_78 = arith.constant 0 : i32
      %dma_start3A_79 = tpu.memref_slice %arg3[%add3A, %dma_start3A_77, %dma_start3A_78] : memref<32x80x128xi32, #tpu.memory_space<hbm>> -> memref<1x40x128xi32, #tpu.memory_space<hbm>>
      %dma_start3A_80 = tpu.memref_squeeze %dma_start3A_79 : memref<1x40x128xi32, #tpu.memory_space<hbm>> -> memref<40x128xi32, #tpu.memory_space<hbm>>
      tpu.enqueue_dma source(%dma_start3A_80 : memref<40x128xi32, #tpu.memory_space<hbm>>) target(%arg7 : memref<40x128xi32, #tpu.memory_space<vmem>>) target_semaphore(%run_scoped3A : memref<!tpu.dma_semaphore, #tpu.memory_space<semaphore_mem>>)
      %dma_wait3A_81 = arith.constant 40 : i32
      %dma_wait3A_82 = arith.constant 0 : i32
      %dma_wait3A_83 = tpu.memref_slice %arg3[%add3A, %dma_wait3A_81, %dma_wait3A_82] : memref<32x80x128xi32, #tpu.memory_space<hbm>> -> memref<1x40x128xi32, #tpu.memory_space<hbm>>
      %dma_wait3A_84 = tpu.memref_squeeze %dma_wait3A_83 : memref<1x40x128xi32, #tpu.memory_space<hbm>> -> memref<40x128xi32, #tpu.memory_space<hbm>>
      %dma_wait3A_85 = arith.constant 40 : i32
      %dma_wait3A_86 = arith.constant 0 : i32
      %dma_wait3A_87 = tpu.memref_slice %arg3[%add3A, %dma_wait3A_85, %dma_wait3A_86] : memref<32x80x128xi32, #tpu.memory_space<hbm>> -> memref<1x40x128xi32, #tpu.memory_space<hbm>>
      %dma_wait3A_88 = tpu.memref_squeeze %dma_wait3A_87 : memref<1x40x128xi32, #tpu.memory_space<hbm>> -> memref<40x128xi32, #tpu.memory_space<hbm>>
      tpu.wait_dma2 semaphore(%run_scoped3A : memref<!tpu.dma_semaphore, #tpu.memory_space<semaphore_mem>>) src(%dma_wait3A_88 : memref<40x128xi32, #tpu.memory_space<hbm>>) dst(%arg7 : memref<40x128xi32, #tpu.memory_space<vmem>>)
      tpu.yield
    }) : () -> ()
    "tpu.region"() ({
      %run_scoped3A = tpu.sem_alloc : memref<!tpu.dma_semaphore, #tpu.memory_space<semaphore_mem>>
      %dma_start3A_73 = arith.constant 40 : i32
      %dma_start3A_74 = arith.constant 0 : i32
      %dma_start3A_75 = tpu.memref_slice %arg4[%add3A, %dma_start3A_73, %dma_start3A_74] : memref<32x80x128xi32, #tpu.memory_space<hbm>> -> memref<1x40x128xi32, #tpu.memory_space<hbm>>
      %dma_start3A_76 = tpu.memref_squeeze %dma_start3A_75 : memref<1x40x128xi32, #tpu.memory_space<hbm>> -> memref<40x128xi32, #tpu.memory_space<hbm>>
      %dma_start3A_77 = arith.constant 40 : i32
      %dma_start3A_78 = arith.constant 0 : i32
      %dma_start3A_79 = tpu.memref_slice %arg4[%add3A, %dma_start3A_77, %dma_start3A_78] : memref<32x80x128xi32, #tpu.memory_space<hbm>> -> memref<1x40x128xi32, #tpu.memory_space<hbm>>
      %dma_start3A_80 = tpu.memref_squeeze %dma_start3A_79 : memref<1x40x128xi32, #tpu.memory_space<hbm>> -> memref<40x128xi32, #tpu.memory_space<hbm>>
      tpu.enqueue_dma source(%dma_start3A_80 : memref<40x128xi32, #tpu.memory_space<hbm>>) target(%arg8 : memref<40x128xi32, #tpu.memory_space<vmem>>) target_semaphore(%run_scoped3A : memref<!tpu.dma_semaphore, #tpu.memory_space<semaphore_mem>>)
      %dma_wait3A_81 = arith.constant 40 : i32
      %dma_wait3A_82 = arith.constant 0 : i32
      %dma_wait3A_83 = tpu.memref_slice %arg4[%add3A, %dma_wait3A_81, %dma_wait3A_82] : memref<32x80x128xi32, #tpu.memory_space<hbm>> -> memref<1x40x128xi32, #tpu.memory_space<hbm>>
      %dma_wait3A_84 = tpu.memref_squeeze %dma_wait3A_83 : memref<1x40x128xi32, #tpu.memory_space<hbm>> -> memref<40x128xi32, #tpu.memory_space<hbm>>
      %dma_wait3A_85 = arith.constant 40 : i32
      %dma_wait3A_86 = arith.constant 0 : i32
      %dma_wait3A_87 = tpu.memref_slice %arg4[%add3A, %dma_wait3A_85, %dma_wait3A_86] : memref<32x80x128xi32, #tpu.memory_space<hbm>> -> memref<1x40x128xi32, #tpu.memory_space<hbm>>
      %dma_wait3A_88 = tpu.memref_squeeze %dma_wait3A_87 : memref<1x40x128xi32, #tpu.memory_space<hbm>> -> memref<40x128xi32, #tpu.memory_space<hbm>>
      tpu.wait_dma2 semaphore(%run_scoped3A : memref<!tpu.dma_semaphore, #tpu.memory_space<semaphore_mem>>) src(%dma_wait3A_88 : memref<40x128xi32, #tpu.memory_space<hbm>>) dst(%arg8 : memref<40x128xi32, #tpu.memory_space<vmem>>)
      tpu.yield
    }) : () -> ()
    %dma_start3A_35 = arith.constant 0 : i32
    %dma_start3A_36 = arith.constant 0 : i32
    %dma_start3A_37 = tpu.memref_slice %arg7[%dma_start3A_35, %dma_start3A_36] : memref<40x128xi32, #tpu.memory_space<vmem>> -> memref<1x128xi32, #tpu.memory_space<vmem>>
    %dma_start3A_38 = tpu.memref_squeeze %dma_start3A_37 : memref<1x128xi32, #tpu.memory_space<vmem>> -> memref<128xi32, #tpu.memory_space<vmem>>
    %dma_start3A_39 = arith.constant 0 : i32
    %dma_start3A_40 = arith.constant 0 : i32
    %dma_start3A_41 = tpu.memref_slice %arg2[%dma_start3A_39, %dma_start3A_40] : memref<10000x128xf32, #tpu.memory_space<hbm>> -> memref<10000x128xf32, #tpu.memory_space<hbm>>
    tpu.enqueue_indirect_dma source(%dma_start3A_41 : memref<10000x128xf32, #tpu.memory_space<hbm>>) target(%arg9 : memref<128x128xf32, #tpu.memory_space<vmem>>) offsets(%dma_start3A_38 : memref<128xi32, #tpu.memory_space<vmem>>) semaphore(%arg11 : memref<!tpu.dma_semaphore, #tpu.memory_space<semaphore_mem>>)
    %dma_start3A_42 = arith.constant 1 : i32
    %dma_start3A_43 = arith.constant 0 : i32
    %dma_start3A_44 = tpu.memref_slice %arg7[%dma_start3A_42, %dma_start3A_43] : memref<40x128xi32, #tpu.memory_space<vmem>> -> memref<1x128xi32, #tpu.memory_space<vmem>>
    %dma_start3A_45 = tpu.memref_squeeze %dma_start3A_44 : memref<1x128xi32, #tpu.memory_space<vmem>> -> memref<128xi32, #tpu.memory_space<vmem>>
    %dma_start3A_46 = arith.constant 0 : i32
    %dma_start3A_47 = arith.constant 0 : i32
    %dma_start3A_48 = tpu.memref_slice %arg2[%dma_start3A_46, %dma_start3A_47] : memref<10000x128xf32, #tpu.memory_space<hbm>> -> memref<10000x128xf32, #tpu.memory_space<hbm>>
    tpu.enqueue_indirect_dma source(%dma_start3A_48 : memref<10000x128xf32, #tpu.memory_space<hbm>>) target(%arg10 : memref<128x128xf32, #tpu.memory_space<vmem>>) offsets(%dma_start3A_45 : memref<128xi32, #tpu.memory_space<vmem>>) semaphore(%arg12 : memref<!tpu.dma_semaphore, #tpu.memory_space<semaphore_mem>>)
    %scan3A_49 = arith.constant 0 : i32
    %scan3A_50 = arith.constant 20 : i32
    %scan3A_51 = arith.addi %scan3A_49, %scan3A_50 : i32
    %scan3A_52 = arith.constant 1 : i32
    scf.for %scan3A_73 = %scan3A_49 to %scan3A_51 step %scan3A_52  : i32 {
      %mul3A_74 = arith.constant 2 : i32
      %mul3A_75 = arith.muli %scan3A_73, %mul3A_74 : i32
      %add3A_76 = arith.constant 0 : i32
      %add3A_77 = arith.addi %add3A_76, %mul3A_75 : i32
      %add3A_78 = arith.constant 0 : i32
      %add3A_79 = arith.addi %add3A_77, %add3A_78 : i32
      %dma_wait3A_80 = arith.constant 0 : i32
      %dma_wait3A_81 = tpu.memref_slice %arg7[%add3A_79, %dma_wait3A_80] : memref<40x128xi32, #tpu.memory_space<vmem>> -> memref<1x128xi32, #tpu.memory_space<vmem>>
      %dma_wait3A_82 = tpu.memref_squeeze %dma_wait3A_81 : memref<1x128xi32, #tpu.memory_space<vmem>> -> memref<128xi32, #tpu.memory_space<vmem>>
      %dma_wait3A_83 = arith.constant 0 : i32
      %dma_wait3A_84 = arith.constant 0 : i32
      %dma_wait3A_85 = tpu.memref_slice %arg2[%dma_wait3A_83, %dma_wait3A_84] : memref<10000x128xf32, #tpu.memory_space<hbm>> -> memref<10000x128xf32, #tpu.memory_space<hbm>>
      tpu.wait_indirect_dma semaphore(%arg11 : memref<!tpu.dma_semaphore, #tpu.memory_space<semaphore_mem>>) src(%dma_wait3A_85 : memref<10000x128xf32, #tpu.memory_space<hbm>>) dst(%arg9 : memref<128x128xf32, #tpu.memory_space<vmem>>)
      %add3A_86 = arith.constant 0 : i32
      %add3A_87 = arith.addi %add3A_77, %add3A_86 : i32
      %dma_start3A_88 = arith.constant 0 : i32
      %dma_start3A_89 = tpu.memref_slice %arg8[%add3A_87, %dma_start3A_88] : memref<40x128xi32, #tpu.memory_space<vmem>> -> memref<1x128xi32, #tpu.memory_space<vmem>>
      %dma_start3A_90 = tpu.memref_squeeze %dma_start3A_89 : memref<1x128xi32, #tpu.memory_space<vmem>> -> memref<128xi32, #tpu.memory_space<vmem>>
      %dma_start3A_91 = arith.constant 0 : i32
      %dma_start3A_92 = arith.constant 0 : i32
      %dma_start3A_93 = tpu.memref_slice %arg15[%dma_start3A_91, %dma_start3A_92] : memref<10112x128xf32, #tpu.memory_space<vmem_shared>> -> memref<10112x128xf32, #tpu.memory_space<vmem_shared>>
      tpu.enqueue_indirect_dma source(%arg9 : memref<128x128xf32, #tpu.memory_space<vmem>>) target(%dma_start3A_93 : memref<10112x128xf32, #tpu.memory_space<vmem_shared>>) offsets(%dma_start3A_90 : memref<128xi32, #tpu.memory_space<vmem>>) semaphore(%arg13 : memref<!tpu.dma_semaphore, #tpu.memory_space<semaphore_mem>>) {add = true}
      %add3A_94 = arith.constant 1 : i32
      %add3A_95 = arith.addi %add3A_77, %add3A_94 : i32
      %dma_wait3A_96 = arith.constant 0 : i32
      %dma_wait3A_97 = tpu.memref_slice %arg7[%add3A_95, %dma_wait3A_96] : memref<40x128xi32, #tpu.memory_space<vmem>> -> memref<1x128xi32, #tpu.memory_space<vmem>>
      %dma_wait3A_98 = tpu.memref_squeeze %dma_wait3A_97 : memref<1x128xi32, #tpu.memory_space<vmem>> -> memref<128xi32, #tpu.memory_space<vmem>>
      %dma_wait3A_99 = arith.constant 0 : i32
      %dma_wait3A_100 = arith.constant 0 : i32
      %dma_wait3A_101 = tpu.memref_slice %arg2[%dma_wait3A_99, %dma_wait3A_100] : memref<10000x128xf32, #tpu.memory_space<hbm>> -> memref<10000x128xf32, #tpu.memory_space<hbm>>
      tpu.wait_indirect_dma semaphore(%arg12 : memref<!tpu.dma_semaphore, #tpu.memory_space<semaphore_mem>>) src(%dma_wait3A_101 : memref<10000x128xf32, #tpu.memory_space<hbm>>) dst(%arg10 : memref<128x128xf32, #tpu.memory_space<vmem>>)
      %add3A_102 = arith.constant 1 : i32
      %add3A_103 = arith.addi %add3A_77, %add3A_102 : i32
      %dma_start3A_104 = arith.constant 0 : i32
      %dma_start3A_105 = tpu.memref_slice %arg8[%add3A_103, %dma_start3A_104] : memref<40x128xi32, #tpu.memory_space<vmem>> -> memref<1x128xi32, #tpu.memory_space<vmem>>
      %dma_start3A_106 = tpu.memref_squeeze %dma_start3A_105 : memref<1x128xi32, #tpu.memory_space<vmem>> -> memref<128xi32, #tpu.memory_space<vmem>>
      %dma_start3A_107 = arith.constant 0 : i32
      %dma_start3A_108 = arith.constant 0 : i32
      %dma_start3A_109 = tpu.memref_slice %arg15[%dma_start3A_107, %dma_start3A_108] : memref<10112x128xf32, #tpu.memory_space<vmem_shared>> -> memref<10112x128xf32, #tpu.memory_space<vmem_shared>>
      tpu.enqueue_indirect_dma source(%arg10 : memref<128x128xf32, #tpu.memory_space<vmem>>) target(%dma_start3A_109 : memref<10112x128xf32, #tpu.memory_space<vmem_shared>>) offsets(%dma_start3A_106 : memref<128xi32, #tpu.memory_space<vmem>>) semaphore(%arg14 : memref<!tpu.dma_semaphore, #tpu.memory_space<semaphore_mem>>) {add = true}
      %add3A_110 = arith.constant 2 : i32
      %add3A_111 = arith.addi %add3A_77, %add3A_110 : i32
      %lt3A = arith.constant 40 : i32
      %lt3A_112 = arith.cmpi slt, %add3A_111, %lt3A : i32
      %convert_element_type3A = arith.extui %lt3A_112 : i1 to i32
      %cond3A = arith.constant 0 : i32
      %cond3A_113 = arith.cmpi ne, %convert_element_type3A, %cond3A : i32
      scf.if %cond3A_113 {
        %add3A_114 = arith.constant 0 : i32
        %add3A_115 = arith.addi %add3A_77, %add3A_114 : i32
        %dma_wait3A_116 = arith.constant 0 : i32
        %dma_wait3A_117 = tpu.memref_slice %arg8[%add3A_115, %dma_wait3A_116] : memref<40x128xi32, #tpu.memory_space<vmem>> -> memref<1x128xi32, #tpu.memory_space<vmem>>
        %dma_wait3A_118 = tpu.memref_squeeze %dma_wait3A_117 : memref<1x128xi32, #tpu.memory_space<vmem>> -> memref<128xi32, #tpu.memory_space<vmem>>
        %dma_wait3A_119 = arith.constant 0 : i32
        %dma_wait3A_120 = arith.constant 0 : i32
        %dma_wait3A_121 = tpu.memref_slice %arg15[%dma_wait3A_119, %dma_wait3A_120] : memref<10112x128xf32, #tpu.memory_space<vmem_shared>> -> memref<10112x128xf32, #tpu.memory_space<vmem_shared>>
        tpu.wait_indirect_dma semaphore(%arg13 : memref<!tpu.dma_semaphore, #tpu.memory_space<semaphore_mem>>) src(%arg9 : memref<128x128xf32, #tpu.memory_space<vmem>>) dst(%dma_wait3A_121 : memref<10112x128xf32, #tpu.memory_space<vmem_shared>>)
        %add3A_122 = arith.constant 2 : i32
        %add3A_123 = arith.addi %add3A_77, %add3A_122 : i32
        %add3A_124 = arith.constant 0 : i32
        %add3A_125 = arith.addi %add3A_123, %add3A_124 : i32
        %dma_start3A_126 = arith.constant 0 : i32
        %dma_start3A_127 = tpu.memref_slice %arg7[%add3A_125, %dma_start3A_126] : memref<40x128xi32, #tpu.memory_space<vmem>> -> memref<1x128xi32, #tpu.memory_space<vmem>>
        %dma_start3A_128 = tpu.memref_squeeze %dma_start3A_127 : memref<1x128xi32, #tpu.memory_space<vmem>> -> memref<128xi32, #tpu.memory_space<vmem>>
        %dma_start3A_129 = arith.constant 0 : i32
        %dma_start3A_130 = arith.constant 0 : i32
        %dma_start3A_131 = tpu.memref_slice %arg2[%dma_start3A_129, %dma_start3A_130] : memref<10000x128xf32, #tpu.memory_space<hbm>> -> memref<10000x128xf32, #tpu.memory_space<hbm>>
        tpu.enqueue_indirect_dma source(%dma_start3A_131 : memref<10000x128xf32, #tpu.memory_space<hbm>>) target(%arg9 : memref<128x128xf32, #tpu.memory_space<vmem>>) offsets(%dma_start3A_128 : memref<128xi32, #tpu.memory_space<vmem>>) semaphore(%arg11 : memref<!tpu.dma_semaphore, #tpu.memory_space<semaphore_mem>>)
        %add3A_132 = arith.constant 1 : i32
        %add3A_133 = arith.addi %add3A_77, %add3A_132 : i32
        %dma_wait3A_134 = arith.constant 0 : i32
        %dma_wait3A_135 = tpu.memref_slice %arg8[%add3A_133, %dma_wait3A_134] : memref<40x128xi32, #tpu.memory_space<vmem>> -> memref<1x128xi32, #tpu.memory_space<vmem>>
        %dma_wait3A_136 = tpu.memref_squeeze %dma_wait3A_135 : memref<1x128xi32, #tpu.memory_space<vmem>> -> memref<128xi32, #tpu.memory_space<vmem>>
        %dma_wait3A_137 = arith.constant 0 : i32
        %dma_wait3A_138 = arith.constant 0 : i32
        %dma_wait3A_139 = tpu.memref_slice %arg15[%dma_wait3A_137, %dma_wait3A_138] : memref<10112x128xf32, #tpu.memory_space<vmem_shared>> -> memref<10112x128xf32, #tpu.memory_space<vmem_shared>>
        tpu.wait_indirect_dma semaphore(%arg14 : memref<!tpu.dma_semaphore, #tpu.memory_space<semaphore_mem>>) src(%arg10 : memref<128x128xf32, #tpu.memory_space<vmem>>) dst(%dma_wait3A_139 : memref<10112x128xf32, #tpu.memory_space<vmem_shared>>)
        %add3A_140 = arith.constant 2 : i32
        %add3A_141 = arith.addi %add3A_77, %add3A_140 : i32
        %add3A_142 = arith.constant 1 : i32
        %add3A_143 = arith.addi %add3A_141, %add3A_142 : i32
        %dma_start3A_144 = arith.constant 0 : i32
        %dma_start3A_145 = tpu.memref_slice %arg7[%add3A_143, %dma_start3A_144] : memref<40x128xi32, #tpu.memory_space<vmem>> -> memref<1x128xi32, #tpu.memory_space<vmem>>
        %dma_start3A_146 = tpu.memref_squeeze %dma_start3A_145 : memref<1x128xi32, #tpu.memory_space<vmem>> -> memref<128xi32, #tpu.memory_space<vmem>>
        %dma_start3A_147 = arith.constant 0 : i32
        %dma_start3A_148 = arith.constant 0 : i32
        %dma_start3A_149 = tpu.memref_slice %arg2[%dma_start3A_147, %dma_start3A_148] : memref<10000x128xf32, #tpu.memory_space<hbm>> -> memref<10000x128xf32, #tpu.memory_space<hbm>>
        tpu.enqueue_indirect_dma source(%dma_start3A_149 : memref<10000x128xf32, #tpu.memory_space<hbm>>) target(%arg10 : memref<128x128xf32, #tpu.memory_space<vmem>>) offsets(%dma_start3A_146 : memref<128xi32, #tpu.memory_space<vmem>>) semaphore(%arg12 : memref<!tpu.dma_semaphore, #tpu.memory_space<semaphore_mem>>)
      } else {
      }
    }
    %scan3A_53 = arith.constant 20 : i32
    %dma_wait3A_54 = arith.constant 38 : i32
    %dma_wait3A_55 = arith.constant 0 : i32
    %dma_wait3A_56 = tpu.memref_slice %arg8[%dma_wait3A_54, %dma_wait3A_55] : memref<40x128xi32, #tpu.memory_space<vmem>> -> memref<1x128xi32, #tpu.memory_space<vmem>>
    %dma_wait3A_57 = tpu.memref_squeeze %dma_wait3A_56 : memref<1x128xi32, #tpu.memory_space<vmem>> -> memref<128xi32, #tpu.memory_space<vmem>>
    %dma_wait3A_58 = arith.constant 0 : i32
    %dma_wait3A_59 = arith.constant 0 : i32
    %dma_wait3A_60 = tpu.memref_slice %arg15[%dma_wait3A_58, %dma_wait3A_59] : memref<10112x128xf32, #tpu.memory_space<vmem_shared>> -> memref<10112x128xf32, #tpu.memory_space<vmem_shared>>
    tpu.wait_indirect_dma semaphore(%arg13 : memref<!tpu.dma_semaphore, #tpu.memory_space<semaphore_mem>>) src(%arg9 : memref<128x128xf32, #tpu.memory_space<vmem>>) dst(%dma_wait3A_60 : memref<10112x128xf32, #tpu.memory_space<vmem_shared>>)
    %dma_wait3A_61 = arith.constant 39 : i32
    %dma_wait3A_62 = arith.constant 0 : i32
    %dma_wait3A_63 = tpu.memref_slice %arg8[%dma_wait3A_61, %dma_wait3A_62] : memref<40x128xi32, #tpu.memory_space<vmem>> -> memref<1x128xi32, #tpu.memory_space<vmem>>
    %dma_wait3A_64 = tpu.memref_squeeze %dma_wait3A_63 : memref<1x128xi32, #tpu.memory_space<vmem>> -> memref<128xi32, #tpu.memory_space<vmem>>
    %dma_wait3A_65 = arith.constant 0 : i32
    %dma_wait3A_66 = arith.constant 0 : i32
    %dma_wait3A_67 = tpu.memref_slice %arg15[%dma_wait3A_65, %dma_wait3A_66] : memref<10112x128xf32, #tpu.memory_space<vmem_shared>> -> memref<10112x128xf32, #tpu.memory_space<vmem_shared>>
    tpu.wait_indirect_dma semaphore(%arg14 : memref<!tpu.dma_semaphore, #tpu.memory_space<semaphore_mem>>) src(%arg10 : memref<128x128xf32, #tpu.memory_space<vmem>>) dst(%dma_wait3A_67 : memref<10112x128xf32, #tpu.memory_space<vmem_shared>>)
    %barrier3A_68 = arith.constant 0 : index
    tpu.barrier barrier_id(%barrier3A_68)
    %mul3A_69 = arith.constant 632 : i32
    %mul3A_70 = arith.muli %arg1, %mul3A_69 : i32
    %mul3A_71 = arith.constant 632 : i32
    %mul3A_72 = arith.muli %arg1, %mul3A_71 : i32
    "tpu.region"() ({
      %run_scoped3A = tpu.sem_alloc : memref<!tpu.dma_semaphore, #tpu.memory_space<semaphore_mem>>
      %dma_start3A_73 = arith.constant 0 : i32
      %dma_start3A_74 = tpu.memref_slice %arg6[%arg0, %mul3A_72, %dma_start3A_73] : memref<2x10112x128xf32, #tpu.memory_space<hbm>> -> memref<1x632x128xf32, #tpu.memory_space<hbm>>
      %dma_start3A_75 = tpu.memref_squeeze %dma_start3A_74 : memref<1x632x128xf32, #tpu.memory_space<hbm>> -> memref<632x128xf32, #tpu.memory_space<hbm>>
      %dma_start3A_76 = arith.constant 0 : i32
      %dma_start3A_77 = tpu.memref_slice %arg15[%mul3A_70, %dma_start3A_76] : memref<10112x128xf32, #tpu.memory_space<vmem_shared>> -> memref<632x128xf32, #tpu.memory_space<vmem_shared>>
      tpu.enqueue_dma source(%dma_start3A_77 : memref<632x128xf32, #tpu.memory_space<vmem_shared>>) target(%dma_start3A_75 : memref<632x128xf32, #tpu.memory_space<hbm>>) target_semaphore(%run_scoped3A : memref<!tpu.dma_semaphore, #tpu.memory_space<semaphore_mem>>)
      %dma_wait3A_78 = arith.constant 0 : i32
      %dma_wait3A_79 = tpu.memref_slice %arg6[%arg0, %mul3A_72, %dma_wait3A_78] : memref<2x10112x128xf32, #tpu.memory_space<hbm>> -> memref<1x632x128xf32, #tpu.memory_space<hbm>>
      %dma_wait3A_80 = tpu.memref_squeeze %dma_wait3A_79 : memref<1x632x128xf32, #tpu.memory_space<hbm>> -> memref<632x128xf32, #tpu.memory_space<hbm>>
      %dma_wait3A_81 = arith.constant 0 : i32
      %dma_wait3A_82 = tpu.memref_slice %arg15[%mul3A_70, %dma_wait3A_81] : memref<10112x128xf32, #tpu.memory_space<vmem_shared>> -> memref<632x128xf32, #tpu.memory_space<vmem_shared>>
      tpu.wait_dma2 semaphore(%run_scoped3A : memref<!tpu.dma_semaphore, #tpu.memory_space<semaphore_mem>>) src(%dma_wait3A_82 : memref<632x128xf32, #tpu.memory_space<vmem_shared>>) dst(%dma_wait3A_80 : memref<632x128xf32, #tpu.memory_space<hbm>>)
      tpu.yield
    }) : () -> ()
    return
  }
}

module attributes {stable_mosaic.version = 14 : i64} {
  func.func @_tc_dense0_body(%arg0: memref<10000x128xf32, #tpu.memory_space<vmem>>, %arg1: memref<128x128xf32, #tpu.memory_space<vmem>>, %arg2: memref<1x128xf32, #tpu.memory_space<vmem>>, %arg3: memref<128x128xf32, #tpu.memory_space<vmem>>, %arg4: memref<128x128xf32, #tpu.memory_space<vmem>>, %arg5: memref<1x128xf32, #tpu.memory_space<vmem>>, %arg6: memref<10000x128xf32, #tpu.memory_space<vmem>>, %arg7: memref<10000x128xf32, #tpu.memory_space<vmem>>, %arg8: memref<10000x128xf32, #tpu.memory_space<vmem>>) attributes {dimension_semantics = [], scalar_prefetch = 0 : i64, scratch_operands = 0 : i64, tpu.core_type = #tpu.core_type<tc>} {
    %get3A = arith.constant 0 : index
    %get3A_0 = arith.constant 0 : index
    %get3A_1 = vector.load %arg0[%get3A, %get3A_0] : memref<10000x128xf32, #tpu.memory_space<vmem>>, vector<10000x128xf32>
    %get3A_2 = arith.constant 0 : index
    %get3A_3 = arith.constant 0 : index
    %get3A_4 = vector.load %arg1[%get3A_2, %get3A_3] : memref<128x128xf32, #tpu.memory_space<vmem>>, vector<128x128xf32>
    %dot_general3A = arith.constant dense<0.000000e+00> : vector<10000x128xf32>
    %dot_general3A_5 = tpu.matmul %get3A_1, %get3A_4, %dot_general3A {dimension_numbers = #tpu.dot_dimension_numbers<[1], [0], [0], [1], [0, 0, 1, 1], [], []>, transpose_lhs_hint = false} : vector<10000x128xf32>, vector<128x128xf32>, vector<10000x128xf32> -> vector<10000x128xf32>
    %get3A_6 = arith.constant 0 : index
    %get3A_7 = arith.constant 0 : index
    %get3A_8 = vector.load %arg2[%get3A_6, %get3A_7] : memref<1x128xf32, #tpu.memory_space<vmem>>, vector<1x128xf32>
    %add3A = vector.broadcast %get3A_8 : vector<1x128xf32> to vector<10000x128xf32>
    %add3A_9 = arith.addf %dot_general3A_5, %add3A : vector<10000x128xf32>
    %swap3A = arith.constant 0 : index
    %swap3A_10 = arith.constant 0 : index
    %swap3A_11 = vector.load %arg6[%swap3A, %swap3A_10] : memref<10000x128xf32, #tpu.memory_space<vmem>>, vector<10000x128xf32>
    tpu.vector_store %arg6[%swap3A, %swap3A_10], %add3A_9 {strides = array<i32>} : memref<10000x128xf32, #tpu.memory_space<vmem>>, vector<10000x128xf32>,
    %get3A_12 = arith.constant 0 : index
    %get3A_13 = arith.constant 0 : index
    %get3A_14 = vector.load %arg3[%get3A_12, %get3A_13] : memref<128x128xf32, #tpu.memory_space<vmem>>, vector<128x128xf32>
    %dot_general3A_15 = arith.constant dense<0.000000e+00> : vector<10000x128xf32>
    %dot_general3A_16 = tpu.matmul %add3A_9, %get3A_14, %dot_general3A_15 {dimension_numbers = #tpu.dot_dimension_numbers<[1], [0], [0], [1], [0, 0, 1, 1], [], []>, transpose_lhs_hint = false} : vector<10000x128xf32>, vector<128x128xf32>, vector<10000x128xf32> -> vector<10000x128xf32>
    %swap3A_17 = arith.constant 0 : index
    %swap3A_18 = arith.constant 0 : index
    %swap3A_19 = vector.load %arg7[%swap3A_17, %swap3A_18] : memref<10000x128xf32, #tpu.memory_space<vmem>>, vector<10000x128xf32>
    tpu.vector_store %arg7[%swap3A_17, %swap3A_18], %dot_general3A_16 {strides = array<i32>} : memref<10000x128xf32, #tpu.memory_space<vmem>>, vector<10000x128xf32>,
    %get3A_20 = arith.constant 0 : index
    %get3A_21 = arith.constant 0 : index
    %get3A_22 = vector.load %arg4[%get3A_20, %get3A_21] : memref<128x128xf32, #tpu.memory_space<vmem>>, vector<128x128xf32>
    %dot_general3A_23 = arith.constant dense<0.000000e+00> : vector<10000x128xf32>
    %dot_general3A_24 = tpu.matmul %add3A_9, %get3A_22, %dot_general3A_23 {dimension_numbers = #tpu.dot_dimension_numbers<[1], [0], [0], [1], [0, 0, 1, 1], [], []>, transpose_lhs_hint = false} : vector<10000x128xf32>, vector<128x128xf32>, vector<10000x128xf32> -> vector<10000x128xf32>
    %get3A_25 = arith.constant 0 : index
    %get3A_26 = arith.constant 0 : index
    %get3A_27 = vector.load %arg5[%get3A_25, %get3A_26] : memref<1x128xf32, #tpu.memory_space<vmem>>, vector<1x128xf32>
    %add3A_28 = vector.broadcast %get3A_27 : vector<1x128xf32> to vector<10000x128xf32>
    %add3A_29 = arith.addf %dot_general3A_24, %add3A_28 : vector<10000x128xf32>
    %swap3A_30 = arith.constant 0 : index
    %swap3A_31 = arith.constant 0 : index
    %swap3A_32 = vector.load %arg8[%swap3A_30, %swap3A_31] : memref<10000x128xf32, #tpu.memory_space<vmem>>, vector<10000x128xf32>
    tpu.vector_store %arg8[%swap3A_30, %swap3A_31], %add3A_29 {strides = array<i32>} : memref<10000x128xf32, #tpu.memory_space<vmem>>, vector<10000x128xf32>,
    return
  }
}

module attributes {stable_mosaic.version = 14 : i64} {
  func.func @_tc_dense_mid_body(%arg0: memref<2x10112x128xf32, #tpu.memory_space<vmem>>, %arg1: memref<32x10112xf32, #tpu.memory_space<vmem>>, %arg2: memref<10000x128xf32, #tpu.memory_space<vmem>>, %arg3: memref<10000x128xf32, #tpu.memory_space<vmem>>, %arg4: memref<1x128xf32, #tpu.memory_space<vmem>>, %arg5: memref<1x128xf32, #tpu.memory_space<vmem>>, %arg6: memref<128x128xf32, #tpu.memory_space<vmem>>, %arg7: memref<128x128xf32, #tpu.memory_space<vmem>>, %arg8: memref<1x128xf32, #tpu.memory_space<vmem>>, %arg9: memref<10000x128xf32, #tpu.memory_space<vmem>>, %arg10: memref<10000x128xf32, #tpu.memory_space<vmem>>, %arg11: memref<10000x128xf32, #tpu.memory_space<vmem>>) attributes {dimension_semantics = [], scalar_prefetch = 0 : i64, scratch_operands = 0 : i64, tpu.core_type = #tpu.core_type<tc>} {
    %get3A = arith.constant 0 : index
    %get3A_0 = arith.constant 0 : index
    %get3A_1 = arith.constant 0 : index
    %get3A_2 = vector.load %arg0[%get3A, %get3A_0, %get3A_1] : memref<2x10112x128xf32, #tpu.memory_space<vmem>>, vector<1x10000x128xf32>
    %get3A_3 = vector.shape_cast %get3A_2 : vector<1x10000x128xf32> to vector<10000x128xf32>
    %get3A_4 = arith.constant 1 : index
    %get3A_5 = arith.constant 0 : index
    %get3A_6 = arith.constant 0 : index
    %get3A_7 = vector.load %arg0[%get3A_4, %get3A_5, %get3A_6] : memref<2x10112x128xf32, #tpu.memory_space<vmem>>, vector<1x10000x128xf32>
    %get3A_8 = vector.shape_cast %get3A_7 : vector<1x10000x128xf32> to vector<10000x128xf32>
    %add3A = arith.addf %get3A_3, %get3A_8 : vector<10000x128xf32>
    %get3A_9 = arith.constant 0 : index
    %get3A_10 = arith.constant 0 : index
    %get3A_11 = vector.load %arg1[%get3A_9, %get3A_10] : memref<32x10112xf32, #tpu.memory_space<vmem>>, vector<32x10112xf32>
    %broadcast_in_dim3A = arith.constant 1.000000e+00 : f32
    %broadcast_in_dim3A_12 = vector.broadcast %broadcast_in_dim3A : f32 to vector<32x1xf32>
    %dot_general3A = arith.constant dense<0.000000e+00> : vector<10112x1xf32>
    %dot_general3A_13 = tpu.matmul %get3A_11, %broadcast_in_dim3A_12, %dot_general3A {dimension_numbers = #tpu.dot_dimension_numbers<[0], [0], [1], [1], [0, 1, 1, 1], [], []>, transpose_lhs_hint = false} : vector<32x10112xf32>, vector<32x1xf32>, vector<10112x1xf32> -> vector<10112x1xf32>
    %slice3A = vector.extract_strided_slice %dot_general3A_13 {offsets = [0, 0], sizes = [10000, 1], strides = [1, 1]} : vector<10112x1xf32> to vector<10000x1xf32>
    %get3A_14 = arith.constant 0 : index
    %get3A_15 = arith.constant 0 : index
    %get3A_16 = vector.load %arg2[%get3A_14, %get3A_15] : memref<10000x128xf32, #tpu.memory_space<vmem>>, vector<10000x128xf32>
    %mul3A = vector.broadcast %slice3A : vector<10000x1xf32> to vector<10000x128xf32>
    %mul3A_17 = arith.mulf %mul3A, %get3A_16 : vector<10000x128xf32>
    %add3A_18 = arith.addf %add3A, %mul3A_17 : vector<10000x128xf32>
    %neg3A = arith.constant 0.000000e+00 : f32
    %neg3A_19 = vector.broadcast %neg3A : f32 to vector<10000x128xf32>
    %neg3A_20 = arith.subf %neg3A_19, %add3A_18 : vector<10000x128xf32>
    %exp3A = math.exp %neg3A_20 : vector<10000x128xf32>
    %add3A_21 = arith.constant 1.000000e+00 : f32
    %add3A_22 = vector.broadcast %add3A_21 : f32 to vector<10000x128xf32>
    %add3A_23 = arith.addf %add3A_22, %exp3A : vector<10000x128xf32>
    %div3A = arith.constant 1.000000e+00 : f32
    %div3A_24 = vector.broadcast %div3A : f32 to vector<10000x128xf32>
    %div3A_25 = arith.divf %div3A_24, %add3A_23 : vector<10000x128xf32>
    %get3A_26 = arith.constant 0 : index
    %get3A_27 = arith.constant 0 : index
    %get3A_28 = vector.load %arg3[%get3A_26, %get3A_27] : memref<10000x128xf32, #tpu.memory_space<vmem>>, vector<10000x128xf32>
    %max3A = arith.constant 0.000000e+00 : f32
    %max3A_29 = vector.broadcast %max3A : f32 to vector<10000x128xf32>
    %max3A_30 = arith.maximumf %get3A_28, %max3A_29 : vector<10000x128xf32>
    %abs3A = math.absf %get3A_28 : vector<10000x128xf32>
    %neg3A_31 = arith.constant 0.000000e+00 : f32
    %neg3A_32 = vector.broadcast %neg3A_31 : f32 to vector<10000x128xf32>
    %neg3A_33 = arith.subf %neg3A_32, %abs3A : vector<10000x128xf32>
    %exp3A_34 = math.exp %neg3A_33 : vector<10000x128xf32>
    %add3A_35 = arith.constant 1.000000e+00 : f32
    %add3A_36 = vector.broadcast %add3A_35 : f32 to vector<10000x128xf32>
    %add3A_37 = arith.addf %add3A_36, %exp3A_34 : vector<10000x128xf32>
    %log3A = math.log %add3A_37 : vector<10000x128xf32>
    %add3A_38 = arith.addf %max3A_30, %log3A : vector<10000x128xf32>
    %add3A_39 = arith.addf %div3A_25, %add3A_38 : vector<10000x128xf32>
    %get3A_40 = arith.constant 0 : index
    %get3A_41 = arith.constant 0 : index
    %get3A_42 = vector.load %arg4[%get3A_40, %get3A_41] : memref<1x128xf32, #tpu.memory_space<vmem>>, vector<1x128xf32>
    %mul3A_43 = vector.broadcast %get3A_42 : vector<1x128xf32> to vector<10000x128xf32>
    %mul3A_44 = arith.mulf %add3A_39, %mul3A_43 : vector<10000x128xf32>
    %get3A_45 = arith.constant 0 : index
    %get3A_46 = arith.constant 0 : index
    %get3A_47 = vector.load %arg5[%get3A_45, %get3A_46] : memref<1x128xf32, #tpu.memory_space<vmem>>, vector<1x128xf32>
    %add3A_48 = vector.broadcast %get3A_47 : vector<1x128xf32> to vector<10000x128xf32>
    %add3A_49 = arith.addf %mul3A_44, %add3A_48 : vector<10000x128xf32>
    %max3A_50 = arith.constant 0.000000e+00 : f32
    %max3A_51 = vector.broadcast %max3A_50 : f32 to vector<10000x128xf32>
    %max3A_52 = arith.maximumf %add3A_49, %max3A_51 : vector<10000x128xf32>
    %swap3A = arith.constant 0 : index
    %swap3A_53 = arith.constant 0 : index
    %swap3A_54 = vector.load %arg9[%swap3A, %swap3A_53] : memref<10000x128xf32, #tpu.memory_space<vmem>>, vector<10000x128xf32>
    tpu.vector_store %arg9[%swap3A, %swap3A_53], %max3A_52 {strides = array<i32>} : memref<10000x128xf32, #tpu.memory_space<vmem>>, vector<10000x128xf32>,
    %get3A_55 = arith.constant 0 : index
    %get3A_56 = arith.constant 0 : index
    %get3A_57 = vector.load %arg6[%get3A_55, %get3A_56] : memref<128x128xf32, #tpu.memory_space<vmem>>, vector<128x128xf32>
    %dot_general3A_58 = arith.constant dense<0.000000e+00> : vector<10000x128xf32>
    %dot_general3A_59 = tpu.matmul %max3A_52, %get3A_57, %dot_general3A_58 {dimension_numbers = #tpu.dot_dimension_numbers<[1], [0], [0], [1], [0, 0, 1, 1], [], []>, transpose_lhs_hint = false} : vector<10000x128xf32>, vector<128x128xf32>, vector<10000x128xf32> -> vector<10000x128xf32>
    %swap3A_60 = arith.constant 0 : index
    %swap3A_61 = arith.constant 0 : index
    %swap3A_62 = vector.load %arg10[%swap3A_60, %swap3A_61] : memref<10000x128xf32, #tpu.memory_space<vmem>>, vector<10000x128xf32>
    tpu.vector_store %arg10[%swap3A_60, %swap3A_61], %dot_general3A_59 {strides = array<i32>} : memref<10000x128xf32, #tpu.memory_space<vmem>>, vector<10000x128xf32>,
    %get3A_63 = arith.constant 0 : index
    %get3A_64 = arith.constant 0 : index
    %get3A_65 = vector.load %arg7[%get3A_63, %get3A_64] : memref<128x128xf32, #tpu.memory_space<vmem>>, vector<128x128xf32>
    %dot_general3A_66 = arith.constant dense<0.000000e+00> : vector<10000x128xf32>
    %dot_general3A_67 = tpu.matmul %max3A_52, %get3A_65, %dot_general3A_66 {dimension_numbers = #tpu.dot_dimension_numbers<[1], [0], [0], [1], [0, 0, 1, 1], [], []>, transpose_lhs_hint = false} : vector<10000x128xf32>, vector<128x128xf32>, vector<10000x128xf32> -> vector<10000x128xf32>
    %get3A_68 = arith.constant 0 : index
    %get3A_69 = arith.constant 0 : index
    %get3A_70 = vector.load %arg8[%get3A_68, %get3A_69] : memref<1x128xf32, #tpu.memory_space<vmem>>, vector<1x128xf32>
    %add3A_71 = vector.broadcast %get3A_70 : vector<1x128xf32> to vector<10000x128xf32>
    %add3A_72 = arith.addf %dot_general3A_67, %add3A_71 : vector<10000x128xf32>
    %swap3A_73 = arith.constant 0 : index
    %swap3A_74 = arith.constant 0 : index
    %swap3A_75 = vector.load %arg11[%swap3A_73, %swap3A_74] : memref<10000x128xf32, #tpu.memory_space<vmem>>, vector<10000x128xf32>
    tpu.vector_store %arg11[%swap3A_73, %swap3A_74], %add3A_72 {strides = array<i32>} : memref<10000x128xf32, #tpu.memory_space<vmem>>, vector<10000x128xf32>,
    return
  }
}

module attributes {stable_mosaic.version = 14 : i64} {
  func.func @_tc_dense_fin_body(%arg0: memref<2x10112x128xf32, #tpu.memory_space<vmem>>, %arg1: memref<32x10112xf32, #tpu.memory_space<vmem>>, %arg2: memref<10000x128xf32, #tpu.memory_space<vmem>>, %arg3: memref<10000x128xf32, #tpu.memory_space<vmem>>, %arg4: memref<1x128xf32, #tpu.memory_space<vmem>>, %arg5: memref<1x128xf32, #tpu.memory_space<vmem>>, %arg6: memref<1x128xf32, #tpu.memory_space<vmem>>, %arg7: memref<10112x128xf32, #tpu.memory_space<vmem>>, %arg8: memref<10112x128xf32, #tpu.memory_space<vmem>>) attributes {dimension_semantics = [], scalar_prefetch = 0 : i64, scratch_operands = 0 : i64, tpu.core_type = #tpu.core_type<tc>} {
    %get3A = arith.constant 0 : index
    %get3A_0 = arith.constant 0 : index
    %get3A_1 = arith.constant 0 : index
    %get3A_2 = vector.load %arg0[%get3A, %get3A_0, %get3A_1] : memref<2x10112x128xf32, #tpu.memory_space<vmem>>, vector<1x10000x128xf32>
    %get3A_3 = vector.shape_cast %get3A_2 : vector<1x10000x128xf32> to vector<10000x128xf32>
    %get3A_4 = arith.constant 1 : index
    %get3A_5 = arith.constant 0 : index
    %get3A_6 = arith.constant 0 : index
    %get3A_7 = vector.load %arg0[%get3A_4, %get3A_5, %get3A_6] : memref<2x10112x128xf32, #tpu.memory_space<vmem>>, vector<1x10000x128xf32>
    %get3A_8 = vector.shape_cast %get3A_7 : vector<1x10000x128xf32> to vector<10000x128xf32>
    %add3A = arith.addf %get3A_3, %get3A_8 : vector<10000x128xf32>
    %get3A_9 = arith.constant 0 : index
    %get3A_10 = arith.constant 0 : index
    %get3A_11 = vector.load %arg1[%get3A_9, %get3A_10] : memref<32x10112xf32, #tpu.memory_space<vmem>>, vector<32x10112xf32>
    %broadcast_in_dim3A = arith.constant 1.000000e+00 : f32
    %broadcast_in_dim3A_12 = vector.broadcast %broadcast_in_dim3A : f32 to vector<32x1xf32>
    %dot_general3A = arith.constant dense<0.000000e+00> : vector<10112x1xf32>
    %dot_general3A_13 = tpu.matmul %get3A_11, %broadcast_in_dim3A_12, %dot_general3A {dimension_numbers = #tpu.dot_dimension_numbers<[0], [0], [1], [1], [0, 1, 1, 1], [], []>, transpose_lhs_hint = false} : vector<32x10112xf32>, vector<32x1xf32>, vector<10112x1xf32> -> vector<10112x1xf32>
    %slice3A = vector.extract_strided_slice %dot_general3A_13 {offsets = [0, 0], sizes = [10000, 1], strides = [1, 1]} : vector<10112x1xf32> to vector<10000x1xf32>
    %get3A_14 = arith.constant 0 : index
    %get3A_15 = arith.constant 0 : index
    %get3A_16 = vector.load %arg2[%get3A_14, %get3A_15] : memref<10000x128xf32, #tpu.memory_space<vmem>>, vector<10000x128xf32>
    %mul3A = vector.broadcast %slice3A : vector<10000x1xf32> to vector<10000x128xf32>
    %mul3A_17 = arith.mulf %mul3A, %get3A_16 : vector<10000x128xf32>
    %add3A_18 = arith.addf %add3A, %mul3A_17 : vector<10000x128xf32>
    %neg3A = arith.constant 0.000000e+00 : f32
    %neg3A_19 = vector.broadcast %neg3A : f32 to vector<10000x128xf32>
    %neg3A_20 = arith.subf %neg3A_19, %add3A_18 : vector<10000x128xf32>
    %exp3A = math.exp %neg3A_20 : vector<10000x128xf32>
    %add3A_21 = arith.constant 1.000000e+00 : f32
    %add3A_22 = vector.broadcast %add3A_21 : f32 to vector<10000x128xf32>
    %add3A_23 = arith.addf %add3A_22, %exp3A : vector<10000x128xf32>
    %div3A = arith.constant 1.000000e+00 : f32
    %div3A_24 = vector.broadcast %div3A : f32 to vector<10000x128xf32>
    %div3A_25 = arith.divf %div3A_24, %add3A_23 : vector<10000x128xf32>
    %get3A_26 = arith.constant 0 : index
    %get3A_27 = arith.constant 0 : index
    %get3A_28 = vector.load %arg3[%get3A_26, %get3A_27] : memref<10000x128xf32, #tpu.memory_space<vmem>>, vector<10000x128xf32>
    %max3A = arith.constant 0.000000e+00 : f32
    %max3A_29 = vector.broadcast %max3A : f32 to vector<10000x128xf32>
    %max3A_30 = arith.maximumf %get3A_28, %max3A_29 : vector<10000x128xf32>
    %abs3A = math.absf %get3A_28 : vector<10000x128xf32>
    %neg3A_31 = arith.constant 0.000000e+00 : f32
    %neg3A_32 = vector.broadcast %neg3A_31 : f32 to vector<10000x128xf32>
    %neg3A_33 = arith.subf %neg3A_32, %abs3A : vector<10000x128xf32>
    %exp3A_34 = math.exp %neg3A_33 : vector<10000x128xf32>
    %add3A_35 = arith.constant 1.000000e+00 : f32
    %add3A_36 = vector.broadcast %add3A_35 : f32 to vector<10000x128xf32>
    %add3A_37 = arith.addf %add3A_36, %exp3A_34 : vector<10000x128xf32>
    %log3A = math.log %add3A_37 : vector<10000x128xf32>
    %add3A_38 = arith.addf %max3A_30, %log3A : vector<10000x128xf32>
    %add3A_39 = arith.addf %div3A_25, %add3A_38 : vector<10000x128xf32>
    %get3A_40 = arith.constant 0 : index
    %get3A_41 = arith.constant 0 : index
    %get3A_42 = vector.load %arg4[%get3A_40, %get3A_41] : memref<1x128xf32, #tpu.memory_space<vmem>>, vector<1x128xf32>
    %mul3A_43 = vector.broadcast %get3A_42 : vector<1x128xf32> to vector<10000x128xf32>
    %mul3A_44 = arith.mulf %add3A_39, %mul3A_43 : vector<10000x128xf32>
    %get3A_45 = arith.constant 0 : index
    %get3A_46 = arith.constant 0 : index
    %get3A_47 = vector.load %arg5[%get3A_45, %get3A_46] : memref<1x128xf32, #tpu.memory_space<vmem>>, vector<1x128xf32>
    %add3A_48 = vector.broadcast %get3A_47 : vector<1x128xf32> to vector<10000x128xf32>
    %add3A_49 = arith.addf %mul3A_44, %add3A_48 : vector<10000x128xf32>
    %max3A_50 = arith.constant 0.000000e+00 : f32
    %max3A_51 = vector.broadcast %max3A_50 : f32 to vector<10000x128xf32>
    %max3A_52 = arith.maximumf %add3A_49, %max3A_51 : vector<10000x128xf32>
    %swap3A = arith.constant 0 : index
    %swap3A_53 = arith.constant 0 : index
    %swap3A_54 = vector.load %arg7[%swap3A, %swap3A_53] : memref<10112x128xf32, #tpu.memory_space<vmem>>, vector<10000x128xf32>
    tpu.vector_store %arg7[%swap3A, %swap3A_53], %max3A_52 {strides = array<i32>} : memref<10112x128xf32, #tpu.memory_space<vmem>>, vector<10000x128xf32>,
    %broadcast_in_dim3A_55 = arith.constant 0.000000e+00 : f32
    %broadcast_in_dim3A_56 = vector.broadcast %broadcast_in_dim3A_55 : f32 to vector<112x128xf32>
    %swap3A_57 = arith.constant 10000 : index
    %swap3A_58 = arith.constant 0 : index
    %swap3A_59 = vector.load %arg7[%swap3A_57, %swap3A_58] : memref<10112x128xf32, #tpu.memory_space<vmem>>, vector<112x128xf32>
    tpu.vector_store %arg7[%swap3A_57, %swap3A_58], %broadcast_in_dim3A_56 {strides = array<i32>} : memref<10112x128xf32, #tpu.memory_space<vmem>>, vector<112x128xf32>,
    %get3A_60 = arith.constant 0 : index
    %get3A_61 = arith.constant 0 : index
    %get3A_62 = vector.load %arg6[%get3A_60, %get3A_61] : memref<1x128xf32, #tpu.memory_space<vmem>>, vector<1x128xf32>
    %mul3A_63 = vector.broadcast %get3A_62 : vector<1x128xf32> to vector<10000x128xf32>
    %mul3A_64 = arith.mulf %max3A_52, %mul3A_63 : vector<10000x128xf32>
    %swap3A_65 = arith.constant 0 : index
    %swap3A_66 = arith.constant 0 : index
    %swap3A_67 = vector.load %arg8[%swap3A_65, %swap3A_66] : memref<10112x128xf32, #tpu.memory_space<vmem>>, vector<10000x128xf32>
    tpu.vector_store %arg8[%swap3A_65, %swap3A_66], %mul3A_64 {strides = array<i32>} : memref<10112x128xf32, #tpu.memory_space<vmem>>, vector<10000x128xf32>,
    %broadcast_in_dim3A_68 = arith.constant 0.000000e+00 : f32
    %broadcast_in_dim3A_69 = vector.broadcast %broadcast_in_dim3A_68 : f32 to vector<112x128xf32>
    %swap3A_70 = arith.constant 10000 : index
    %swap3A_71 = arith.constant 0 : index
    %swap3A_72 = vector.load %arg8[%swap3A_70, %swap3A_71] : memref<10112x128xf32, #tpu.memory_space<vmem>>, vector<112x128xf32>
    tpu.vector_store %arg8[%swap3A_70, %swap3A_71], %broadcast_in_dim3A_69 {strides = array<i32>} : memref<10112x128xf32, #tpu.memory_space<vmem>>, vector<112x128xf32>,
    return
  }
}

module attributes {stable_mosaic.version = 14 : i64} {
  func.func @_tc_score_body(%arg0: i32, %arg1: memref<2048x128xf32, #tpu.memory_space<vmem>>, %arg2: memref<2048x128xf32, #tpu.memory_space<vmem>>, %arg3: memref<2048x128xf32, #tpu.memory_space<vmem>>, %arg4: memref<2048x128xf32, #tpu.memory_space<vmem>>, %arg5: memref<16x128xf32, #tpu.memory_space<vmem>>, %arg6: memref<16x128xf32, #tpu.memory_space<vmem>>, %arg7: memref<16x128xf32, #tpu.memory_space<vmem>>) attributes {dimension_semantics = [#tpu.dimension_semantics<arbitrary>], iteration_bounds = array<i64: 160>, scalar_prefetch = 0 : i64, scratch_operands = 0 : i64, tpu.core_type = #tpu.core_type<tc>, window_params = [{transform_indices = @transform_0, window_bounds = array<i64: 2048, 128>}, {transform_indices = @transform_1, window_bounds = array<i64: 2048, 128>}, {transform_indices = @transform_2, window_bounds = array<i64: 2048, 128>}, {transform_indices = @transform_3, window_bounds = array<i64: 2048, 128>}, {transform_indices = @transform_4, window_bounds = array<i64: 16, 128>}, {transform_indices = @transform_5, window_bounds = array<i64: 16, 128>}, {transform_indices = @transform_6, window_bounds = array<i64: 16, 128>}]} {
    %get3A = arith.constant 0 : index
    %get3A_0 = arith.constant 0 : index
    %get3A_1 = vector.load %arg1[%get3A, %get3A_0] : memref<2048x128xf32, #tpu.memory_space<vmem>>, vector<2048x128xf32>
    %get3A_2 = arith.constant 0 : index
    %get3A_3 = arith.constant 0 : index
    %get3A_4 = vector.load %arg2[%get3A_2, %get3A_3] : memref<2048x128xf32, #tpu.memory_space<vmem>>, vector<2048x128xf32>
    %mul3A = arith.mulf %get3A_1, %get3A_4 : vector<2048x128xf32>
    %reduce_sum3A = arith.constant dense<0.000000e+00> : vector<2048xf32>
    %reduce_sum3A_5 = vector.multi_reduction <add>, %mul3A, %reduce_sum3A [1] : vector<2048x128xf32> to vector<2048xf32>
    %reshape3A = vector.shape_cast %reduce_sum3A_5 : vector<2048xf32> to vector<16x128xf32>
    %swap3A = arith.constant 0 : index
    %swap3A_6 = arith.constant 0 : index
    %swap3A_7 = vector.load %arg5[%swap3A, %swap3A_6] : memref<16x128xf32, #tpu.memory_space<vmem>>, vector<16x128xf32>
    tpu.vector_store %arg5[%swap3A, %swap3A_6], %reshape3A {strides = array<i32>} : memref<16x128xf32, #tpu.memory_space<vmem>>, vector<16x128xf32>,
    %get3A_8 = arith.constant 0 : index
    %get3A_9 = arith.constant 0 : index
    %get3A_10 = vector.load %arg3[%get3A_8, %get3A_9] : memref<2048x128xf32, #tpu.memory_space<vmem>>, vector<2048x128xf32>
    %mul3A_11 = arith.mulf %get3A_1, %get3A_10 : vector<2048x128xf32>
    %reduce_sum3A_12 = arith.constant dense<0.000000e+00> : vector<2048xf32>
    %reduce_sum3A_13 = vector.multi_reduction <add>, %mul3A_11, %reduce_sum3A_12 [1] : vector<2048x128xf32> to vector<2048xf32>
    %reshape3A_14 = vector.shape_cast %reduce_sum3A_13 : vector<2048xf32> to vector<16x128xf32>
    %swap3A_15 = arith.constant 0 : index
    %swap3A_16 = arith.constant 0 : index
    %swap3A_17 = vector.load %arg6[%swap3A_15, %swap3A_16] : memref<16x128xf32, #tpu.memory_space<vmem>>, vector<16x128xf32>
    tpu.vector_store %arg6[%swap3A_15, %swap3A_16], %reshape3A_14 {strides = array<i32>} : memref<16x128xf32, #tpu.memory_space<vmem>>, vector<16x128xf32>,
    %get3A_18 = arith.constant 0 : index
    %get3A_19 = arith.constant 0 : index
    %get3A_20 = vector.load %arg4[%get3A_18, %get3A_19] : memref<2048x128xf32, #tpu.memory_space<vmem>>, vector<2048x128xf32>
    %mul3A_21 = arith.mulf %get3A_1, %get3A_20 : vector<2048x128xf32>
    %reduce_sum3A_22 = arith.constant dense<0.000000e+00> : vector<2048xf32>
    %reduce_sum3A_23 = vector.multi_reduction <add>, %mul3A_21, %reduce_sum3A_22 [1] : vector<2048x128xf32> to vector<2048xf32>
    %reshape3A_24 = vector.shape_cast %reduce_sum3A_23 : vector<2048xf32> to vector<16x128xf32>
    %swap3A_25 = arith.constant 0 : index
    %swap3A_26 = arith.constant 0 : index
    %swap3A_27 = vector.load %arg7[%swap3A_25, %swap3A_26] : memref<16x128xf32, #tpu.memory_space<vmem>>, vector<16x128xf32>
    tpu.vector_store %arg7[%swap3A_25, %swap3A_26], %reshape3A_24 {strides = array<i32>} : memref<16x128xf32, #tpu.memory_space<vmem>>, vector<16x128xf32>,
    return
  }
  func.func @transform_0(%arg0: i32) -> (i32, i32) {
    %c0_i32 = arith.constant 0 : i32
    %c0_i32_0 = arith.constant 0 : i32
    return %arg0, %c0_i32 : i32, i32
  }
  func.func @transform_1(%arg0: i32) -> (i32, i32) {
    %c0_i32 = arith.constant 0 : i32
    %c0_i32_0 = arith.constant 0 : i32
    return %arg0, %c0_i32 : i32, i32
  }
  func.func @transform_2(%arg0: i32) -> (i32, i32) {
    %c0_i32 = arith.constant 0 : i32
    %c0_i32_0 = arith.constant 0 : i32
    return %arg0, %c0_i32 : i32, i32
  }
  func.func @transform_3(%arg0: i32) -> (i32, i32) {
    %c0_i32 = arith.constant 0 : i32
    %c0_i32_0 = arith.constant 0 : i32
    return %arg0, %c0_i32 : i32, i32
  }
  func.func @transform_4(%arg0: i32) -> (i32, i32) {
    %c0_i32 = arith.constant 0 : i32
    %c0_i32_0 = arith.constant 0 : i32
    return %arg0, %c0_i32 : i32, i32
  }
  func.func @transform_5(%arg0: i32) -> (i32, i32) {
    %c0_i32 = arith.constant 0 : i32
    %c0_i32_0 = arith.constant 0 : i32
    return %arg0, %c0_i32 : i32, i32
  }
  func.func @transform_6(%arg0: i32) -> (i32, i32) {
    %c0_i32 = arith.constant 0 : i32
    %c0_i32_0 = arith.constant 0 : i32
    return %arg0, %c0_i32 : i32, i32
  }
}

</mosaic_0001>

<sc_bundles>
// kernel: kernel.10.cloned.1.call-start
scs
__scs_entry_jumppad:
0x0: {  	(pc) =	sbr.rel $0x88, $3  }
0x1: {  	(tag) =	ssettag $0x0;
	lr =	simm.s32 $0x1  }
0x2: {  	[smem:$0x3F95] =	sst lr;
	_ =	strace $0xD0000000  }
0x3: {  	_ = 	snop  }
0x4: {  	_ = 	snop  }
0x5: {  	_ = 	snop  }
0x6: {  	_ = 	snop  }
0x7: {  	_ = 	snop  }
__scs_overlays_trampoline_lowered:
0x8: {  	[smem:$0x3FA4] =	sst s0  }
0x9: {  	[smem:$0x3FA5] =	sst s1  }
0xa: {  	[smem:$0x3FA6] =	sst s2  }
0xb: {  	[smem:$0x3FA7] =	sst s3  }
0xc: {  	[smem:$0x3FA8] =	sst s4  }
0xd: {  	[smem:$0x3FA9] =	sst s5  }
0xe: {  	[smem:$0x3FAA] =	sst s6  }
0xf: {  	[smem:$0x3FAB] =	sst s7  }
0x10: {  	[smem:$0x3FAC] =	sst s8  }
0x11: {  	[smem:$0x3FAD] =	sst s9;
	s0 =	simm.s32 @!p0 $0x0  }
0x12: {  	s1 =	sld [smem:$0x3F93];
	s0 =	simm.s32 @p0 $0x1  }
0x13: {  	[smem:$0x3FAE] =	sst s0;
	s0 =	simm.s32 @!p1 $0x0  }
0x14: {  	s2 =	sld [smem:$0x3F92];
	s0 =	simm.s32 @p1 $0x1  }
0x15: {  	[smem:$0x3FAF] =	sst s0;
	s0 =	simm.s32 @!p2 $0x0  }
0x16: {  	s3 =	sld [smem:$0x3FDB];
	s0 =	simm.s32 @p2 $0x1  }
0x17: {  	s4 =	simm.s32 $0x1BF5;
	[smem:$0x3FB1] =	sst s0  }
0x18: {  	s0 =	sld [smem:$0x3F94];
	_ =	swait.ge [sflag:s4], $0x0  }
0x19: {  	s7 =	sld [smem:$0x3F95]  }
0x1a: {  	s8 =	sadd.s32 $0xFFFFE003, lr  }
0x1b: {  	s9 =	sadd.s32 $0xFFFFFEF7, lr;
	s5 =	simm.s32 $0xFFFFFFFF;
	p2 =	slt.u32 s8, $0xFFFFF086  }
0x1c: {  	p1 =	slt.u32 s9, $0xF7A;
	s5 =	simm.s32 @!p2 $0x0  }
0x1d: {  	s5 =	simm.s32 @p1 $0x1;
	p0 =	seq.s32 s7, s2  }
0x1e: {  	s7 =	smul.u32 @!p0 $0xF7A, s2;
	p2 =	seq.s32 @!p0 s5, $0x0  }
0x1f: {  	s9 =	smul.u32 $0xF7A, s1;
	s8 =	simm.s32 @!p0 $0x1BF5;
	p2 =	por !p2, p0  }
0x20: {  	[sflag:s8] =	ssyncset.s32 @!p0 $0xFFFFF086;
	s6 =	sadd.s32 @!p0 s3, s7;
	s7 =	simm.s32 @!p0 $0x108  }
0x21: {  	s3 =	sadd.s32 s3, s9;
	s6 =	sadd.s32 @!p0 $0x88, s6;
	s7 =	simm.s32 @p2 $0x1082  }
0x22: {  	[simem:s7], [sflag:s8] =	dma.local @!p0 [hbm:s6], $0xF7A  }
0x23: {  	s9 =	sor.u32 $0xD0000000, s2;
	s6 =	simm.s32 $0x108;
	_ =	swait.ge @!p0 [sflag:s8], $0x0  }
0x24: {  	s3 =	sadd.s32 $0x88, s3;
	s6 =	simm.s32 @!p1 $0x1082;
	[sflag:s4] =	ssyncset.s32 $0xFFFFF086  }
0x25: {  	[simem:s6], [sflag:s4] =	dma.local [hbm:s3], $0xF7A  }
0x26: {  	[smem:$0x3F95] =	sst s1;
	(tag) =	ssettag s2;
	_ =	strace s9  }
0x27: {  	s1 =	sld [smem:$0x3FA5]  }
0x28: {  	s2 =	sld [smem:$0x3FA6]  }
0x29: {  	s4 =	sld [smem:$0x3FA8]  }
0x2a: {  	p0 =	seq.s32 s5, $0x0;
	s5 =	sld [smem:$0x3FA9]  }
0x2b: {  	s6 =	sld [smem:$0x3FAA]  }
0x2c: {  	s7 =	sld [smem:$0x3FAB]  }
0x2d: {  	s3 =	simm.s32 $0x108;
	s8 =	sld [smem:$0x3FAC]  }
0x2e: {  	s3 =	simm.s32 @!p0 $0x1082;
	s9 =	sld [smem:$0x3FAD]  }
0x2f: {  	lr =	sadd.s32 s0, s3;
	s0 =	sld [smem:$0x3FA4]  }
0x30: {  	s3 =	sld [smem:$0x3FA7]  }
0x31: {  	[smem:$0x3FB0] =	sst s10  }
0x32: {  	s10 =	sld [smem:$0x3FAE];
	_ =	sdelay $0x3  }
0x33: {  	p0 =	seq.s32 s10, $0x1;
	s10 =	sld [smem:$0x3FB0];
	_ =	sdelay $0x3  }
0x34: {  	[smem:$0x3FB0] =	sst s10  }
0x35: {  	s10 =	sld [smem:$0x3FAF];
	_ =	sdelay $0x3  }
0x36: {  	p1 =	seq.s32 s10, $0x1;
	s10 =	sld [smem:$0x3FB0];
	_ =	sdelay $0x3  }
0x37: {  	[smem:$0x3FB0] =	sst s10  }
0x38: {  	s10 =	sld [smem:$0x3FB1]  }
0x39: {  	_ = 	snop;
	(pc) =	sbr.ind lr, $3  }
0x3a: {  	_ = 	snop  }
0x3b: {  	_ = 	snop  }
0x3c: {  	p2 =	seq.s32 s10, $0x1;
	s10 =	sld [smem:$0x3FB0]  }
0x3d: {  	_ =	shalt  }
0x3e: {  	_ =	shalt  }
0x3f: {  	_ =	shalt  }
0x40: {  	_ =	shalt  }
0x41: {  	_ =	shalt  }
0x42: {  	_ =	shalt  }
0x43: {  	_ =	shalt  }
0x44: {  	_ =	shalt  }
0x45: {  	_ =	shalt  }
0x46: {  	_ =	shalt  }
0x47: {  	_ =	shalt  }
0x48: {  	_ =	shalt  }
0x49: {  	_ =	shalt  }
0x4a: {  	_ =	shalt  }
0x4b: {  	_ =	shalt  }
0x4c: {  	_ =	shalt  }
0x4d: {  	_ =	shalt  }
0x4e: {  	_ =	shalt  }
0x4f: {  	_ =	shalt  }
0x50: {  	_ =	shalt  }
0x51: {  	_ =	shalt  }
0x52: {  	_ =	shalt  }
0x53: {  	_ =	shalt  }
0x54: {  	_ =	shalt  }
0x55: {  	_ =	shalt  }
0x56: {  	_ =	shalt  }
0x57: {  	_ =	shalt  }
0x58: {  	_ =	shalt  }
0x59: {  	_ =	shalt  }
0x5a: {  	_ =	shalt  }
0x5b: {  	_ =	shalt  }
0x5c: {  	_ =	shalt  }
0x5d: {  	_ =	shalt  }
0x5e: {  	_ =	shalt  }
0x5f: {  	_ =	shalt  }
0x60: {  	_ =	shalt  }
0x61: {  	_ =	shalt  }
0x62: {  	_ =	shalt  }
0x63: {  	_ =	shalt  }
0x64: {  	_ =	shalt  }
0x65: {  	_ =	shalt  }
0x66: {  	_ =	shalt  }
0x67: {  	_ =	shalt  }
0x68: {  	_ =	shalt  }
0x69: {  	_ =	shalt  }
0x6a: {  	_ =	shalt  }
0x6b: {  	_ =	shalt  }
0x6c: {  	_ =	shalt  }
0x6d: {  	_ =	shalt  }
0x6e: {  	_ =	shalt  }
0x6f: {  	_ =	shalt  }
0x70: {  	_ =	shalt  }
0x71: {  	_ =	shalt  }
0x72: {  	_ =	shalt  }
0x73: {  	_ =	shalt  }
0x74: {  	_ =	shalt  }
0x75: {  	_ =	shalt  }
0x76: {  	_ =	shalt  }
0x77: {  	_ =	shalt  }
0x78: {  	_ =	shalt  }
0x79: {  	_ =	shalt  }
0x7a: {  	_ =	shalt  }
0x7b: {  	_ =	shalt  }
0x7c: {  	_ =	shalt  }
0x7d: {  	_ =	shalt  }
0x7e: {  	_ =	shalt  }
0x7f: {  	_ =	shalt  }
0x80: {  	_ =	shalt  }
0x81: {  	_ =	shalt  }
0x82: {  	_ =	shalt  }
0x83: {  	_ =	shalt  }
0x84: {  	_ =	shalt  }
0x85: {  	_ =	shalt  }
0x86: {  	_ =	shalt  }
0x87: {  	_ =	shalt  }
.Lfunc_end0:
.L_simem_size_0:
called_computation_lowered:
.L_overlay_start_0:
0x88: {  	s2 =	sld [smem:$0x3FD9]  }
0x89: {  	s3 =	sld [smem:$0x3FFE];
	_ =	sdelay $0x1  }
0x8a: {  	s1 =	srdreg.scid  }
0x8b: {  	s0 =	sand.u32 $0x1, s1  }
0x8c: {  	s14 =	sshll.u32 s0, $0xA;
	s2 =	sadd.s32 s3, s2  }
0x8d: {  	s2 =	sadd.s32 s2, s14  }
0x8e: {  	[smem:$0x3FBC] =	sst s2  }
0x8f: {  	_ = 	snop  }
0x90: {  	s2 =	sld [smem:$0x3FD0];
	_ =	sdelay $0x2  }
0x91: {  	s15 =	simm.s32 $0xB;
	s4 =	simm.s32 $0x10  }
0x92: {  	[smem:s4], [sflag:s15] =	dma.local [hbm:s2], $0x1  }
0x93: {  	_ =	swait.eq [sflag:s15], $0x1  }
0x94: {  	[sflag:s15] =	ssyncset.done $0x0  }
0x95: {  	[sflag:s15] =	ssyncadd.s32 $0xFFFFFFFF  }
0x96: {  	s16 =	sld [smem:$0x10];
	(tm) =	ssettm $0x1  }
0x97: {  	s17 =	sld [smem:$0x3FFB];
	_ =	sdelay $0x3  }
0x98: {  	_ =	strace s17  }
0x99: {  	s3 =	sld [smem:$0x3FFC];
	_ =	sdelay $0x3  }
0x9a: {  	_ =	strace s3  }
0x9b: {  	s3 =	sld [smem:$0x3FFD];
	_ =	sdelay $0x3  }
0x9c: {  	_ =	strace s3  }
0x9d: {  	_ =	strace $0x8FFFFFFF  }
0x9e: {  	s18 =	sld [smem:$0x3FDB];
	_ =	sdelay $0x1  }
0x9f: {  	s19 =	simm.s32 $_scs_section_size  }
0xa0: {  	s5 =	simm.s32 $_size__tile_overlayer_lowered;
	s6 =	simm.s32 $_tile_overlayer_lowered  }
0xa1: {  	s22 =	simm.s32 $0x1BFF;
	s21 =	sshll.u32 s6, $0x1;
	s3 =	sadd.s32 s19, s18  }
0xa2: {  	s7 =	simm.s32 $0x0;
	s20 =	sshll.u32 s5, $0x1;
	s5 =	sadd.s32 s21, s3  }
0xa3: {  	[timem:s7], [sflag:s22] =	dma.local [hbm:s5], s20  }
0xa4: {  	_ =	swait.ge [sflag:s22], s20  }
0xa5: {  	s4 =	ssub.s32 $0x0, s20;
	[sflag:s22] =	ssyncset.done $0x0  }
0xa6: {  	[sflag:s22] =	ssyncadd.s32 s4;
	_ =	sdelay $0x1  }
0xa7: {  	s23 =	simm.s32 $0x1B8B  }
0xa8: {  	_ =	swait.ge [sflag:s23], $0x1  }
0xa9: {  	[sflag:s23] =	ssyncset.done $0x0  }
0xaa: {  	s25 =	simm.s32 $0x1B8E;
	s24 =	sld [smem:$0x3FFE];
	[sflag:s23] =	ssyncadd.s32 $0xFFFFFFFF  }
0xab: {  	s26 =	simm.s32 $execute0_lowered;
	[smem:$0x3FD2] =	sst s25  }
0xac: {  	s5 =	sshll.u32 s26, $0x1;
	_ =	strace $0x80000046;
	[dreg:$0x1] =	wrdreg $0xFFFFFFFF  }
0xad: {  	s28 =	simm.s32 $_size_execute0_lowered;
	s3 =	sadd.s32 s3, s5;
	[dreg:$0x0] =	wrdreg $0x0  }
0xae: {  	s5 =	sshll.u32 s28, $0x1;
	[dreg:$0x2] =	wrdreg s3  }
0xaf: {  	[dreg:$0x3] =	wrdreg s5  }
0xb0: {  	[dreg:$0x4] =	wrdreg $0xC0  }
0xb1: {  	_ =	task [dreg:s7], $0x5FFFF  }
0xb2: {  	[dreg:$0x1] =	wrdreg $0xFFFFFFFF  }
0xb3: {  	[dreg:$0x0] =	wrdreg $0x60  }
0xb4: {  	[dreg:$0x2] =	wrdreg s24  }
0xb5: {  	[dreg:$0x3] =	wrdreg s16  }
0xb6: {  	[dreg:$0x4] =	wrdreg $0x9  }
0xb7: {  	_ =	task.clear_ibuf [dreg:s7], $0x5FFFF;
	_ =	strace $0x90000046  }
0xb8: {  	s29 =	simm.s32 $0x9;
	_ =	strace $0x80000048  }
0xb9: {  	_ =	swait.ge [sflag:s29], $0x1  }
0xba: {  	[sflag:s29] =	ssyncadd.s32 $0xFFFFFFFF  }
0xbb: {  	_ =	strace $0x90000048  }
0xbc: {  	_ =	sfence  }
0xbd: {  	s30 =	sld [smem:$0x0];
	_ =	sdelay $0x2  }
0xbe: {  	s31 =	sshll.u32 s1, $0xD;
	s1 =	sshrl.u32 s1, $0x2  }
0xbf: {  	s3 =	sand.u32 $0x4000, s31;
	s1 =	sadd.s32 s1, s30  }
0xc0: {  	s0 =	sor.u32 s3, s0;
	s1 =	sshll.u32 s1, $0x11  }
0xc1: {  	s0 =	sor.u32 s1, s0  }
0xc2: {  	s0 =	sadd.s32 $0x8F2B, s0  }
0xc3: {  	[sflag:s0] =	ssyncadd.remote.s32 $0x1  }
0xc4: {  	_ =	sfence.sel $0xFFFF  }
0xc5: {  	[dreg:$0x0] =	wrdreg $0xFFFFFFFF;
	(pc) =	sbr.abs _section_cstart, $3  }
0xc6: {  	[dreg:$0x1] =	wrdreg $0xFFFFFFFF  }
0xc7: {  	_ =	task.clear_ibuf [dreg:s7], $0x2FFFF;
	_ =	strace $0x9FFFFFFF  }
0xc8: {  	(tm) =	ssettm $0x7FFFFFFF  }
0xc9: {  	_ =	shalt  }
tec
execute0_lowered:
.L_overlay_start_1:
0x0: {  	(tag) =	ssettag $0x1  }
0x1: {  	s1 =	srdreg.scid;
	s5 =	rddreg [dreg:$0x0]  }
0x2: {  	s0 =	stileid.u32;
	s2 =	rddreg [dreg:$0x1]  }
0x3: {  	s3 =	simm.s32 $0x0;
	s9 =	simm.s32 $0x80;
	s10 =	simm.s32 $0x400  }
0x4: {  	s11 =	simm.s32 $0x0;
	s4 =	sand.u32 $0x1, s1;
	s29 =	sshll.u32 s0, $0x1  }
0x5: {  	s30 =	sshrl.u32 s0, $0x2;
	s1 =	rddreg [dreg:$0x2];
	s6 =	sor.u32 s4, s29  }
0x6: {  	[smem:$0x7FF] =	sst s3;
	s7 =	smul.u32 $0x13C00, s30;
	s8 =	sshll.u32 s6, $0x7  }
0x7: {  	s4 =	ssub.s32 $0x2, s4;
	s6 =	smul.u32 $0x500, s6;
	s8 =	sand.u32 $0x380, s8  }
0x8: {  	_ =	strace $0x80000047;
	s31 =	sshrl.u32 s4, $0x1;
	s7 =	sor.u32 s7, s8  }
0x9: {  	s6 =	sadd.s32 s6, s5;
	s8 =	simm.s32 $0x1;
	s7 =	sshrl.u32 s7, $0x3  }
0xa: {  	s5 =	sadd.s32 s7, s5;
	s7 =	ssub.s32 s4, s31;
	s4 =	sadd.s32 $0x4400, s6  }
0xb: {  	v0 =	vimm.f32 $1.000000000e+00;
	s5 =	sadd.s32 $0xE400, s5;
	s6 =	smax.u32 s7, $0x1;
	s7 =	simm.s32 $0x2800  }
.LBB2_1:
0xc: {  	[tilespmem:s7], [sflag:$0x1] =	stream.linear.gather [hbm4b:s2+s3], $0x2780, $0x38;
	[tilespmem:$0x4F80] =	vst v63  }
0xd: {  	_ =	swait.ge [sflag:s8], $0x2780  }
0xe: {  	[sflag:s8] =	ssyncset.done $0x0  }
0xf: {  	[sflag:s8] =	ssyncadd.s32 $0xFFFFD880  }
0x10: {  	[tilespmem:s3], [sflag:$0x1] =	stream.linear.gather [hbm4b:s4+s3], $0x2800, $0x38;
	[tilespmem:$0x4F80] =	vst v63  }
0x11: {  	_ =	swait.ge [sflag:s8], $0x2800  }
0x12: {  	[sflag:s8] =	ssyncset.done $0x0  }
0x13: {  	s12 =	simm.s32 $0x1C0;
	[sflag:s8] =	ssyncadd.s32 $0xFFFFD800  }
.LBB2_2:
0x14: {  	s13 =	sshra.s32 s12, $0x2  }
0x15: {  	v1 =	vld [tilespmem:s13+$0xFFFFFF90];
	_ =	sdelay $0x7  }
0x16: {  	[tilespmem:v1+s7+$0x0] =	vst.idx.add.f32.msk $0xffff, v0  }
0x17: {  	v1 =	vld [tilespmem:s13+$0xFFFFFFA0];
	_ =	sdelay $0x7  }
0x18: {  	[tilespmem:v1+s7+$0x0] =	vst.idx.add.f32.msk $0xffff, v0  }
0x19: {  	v1 =	vld [tilespmem:s13+$0xFFFFFFB0];
	_ =	sdelay $0x7  }
0x1a: {  	[tilespmem:v1+s7+$0x0] =	vst.idx.add.f32.msk $0xffff, v0  }
0x1b: {  	v1 =	vld [tilespmem:s13+$0xFFFFFFC0];
	_ =	sdelay $0x7  }
0x1c: {  	[tilespmem:v1+s7+$0x0] =	vst.idx.add.f32.msk $0xffff, v0  }
0x1d: {  	v1 =	vld [tilespmem:s13+$0xFFFFFFD0];
	_ =	sdelay $0x7  }
0x1e: {  	[tilespmem:v1+s7+$0x0] =	vst.idx.add.f32.msk $0xffff, v0  }
0x1f: {  	v1 =	vld [tilespmem:s13+$0xFFFFFFE0];
	_ =	sdelay $0x7  }
0x20: {  	[tilespmem:v1+s7+$0x0] =	vst.idx.add.f32.msk $0xffff, v0  }
0x21: {  	v1 =	vld [tilespmem:s13+$0xFFFFFFF0];
	_ =	sdelay $0x7  }
0x22: {  	[tilespmem:v1+s7+$0x0] =	vst.idx.add.f32.msk $0xffff, v0  }
0x23: {  	v1 =	vld [tilespmem:s13+$0x0];
	_ =	sdelay $0x2  }
0x24: {  	p0 =	sne.s32 s12, $0x9FC0  }
.Ltmp0:
0x25: {  	_ = 	snop;
	(pc) =	sbr.rel @p0 .LBB2_2-.Ltmp0, $2  }
0x26: {  	_ =	sdelay $0x2  }
0x27: {  	s12 =	sadd.s32 $0x200, s12;
	[tilespmem:v1+s7+$0x0] =	vst.idx.add.f32.msk $0xffff, v0  }
0x28: {  	s11 =	sadd.s32 $0x1, s11  }
0x29: {  	p0 =	sne.s32 s11, s6  }
.Ltmp1:
0x2a: {  	_ = 	snop;
	(pc) =	sbr.rel @p0 .LBB2_1-.Ltmp1, $4  }
0x2b: {  	[hbm4b:s5+s9] =	stream.strided.scatter [tilespmem:s7], [sflag:$0x1], $0x2780, s10, s9, $0x38;
	[tilespmem:$0x4F80] =	vst v63  }
0x2c: {  	_ =	swait.ge [sflag:s8], $0x2780  }
0x2d: {  	[sflag:s8] =	ssyncset.done $0x0  }
0x2e: {  	[sflag:s8] =	ssyncadd.s32 $0xFFFFD880  }
0x2f: {  	_ =	sfence.sel $0x180000  }
0x30: {  	[bflag:$0x0] =	sbarrier.arrive $0xFFFF  }
0x31: {  	p0 =	sne.s32 s0, $0x0;
	_ =	strace $0x90000047  }
0x32: {  	s0 =	sadd.s32 @!p0 $0x100000, s1;
	[bflag:$0x2] =	sbarrier.arrive $0xFFFF  }
0x33: {  	[sflag:s0] =	ssyncadd.tile.s32 @!p0 $0x1;
	_ =	shalt  }
.Lfunc_end2:
_tile_overlayer_lowered:
.L_overlay_start_2:
0x34: {  	(tag) =	ssettag $0x2  }
0x35: {  	s0 =	rddreg [dreg:$0x0];
	s2 =	stileid.u32  }
0x36: {  	s1 =	rddreg [dreg:$0x1];
	p0 =	sne.s32 s2, $0x0  }
0x37: {  	s3 =	rddreg [dreg:$0x2];
	[bflag:$0x3] =	sbarrier.arrive $0xFFFF;
	s2 =	simm.s32 @!p0 $0x1C01  }
0x38: {  	[timem:s3], [sflag:s2] =	dma.local @!p0 [hbm:s0], s1  }
0x39: {  	s0 =	simm.s32 @!p0 $0x1  }
0x3a: {  	_ =	swait.ge @!p0 [sflag:s0], s1  }
0x3b: {  	s1 =	ssub.s32 @!p0 $0x0, s1;
	[sflag:s0] =	ssyncset.done @!p0 $0x0  }
0x3c: {  	[sflag:s0] =	ssyncadd.s32 @!p0 s1  }
0x3d: {  	[bflag:$0x3] =	sbarrier.arrive $0xFFFF  }
0x3e: {  	_ =	shalt  }

// kernel: kernel.13.cloned.1.call-start
scs
__scs_entry_jumppad:
0x0: {  	(pc) =	sbr.rel $0x88, $3  }
0x1: {  	(tag) =	ssettag $0x0;
	lr =	simm.s32 $0x1  }
0x2: {  	[smem:$0x3F95] =	sst lr;
	_ =	strace $0xD0000000  }
0x3: {  	_ = 	snop  }
0x4: {  	_ = 	snop  }
0x5: {  	_ = 	snop  }
0x6: {  	_ = 	snop  }
0x7: {  	_ = 	snop  }
__scs_overlays_trampoline_lowered:
0x8: {  	[smem:$0x3FA4] =	sst s0  }
0x9: {  	[smem:$0x3FA5] =	sst s1  }
0xa: {  	[smem:$0x3FA6] =	sst s2  }
0xb: {  	[smem:$0x3FA7] =	sst s3  }
0xc: {  	[smem:$0x3FA8] =	sst s4  }
0xd: {  	[smem:$0x3FA9] =	sst s5  }
0xe: {  	[smem:$0x3FAA] =	sst s6  }
0xf: {  	[smem:$0x3FAB] =	sst s7  }
0x10: {  	[smem:$0x3FAC] =	sst s8  }
0x11: {  	[smem:$0x3FAD] =	sst s9;
	s0 =	simm.s32 @!p0 $0x0  }
0x12: {  	s1 =	sld [smem:$0x3F93];
	s0 =	simm.s32 @p0 $0x1  }
0x13: {  	[smem:$0x3FAE] =	sst s0;
	s0 =	simm.s32 @!p1 $0x0  }
0x14: {  	s2 =	sld [smem:$0x3F92];
	s0 =	simm.s32 @p1 $0x1  }
0x15: {  	[smem:$0x3FAF] =	sst s0;
	s0 =	simm.s32 @!p2 $0x0  }
0x16: {  	s3 =	sld [smem:$0x3FDB];
	s0 =	simm.s32 @p2 $0x1  }
0x17: {  	s4 =	simm.s32 $0x1BF5;
	[smem:$0x3FB1] =	sst s0  }
0x18: {  	s0 =	sld [smem:$0x3F94];
	_ =	swait.ge [sflag:s4], $0x0  }
0x19: {  	s7 =	sld [smem:$0x3F95]  }
0x1a: {  	s8 =	sadd.s32 $0xFFFFE003, lr  }
0x1b: {  	s9 =	sadd.s32 $0xFFFFFEF7, lr;
	s5 =	simm.s32 $0xFFFFFFFF;
	p2 =	slt.u32 s8, $0xFFFFF086  }
0x1c: {  	p1 =	slt.u32 s9, $0xF7A;
	s5 =	simm.s32 @!p2 $0x0  }
0x1d: {  	s5 =	simm.s32 @p1 $0x1;
	p0 =	seq.s32 s7, s2  }
0x1e: {  	s7 =	smul.u32 @!p0 $0xF7A, s2;
	p2 =	seq.s32 @!p0 s5, $0x0  }
0x1f: {  	s9 =	smul.u32 $0xF7A, s1;
	s8 =	simm.s32 @!p0 $0x1BF5;
	p2 =	por !p2, p0  }
0x20: {  	[sflag:s8] =	ssyncset.s32 @!p0 $0xFFFFF086;
	s6 =	sadd.s32 @!p0 s3, s7;
	s7 =	simm.s32 @!p0 $0x108  }
0x21: {  	s3 =	sadd.s32 s3, s9;
	s6 =	sadd.s32 @!p0 $0x88, s6;
	s7 =	simm.s32 @p2 $0x1082  }
0x22: {  	[simem:s7], [sflag:s8] =	dma.local @!p0 [hbm:s6], $0xF7A  }
0x23: {  	s9 =	sor.u32 $0xD0000000, s2;
	s6 =	simm.s32 $0x108;
	_ =	swait.ge @!p0 [sflag:s8], $0x0  }
0x24: {  	s3 =	sadd.s32 $0x88, s3;
	s6 =	simm.s32 @!p1 $0x1082;
	[sflag:s4] =	ssyncset.s32 $0xFFFFF086  }
0x25: {  	[simem:s6], [sflag:s4] =	dma.local [hbm:s3], $0xF7A  }
0x26: {  	[smem:$0x3F95] =	sst s1;
	(tag) =	ssettag s2;
	_ =	strace s9  }
0x27: {  	s1 =	sld [smem:$0x3FA5]  }
0x28: {  	s2 =	sld [smem:$0x3FA6]  }
0x29: {  	s4 =	sld [smem:$0x3FA8]  }
0x2a: {  	p0 =	seq.s32 s5, $0x0;
	s5 =	sld [smem:$0x3FA9]  }
0x2b: {  	s6 =	sld [smem:$0x3FAA]  }
0x2c: {  	s7 =	sld [smem:$0x3FAB]  }
0x2d: {  	s3 =	simm.s32 $0x108;
	s8 =	sld [smem:$0x3FAC]  }
0x2e: {  	s3 =	simm.s32 @!p0 $0x1082;
	s9 =	sld [smem:$0x3FAD]  }
0x2f: {  	lr =	sadd.s32 s0, s3;
	s0 =	sld [smem:$0x3FA4]  }
0x30: {  	s3 =	sld [smem:$0x3FA7]  }
0x31: {  	[smem:$0x3FB0] =	sst s10  }
0x32: {  	s10 =	sld [smem:$0x3FAE];
	_ =	sdelay $0x3  }
0x33: {  	p0 =	seq.s32 s10, $0x1;
	s10 =	sld [smem:$0x3FB0];
	_ =	sdelay $0x3  }
0x34: {  	[smem:$0x3FB0] =	sst s10  }
0x35: {  	s10 =	sld [smem:$0x3FAF];
	_ =	sdelay $0x3  }
0x36: {  	p1 =	seq.s32 s10, $0x1;
	s10 =	sld [smem:$0x3FB0];
	_ =	sdelay $0x3  }
0x37: {  	[smem:$0x3FB0] =	sst s10  }
0x38: {  	s10 =	sld [smem:$0x3FB1]  }
0x39: {  	_ = 	snop;
	(pc) =	sbr.ind lr, $3  }
0x3a: {  	_ = 	snop  }
0x3b: {  	_ = 	snop  }
0x3c: {  	p2 =	seq.s32 s10, $0x1;
	s10 =	sld [smem:$0x3FB0]  }
0x3d: {  	_ =	shalt  }
0x3e: {  	_ =	shalt  }
0x3f: {  	_ =	shalt  }
0x40: {  	_ =	shalt  }
0x41: {  	_ =	shalt  }
0x42: {  	_ =	shalt  }
0x43: {  	_ =	shalt  }
0x44: {  	_ =	shalt  }
0x45: {  	_ =	shalt  }
0x46: {  	_ =	shalt  }
0x47: {  	_ =	shalt  }
0x48: {  	_ =	shalt  }
0x49: {  	_ =	shalt  }
0x4a: {  	_ =	shalt  }
0x4b: {  	_ =	shalt  }
0x4c: {  	_ =	shalt  }
0x4d: {  	_ =	shalt  }
0x4e: {  	_ =	shalt  }
0x4f: {  	_ =	shalt  }
0x50: {  	_ =	shalt  }
0x51: {  	_ =	shalt  }
0x52: {  	_ =	shalt  }
0x53: {  	_ =	shalt  }
0x54: {  	_ =	shalt  }
0x55: {  	_ =	shalt  }
0x56: {  	_ =	shalt  }
0x57: {  	_ =	shalt  }
0x58: {  	_ =	shalt  }
0x59: {  	_ =	shalt  }
0x5a: {  	_ =	shalt  }
0x5b: {  	_ =	shalt  }
0x5c: {  	_ =	shalt  }
0x5d: {  	_ =	shalt  }
0x5e: {  	_ =	shalt  }
0x5f: {  	_ =	shalt  }
0x60: {  	_ =	shalt  }
0x61: {  	_ =	shalt  }
0x62: {  	_ =	shalt  }
0x63: {  	_ =	shalt  }
0x64: {  	_ =	shalt  }
0x65: {  	_ =	shalt  }
0x66: {  	_ =	shalt  }
0x67: {  	_ =	shalt  }
0x68: {  	_ =	shalt  }
0x69: {  	_ =	shalt  }
0x6a: {  	_ =	shalt  }
0x6b: {  	_ =	shalt  }
0x6c: {  	_ =	shalt  }
0x6d: {  	_ =	shalt  }
0x6e: {  	_ =	shalt  }
0x6f: {  	_ =	shalt  }
0x70: {  	_ =	shalt  }
0x71: {  	_ =	shalt  }
0x72: {  	_ =	shalt  }
0x73: {  	_ =	shalt  }
0x74: {  	_ =	shalt  }
0x75: {  	_ =	shalt  }
0x76: {  	_ =	shalt  }
0x77: {  	_ =	shalt  }
0x78: {  	_ =	shalt  }
0x79: {  	_ =	shalt  }
0x7a: {  	_ =	shalt  }
0x7b: {  	_ =	shalt  }
0x7c: {  	_ =	shalt  }
0x7d: {  	_ =	shalt  }
0x7e: {  	_ =	shalt  }
0x7f: {  	_ =	shalt  }
0x80: {  	_ =	shalt  }
0x81: {  	_ =	shalt  }
0x82: {  	_ =	shalt  }
0x83: {  	_ =	shalt  }
0x84: {  	_ =	shalt  }
0x85: {  	_ =	shalt  }
0x86: {  	_ =	shalt  }
0x87: {  	_ =	shalt  }
.Lfunc_end0:
.L_simem_size_0:
called_computation.1_lowered:
.L_overlay_start_0:
0x88: {  	s2 =	sld [smem:$0x3FD9]  }
0x89: {  	s3 =	sld [smem:$0x3FFE];
	_ =	sdelay $0x1  }
0x8a: {  	s1 =	srdreg.scid  }
0x8b: {  	s0 =	sand.u32 $0x1, s1  }
0x8c: {  	s15 =	sshll.u32 s0, $0xA;
	s2 =	sadd.s32 s3, s2  }
0x8d: {  	s2 =	sadd.s32 s2, s15  }
0x8e: {  	[smem:$0x3FBC] =	sst s2  }
0x8f: {  	_ = 	snop  }
0x90: {  	s2 =	sld [smem:$0x3FD0];
	_ =	sdelay $0x2  }
0x91: {  	s16 =	simm.s32 $0xB;
	s4 =	simm.s32 $0x10  }
0x92: {  	[smem:s4], [sflag:s16] =	dma.local [hbm:s2], $0x1  }
0x93: {  	_ =	swait.eq [sflag:s16], $0x1  }
0x94: {  	[sflag:s16] =	ssyncset.done $0x0  }
0x95: {  	[sflag:s16] =	ssyncadd.s32 $0xFFFFFFFF  }
0x96: {  	s17 =	sld [smem:$0x11];
	(tm) =	ssettm $0x1  }
0x97: {  	s18 =	sld [smem:$0x3FFB];
	_ =	sdelay $0x3  }
0x98: {  	_ =	strace s18  }
0x99: {  	s2 =	sld [smem:$0x3FFC];
	_ =	sdelay $0x3  }
0x9a: {  	_ =	strace s2  }
0x9b: {  	s2 =	sld [smem:$0x3FFD];
	_ =	sdelay $0x3  }
0x9c: {  	_ =	strace s2  }
0x9d: {  	_ =	strace $0x8FFFFFFF  }
0x9e: {  	s19 =	sld [smem:$0x3FDB];
	_ =	sdelay $0x1  }
0x9f: {  	s20 =	simm.s32 $_scs_section_size  }
0xa0: {  	s5 =	simm.s32 $_size__tile_overlayer_lowered;
	s6 =	simm.s32 $_tile_overlayer_lowered  }
0xa1: {  	s7 =	simm.s32 $0x1BFF;
	s21 =	sshll.u32 s6, $0x1;
	s4 =	sadd.s32 s20, s19  }
0xa2: {  	s22 =	simm.s32 $0x0;
	s5 =	sshll.u32 s5, $0x1;
	s6 =	sadd.s32 s21, s4  }
0xa3: {  	[timem:s22], [sflag:s7] =	dma.local [hbm:s6], s5  }
0xa4: {  	_ =	swait.ge [sflag:s7], s5  }
0xa5: {  	s5 =	ssub.s32 $0x0, s5;
	[sflag:s7] =	ssyncset.done $0x0  }
0xa6: {  	[sflag:s7] =	ssyncadd.s32 s5;
	_ =	sdelay $0x1  }
0xa7: {  	s23 =	simm.s32 $0x1B8B  }
0xa8: {  	_ =	swait.ge [sflag:s23], $0x1  }
0xa9: {  	[sflag:s23] =	ssyncset.done $0x0  }
0xaa: {  	[sflag:s23] =	ssyncadd.s32 $0xFFFFFFFF  }
0xab: {  	s5 =	sld [smem:$0x0]  }
0xac: {  	s6 =	sand.u32 $0xFFFFFFFE, s1  }
0xad: {  	p0 =	sne.s32 s1, s6  }
0xae: {  	s6 =	sshll.u32 @p0 s6, $0xE  }
0xaf: {  	s6 =	sadd.s32 @p0 $0x11B8D, s6;
	s7 =	sshll.u32 @p0 s5, $0x11  }
0xb0: {  	s6 =	sor.u32 @p0 s7, s6  }
0xb1: {  	[sflag:s6] =	ssyncadd.remote.s32 @p0 $0x1;
	_ =	sdelay $0x1  }
0xb2: {  	s6 =	simm.s32 @p0 $0x1B8D  }
0xb3: {  	_ =	swait.eq @p0 [sflag:s6], $0x1  }
0xb4: {  	[sflag:s6] =	ssyncadd.s32 @p0 $0xFFFFFFFF  }
0xb5: {  	s7 =	sshll.u32 @!p0 s1, $0xE  }
0xb6: {  	s7 =	sor.u32 @!p0 $0x4000, s7;
	s6 =	simm.s32 @!p0 $0x1B8D  }
0xb7: {  	s5 =	sshll.u32 @!p0 s5, $0x11;
	s7 =	sadd.s32 @!p0 $0x11B8D, s7;
	_ =	swait.eq @!p0 [sflag:s6], $0x1  }
0xb8: {  	s5 =	sor.u32 @!p0 s5, s7;
	[sflag:s6] =	ssyncadd.s32 @!p0 $0xFFFFFFFF  }
0xb9: {  	s25 =	simm.s32 $0x1B8E;
	s24 =	sld [smem:$0x3FFE];
	[sflag:s5] =	ssyncadd.remote.s32 @!p0 $0x1  }
0xba: {  	s26 =	simm.s32 $execute0_lowered;
	[smem:$0x3FD2] =	sst s25  }
0xbb: {  	s6 =	sshll.u32 s26, $0x1;
	_ =	strace $0x80000049;
	[dreg:$0x1] =	wrdreg $0xFFFFFFFF  }
0xbc: {  	s28 =	simm.s32 $_size_execute0_lowered;
	s4 =	sadd.s32 s4, s6;
	[dreg:$0x0] =	wrdreg $0x0  }
0xbd: {  	s6 =	sshll.u32 s28, $0x1;
	[dreg:$0x2] =	wrdreg s4  }
0xbe: {  	[dreg:$0x3] =	wrdreg s6  }
0xbf: {  	[dreg:$0x4] =	wrdreg $0xC0  }
0xc0: {  	_ =	task [dreg:s22], $0x5FFFF  }
0xc1: {  	[dreg:$0x1] =	wrdreg $0xFFFFFFFF  }
0xc2: {  	[dreg:$0x0] =	wrdreg $0x60  }
0xc3: {  	[dreg:$0x2] =	wrdreg s24  }
0xc4: {  	[dreg:$0x3] =	wrdreg s17  }
0xc5: {  	[dreg:$0x4] =	wrdreg $0xA8000  }
0xc6: {  	[dreg:$0x5] =	wrdreg $0xA  }
0xc7: {  	_ =	task.clear_ibuf [dreg:s22], $0x6FFFF;
	_ =	strace $0x90000049  }
0xc8: {  	s29 =	simm.s32 $0xA;
	_ =	strace $0x8000004B  }
0xc9: {  	_ =	swait.ge [sflag:s29], $0x1  }
0xca: {  	[sflag:s29] =	ssyncadd.s32 $0xFFFFFFFF  }
0xcb: {  	_ =	strace $0x9000004B  }
0xcc: {  	_ =	sfence  }
0xcd: {  	s30 =	sld [smem:$0x0];
	_ =	sdelay $0x2  }
0xce: {  	s31 =	sshll.u32 s1, $0xD;
	s1 =	sshrl.u32 s1, $0x2  }
0xcf: {  	s4 =	sand.u32 $0x4000, s31;
	s1 =	sadd.s32 s1, s30  }
0xd0: {  	s0 =	sor.u32 s4, s0;
	s1 =	sshll.u32 s1, $0x11  }
0xd1: {  	s0 =	sor.u32 s1, s0  }
0xd2: {  	s0 =	sadd.s32 $0x8F2B, s0  }
0xd3: {  	[sflag:s0] =	ssyncadd.remote.s32 $0x1  }
0xd4: {  	_ =	sfence.sel $0xFFFF  }
0xd5: {  	[dreg:$0x0] =	wrdreg $0xFFFFFFFF;
	(pc) =	sbr.abs _section_cstart, $3  }
0xd6: {  	[dreg:$0x1] =	wrdreg $0xFFFFFFFF  }
0xd7: {  	_ =	task.clear_ibuf [dreg:s22], $0x2FFFF;
	_ =	strace $0x9FFFFFFF  }
0xd8: {  	(tm) =	ssettm $0x7FFFFFFF  }
0xd9: {  	_ =	shalt  }
tec
execute0_lowered:
.L_overlay_start_1:
0x0: {  	(tag) =	ssettag $0x1  }
0x1: {  	s5 =	rddreg [dreg:$0x0]  }
0x2: {  	s9 =	rddreg [dreg:$0x1]  }
0x3: {  	s2 =	rddreg [dreg:$0x2]  }
0x4: {  	s0 =	rddreg [dreg:$0x3]  }
0x5: {  	s1 =	stileid.u32;
	s3 =	simm.s32 $0x0;
	s4 =	srdreg.scid  }
0x6: {  	s15 =	simm.s32 $0x1400;
	s16 =	simm.s32 $0x80;
	s17 =	simm.s32 $0x2800  }
0x7: {  	s18 =	simm.s32 $0x6800;
	s19 =	simm.s32 $0x1;
	s20 =	simm.s32 $0x2  }
0x8: {  	s21 =	simm.s32 $0x3;
	s22 =	simm.s32 $0x4;
	s23 =	simm.s32 $0x2700  }
0x9: {  	s24 =	simm.s32 $0x2780;
	s6 =	smul.u32 $0x13C00, s1;
	[smem:$0x7FF] =	sst s3  }
0xa: {  	s7 =	sand.u32 $0x1, s4;
	s4 =	sadd.s32 $0x3F400, s5;
	s11 =	sadd.s32 $0x4400, s5  }
0xb: {  	s25 =	smul.u32 $0x4F000, s1;
	s12 =	sshll.u32 s1, $0x1;
	s29 =	sshll.u32 s1, $0x6  }
0xc: {  	_ =	strace $0x8000004A;
	s10 =	smul.u32 $0x13C000, s7;
	s13 =	ssub.s32 $0x2, s7  }
0xd: {  	s7 =	sor.u32 s7, s12;
	s8 =	sshrl.u32 s6, $0x3;
	s26 =	sshrl.u32 s13, $0x1  }
0xe: {  	s7 =	smul.u32 $0x2800, s7;
	s8 =	sadd.s32 s8, s5;
	s6 =	sadd.s32 s6, s10  }
0xf: {  	s10 =	sshrl.u32 s25, $0x2;
	s12 =	ssub.s32 s13, s26;
	s25 =	simm.s32 $0x0  }
0x10: {  	s6 =	sshrl.u32 s6, $0x3;
	s28 =	sadd.s32 s10, s2;
	s30 =	sshrl.u32 s7, $0x3  }
0x11: {  	s12 =	smax.u32 s12, $0x1;
	s14 =	sadd.s32 s6, s5;
	s5 =	sadd.s32 $0x66600, s8  }
0x12: {  	s6 =	sor.u32 $0x1C05, s29;
	s7 =	sadd.s32 s9, s30;
	s31 =	sadd.s32 $0x280, s30  }
0x13: {  	s8 =	sadd.s32 s11, s30;
	s13 =	sshrl.u32 s28, $0x3;
	s9 =	sadd.s32 s9, s31  }
0x14: {  	s10 =	sadd.s32 s11, s31;
	s11 =	sadd.s32 $0x8DE00, s14;
	s14 =	simm.s32 $0x5  }
.LBB2_1:
0x15: {  	[spmem:s13], [sflag:s6] =	dma.local [hbm:s5], $0x2780  }
0x16: {  	_ =	swait.ge [sflag:s14], $0x2780  }
0x17: {  	[sflag:s14] =	ssyncset.done $0x0  }
0x18: {  	[sflag:s14] =	ssyncadd.s32 $0xFFFFD880  }
0x19: {  	[bflag:$0x0] =	sbarrier.arrive $0xFFFF  }
0x1a: {  	[tilespmem:s3], [sflag:$0x5] =	stream.linear.gather [hbm4b:s7+s3], $0x1400, $0x38;
	[tilespmem:$0x1E400] =	vst v63  }
0x1b: {  	_ =	swait.ge [sflag:s14], $0x1400  }
0x1c: {  	[sflag:s14] =	ssyncset.done $0x0  }
0x1d: {  	[sflag:s14] =	ssyncadd.s32 $0xFFFFEC00  }
0x1e: {  	[tilespmem:s15], [sflag:$0x5] =	stream.linear.gather [hbm4b:s8+s3], $0x1400, $0x38;
	[tilespmem:$0x1E400] =	vst v63  }
0x1f: {  	_ =	swait.ge [sflag:s14], $0x1400  }
0x20: {  	[sflag:s14] =	ssyncset.done $0x0  }
0x21: {  	[sflag:s14] =	ssyncadd.s32 $0xFFFFEC00  }
0x22: {  	[tilespmem:s17], [sflag:$0x1] =	stream.indirect.gather [hbm4b:s4+s16], $0x80, s3, s16, $0xb8;
	[tilespmem:$0x1E400] =	vst v63  }
0x23: {  	_ = 	snop  }
0x24: {  	[tilespmem:s18], [sflag:$0x2] =	stream.indirect.gather [hbm4b:s4+s16], $0x80, s16, s16, $0xb8;
	[tilespmem:$0x1E400] =	vst v63  }
0x25: {  	_ =	swait.ge [sflag:s19], $0x4000  }
0x26: {  	[sflag:s19] =	ssyncset.done $0x0  }
0x27: {  	s26 =	simm.s32 $0x1400;
	[sflag:s19] =	ssyncadd.s32 $0xFFFFC000  }
0x28: {  	[spmem:s2] =	stream.indirect.scatter.add.f32 [tilespmem:s17], [sflag:$0x3], $0x80, s26, s16, $0xb8;
	[tilespmem:$0x1E400] =	vst v63  }
0x29: {  	_ =	swait.ge [sflag:s20], $0x4000  }
0x2a: {  	[sflag:s20] =	ssyncset.done $0x0  }
0x2b: {  	s30 =	simm.s32 $0x1480;
	[sflag:s20] =	ssyncadd.s32 $0xFFFFC000  }
0x2c: {  	[spmem:s2] =	stream.indirect.scatter.add.f32 [tilespmem:s18], [sflag:$0x4], $0x80, s30, s16, $0xb8;
	[tilespmem:$0x1E400] =	vst v63  }
0x2d: {  	_ =	swait.ge [sflag:s21], $0x4000  }
0x2e: {  	[sflag:s21] =	ssyncset.done $0x0  }
0x2f: {  	s31 =	simm.s32 $0x100;
	[sflag:s21] =	ssyncadd.s32 $0xFFFFC000  }
0x30: {  	[tilespmem:s17], [sflag:$0x1] =	stream.indirect.gather [hbm4b:s4+s16], $0x80, s31, s16, $0xb8;
	[tilespmem:$0x1E400] =	vst v63  }
0x31: {  	_ =	swait.ge [sflag:s22], $0x4000  }
0x32: {  	[sflag:s22] =	ssyncset.done $0x0  }
0x33: {  	s28 =	simm.s32 $0x180;
	s26 =	simm.s32 $0x400;
	[sflag:s22] =	ssyncadd.s32 $0xFFFFC000  }
.LBB2_2:
0x34: {  	[tilespmem:s18], [sflag:$0x2] =	stream.indirect.gather [hbm4b:s4+s16], $0x80, s28, s16, $0xb8;
	[tilespmem:$0x1E400] =	vst v63  }
0x35: {  	s28 =	smov.u32 s26  }
0x36: {  	p0 =	sne.s32 s26, $0x4800;
	s26 =	sadd.s32 $0x400, s26;
	_ =	swait.ge [sflag:s19], $0x4000  }
0x37: {  	s28 =	sshra.s32 s28, $0x2;
	[sflag:s19] =	ssyncset.done $0x0  }
0x38: {  	s29 =	sadd.s32 $0x1400, s28;
	[sflag:s19] =	ssyncadd.s32 $0xFFFFC000  }
0x39: {  	[spmem:s2] =	stream.indirect.scatter.add.f32 [tilespmem:s17], [sflag:$0x3], $0x80, s29, s16, $0xb8;
	[tilespmem:$0x1E400] =	vst v63  }
0x3a: {  	_ =	swait.ge [sflag:s20], $0x4000  }
0x3b: {  	[sflag:s20] =	ssyncset.done $0x0  }
0x3c: {  	s29 =	sadd.s32 $0x1480, s28;
	[sflag:s20] =	ssyncadd.s32 $0xFFFFC000  }
0x3d: {  	[spmem:s2] =	stream.indirect.scatter.add.f32 [tilespmem:s18], [sflag:$0x4], $0x80, s29, s16, $0xb8;
	[tilespmem:$0x1E400] =	vst v63  }
0x3e: {  	_ =	swait.ge [sflag:s21], $0x4000  }
0x3f: {  	[sflag:s21] =	ssyncset.done $0x0  }
.Ltmp0:
0x40: {  	s29 =	sadd.s32 $0x100, s28;
	[sflag:s21] =	ssyncadd.s32 $0xFFFFC000;
	(pc) =	sbr.rel @p0 .LBB2_2-.Ltmp0, $4  }
0x41: {  	[tilespmem:s17], [sflag:$0x1] =	stream.indirect.gather [hbm4b:s4+s16], $0x80, s29, s16, $0xb8;
	[tilespmem:$0x1E400] =	vst v63  }
0x42: {  	_ =	swait.ge [sflag:s22], $0x4000  }
0x43: {  	[sflag:s22] =	ssyncset.done $0x0  }
0x44: {  	s28 =	sadd.s32 $0x180, s28;
	[sflag:s22] =	ssyncadd.s32 $0xFFFFC000  }
0x45: {  	[tilespmem:s18], [sflag:$0x2] =	stream.indirect.gather [hbm4b:s4+s16], $0x80, s28, s16, $0xb8;
	[tilespmem:$0x1E400] =	vst v63  }
0x46: {  	_ =	swait.ge [sflag:s19], $0x4000  }
0x47: {  	[sflag:s19] =	ssyncset.done $0x0  }
0x48: {  	[sflag:s19] =	ssyncadd.s32 $0xFFFFC000  }
0x49: {  	[spmem:s2] =	stream.indirect.scatter.add.f32 [tilespmem:s17], [sflag:$0x3], $0x80, s23, s16, $0xb8;
	[tilespmem:$0x1E400] =	vst v63  }
0x4a: {  	_ =	swait.ge [sflag:s20], $0x4000  }
0x4b: {  	[sflag:s20] =	ssyncset.done $0x0  }
0x4c: {  	[sflag:s20] =	ssyncadd.s32 $0xFFFFC000  }
0x4d: {  	[spmem:s2] =	stream.indirect.scatter.add.f32 [tilespmem:s18], [sflag:$0x4], $0x80, s24, s16, $0xb8;
	[tilespmem:$0x1E400] =	vst v63  }
0x4e: {  	_ =	swait.ge [sflag:s21], $0x4000  }
0x4f: {  	[sflag:s21] =	ssyncset.done $0x0  }
0x50: {  	[sflag:s21] =	ssyncadd.s32 $0xFFFFC000  }
0x51: {  	_ =	swait.ge [sflag:s22], $0x4000  }
0x52: {  	[sflag:s22] =	ssyncset.done $0x0  }
0x53: {  	s26 =	simm.s32 $0x0;
	[sflag:s22] =	ssyncadd.s32 $0xFFFFC000  }
0x54: {  	[tilespmem:s26], [sflag:$0x5] =	stream.linear.gather [hbm4b:s9+s26], $0x1400, $0x38;
	[tilespmem:$0x1E400] =	vst v63  }
0x55: {  	_ =	swait.ge [sflag:s14], $0x1400  }
0x56: {  	[sflag:s14] =	ssyncset.done $0x0  }
0x57: {  	[sflag:s14] =	ssyncadd.s32 $0xFFFFEC00  }
0x58: {  	[tilespmem:s15], [sflag:$0x5] =	stream.linear.gather [hbm4b:s10+s26], $0x1400, $0x38;
	[tilespmem:$0x1E400] =	vst v63  }
0x59: {  	_ =	swait.ge [sflag:s14], $0x1400  }
0x5a: {  	[sflag:s14] =	ssyncset.done $0x0  }
0x5b: {  	[sflag:s14] =	ssyncadd.s32 $0xFFFFEC00  }
0x5c: {  	[tilespmem:s17], [sflag:$0x1] =	stream.indirect.gather [hbm4b:s4+s16], $0x80, s26, s16, $0xb8;
	[tilespmem:$0x1E400] =	vst v63  }
0x5d: {  	_ = 	snop  }
0x5e: {  	[tilespmem:s18], [sflag:$0x2] =	stream.indirect.gather [hbm4b:s4+s16], $0x80, s16, s16, $0xb8;
	[tilespmem:$0x1E400] =	vst v63  }
0x5f: {  	_ =	swait.ge [sflag:s19], $0x4000  }
0x60: {  	[sflag:s19] =	ssyncset.done $0x0  }
0x61: {  	s29 =	simm.s32 $0x1400;
	[sflag:s19] =	ssyncadd.s32 $0xFFFFC000  }
0x62: {  	[spmem:s2] =	stream.indirect.scatter.add.f32 [tilespmem:s17], [sflag:$0x3], $0x80, s29, s16, $0xb8;
	[tilespmem:$0x1E400] =	vst v63  }
0x63: {  	_ =	swait.ge [sflag:s20], $0x4000  }
0x64: {  	[sflag:s20] =	ssyncset.done $0x0  }
0x65: {  	s30 =	simm.s32 $0x1480;
	[sflag:s20] =	ssyncadd.s32 $0xFFFFC000  }
0x66: {  	[spmem:s2] =	stream.indirect.scatter.add.f32 [tilespmem:s18], [sflag:$0x4], $0x80, s30, s16, $0xb8;
	[tilespmem:$0x1E400] =	vst v63  }
0x67: {  	_ =	swait.ge [sflag:s21], $0x4000  }
0x68: {  	[sflag:s21] =	ssyncset.done $0x0  }
0x69: {  	s31 =	simm.s32 $0x100;
	[sflag:s21] =	ssyncadd.s32 $0xFFFFC000  }
0x6a: {  	[tilespmem:s17], [sflag:$0x1] =	stream.indirect.gather [hbm4b:s4+s16], $0x80, s31, s16, $0xb8;
	[tilespmem:$0x1E400] =	vst v63  }
0x6b: {  	_ =	swait.ge [sflag:s22], $0x4000  }
0x6c: {  	[sflag:s22] =	ssyncset.done $0x0  }
0x6d: {  	s28 =	simm.s32 $0x180;
	s26 =	simm.s32 $0x400;
	[sflag:s22] =	ssyncadd.s32 $0xFFFFC000  }
.LBB2_4:
0x6e: {  	[tilespmem:s18], [sflag:$0x2] =	stream.indirect.gather [hbm4b:s4+s16], $0x80, s28, s16, $0xb8;
	[tilespmem:$0x1E400] =	vst v63  }
0x6f: {  	s28 =	smov.u32 s26  }
0x70: {  	p0 =	sne.s32 s26, $0x4800;
	s26 =	sadd.s32 $0x400, s26;
	_ =	swait.ge [sflag:s19], $0x4000  }
0x71: {  	s28 =	sshra.s32 s28, $0x2;
	[sflag:s19] =	ssyncset.done $0x0  }
0x72: {  	s29 =	sadd.s32 $0x1400, s28;
	[sflag:s19] =	ssyncadd.s32 $0xFFFFC000  }
0x73: {  	[spmem:s2] =	stream.indirect.scatter.add.f32 [tilespmem:s17], [sflag:$0x3], $0x80, s29, s16, $0xb8;
	[tilespmem:$0x1E400] =	vst v63  }
0x74: {  	_ =	swait.ge [sflag:s20], $0x4000  }
0x75: {  	[sflag:s20] =	ssyncset.done $0x0  }
0x76: {  	s29 =	sadd.s32 $0x1480, s28;
	[sflag:s20] =	ssyncadd.s32 $0xFFFFC000  }
0x77: {  	[spmem:s2] =	stream.indirect.scatter.add.f32 [tilespmem:s18], [sflag:$0x4], $0x80, s29, s16, $0xb8;
	[tilespmem:$0x1E400] =	vst v63  }
0x78: {  	_ =	swait.ge [sflag:s21], $0x4000  }
0x79: {  	[sflag:s21] =	ssyncset.done $0x0  }
.Ltmp1:
0x7a: {  	s29 =	sadd.s32 $0x100, s28;
	[sflag:s21] =	ssyncadd.s32 $0xFFFFC000;
	(pc) =	sbr.rel @p0 .LBB2_4-.Ltmp1, $4  }
0x7b: {  	[tilespmem:s17], [sflag:$0x1] =	stream.indirect.gather [hbm4b:s4+s16], $0x80, s29, s16, $0xb8;
	[tilespmem:$0x1E400] =	vst v63  }
0x7c: {  	_ =	swait.ge [sflag:s22], $0x4000  }
0x7d: {  	[sflag:s22] =	ssyncset.done $0x0  }
0x7e: {  	s28 =	sadd.s32 $0x180, s28;
	[sflag:s22] =	ssyncadd.s32 $0xFFFFC000  }
0x7f: {  	[tilespmem:s18], [sflag:$0x2] =	stream.indirect.gather [hbm4b:s4+s16], $0x80, s28, s16, $0xb8;
	[tilespmem:$0x1E400] =	vst v63  }
0x80: {  	_ =	swait.ge [sflag:s19], $0x4000  }
0x81: {  	[sflag:s19] =	ssyncset.done $0x0  }
0x82: {  	[sflag:s19] =	ssyncadd.s32 $0xFFFFC000  }
0x83: {  	[spmem:s2] =	stream.indirect.scatter.add.f32 [tilespmem:s17], [sflag:$0x3], $0x80, s23, s16, $0xb8;
	[tilespmem:$0x1E400] =	vst v63  }
0x84: {  	_ =	swait.ge [sflag:s20], $0x4000  }
0x85: {  	[sflag:s20] =	ssyncset.done $0x0  }
0x86: {  	[sflag:s20] =	ssyncadd.s32 $0xFFFFC000  }
0x87: {  	[spmem:s2] =	stream.indirect.scatter.add.f32 [tilespmem:s18], [sflag:$0x4], $0x80, s24, s16, $0xb8;
	[tilespmem:$0x1E400] =	vst v63  }
0x88: {  	_ =	swait.ge [sflag:s21], $0x4000  }
0x89: {  	[sflag:s21] =	ssyncset.done $0x0  }
0x8a: {  	[sflag:s21] =	ssyncadd.s32 $0xFFFFC000  }
0x8b: {  	_ =	swait.ge [sflag:s22], $0x4000  }
0x8c: {  	s25 =	sadd.s32 $0x1, s25;
	[sflag:s22] =	ssyncset.done $0x0  }
0x8d: {  	p0 =	sne.s32 s25, s12;
	[sflag:s22] =	ssyncadd.s32 $0xFFFFC000  }
.Ltmp2:
0x8e: {  	[bflag:$0x0] =	sbarrier.arrive $0xFFFF;
	(pc) =	sbr.rel @p0 .LBB2_1-.Ltmp2, $4  }
0x8f: {  	[hbm:s11], [sflag:s6] =	dma.local [spmem:s13], $0x2780  }
0x90: {  	_ =	swait.ge [sflag:s14], $0x2780  }
0x91: {  	[sflag:s14] =	ssyncset.done $0x0  }
0x92: {  	[sflag:s14] =	ssyncadd.s32 $0xFFFFD880  }
0x93: {  	_ =	sfence.sel $0x180000  }
0x94: {  	[bflag:$0x0] =	sbarrier.arrive $0xFFFF  }
0x95: {  	p0 =	sne.s32 s1, $0x0;
	_ =	strace $0x9000004A  }
0x96: {  	s0 =	sadd.s32 @!p0 $0x100000, s0;
	[bflag:$0x2] =	sbarrier.arrive $0xFFFF  }
0x97: {  	[sflag:s0] =	ssyncadd.tile.s32 @!p0 $0x1;
	_ =	shalt  }
.Lfunc_end2:
_tile_overlayer_lowered:
.L_overlay_start_2:
0x98: {  	(tag) =	ssettag $0x2  }
0x99: {  	s0 =	rddreg [dreg:$0x0];
	s2 =	stileid.u32  }
0x9a: {  	s1 =	rddreg [dreg:$0x1];
	p0 =	sne.s32 s2, $0x0  }
0x9b: {  	s3 =	rddreg [dreg:$0x2];
	[bflag:$0x3] =	sbarrier.arrive $0xFFFF;
	s2 =	simm.s32 @!p0 $0x1C05  }
0x9c: {  	[timem:s3], [sflag:s2] =	dma.local @!p0 [hbm:s0], s1  }
0x9d: {  	s0 =	simm.s32 @!p0 $0x5  }
0x9e: {  	_ =	swait.ge @!p0 [sflag:s0], s1  }
0x9f: {  	s1 =	ssub.s32 @!p0 $0x0, s1;
	[sflag:s0] =	ssyncset.done @!p0 $0x0  }
0xa0: {  	[sflag:s0] =	ssyncadd.s32 @!p0 s1  }
0xa1: {  	[bflag:$0x3] =	sbarrier.arrive $0xFFFF  }
0xa2: {  	_ =	shalt  }

// kernel: kernel.16.cloned.1.call-start
scs
__scs_entry_jumppad:
0x0: {  	(pc) =	sbr.rel $0x88, $3  }
0x1: {  	(tag) =	ssettag $0x0;
	lr =	simm.s32 $0x1  }
0x2: {  	[smem:$0x3F95] =	sst lr;
	_ =	strace $0xD0000000  }
0x3: {  	_ = 	snop  }
0x4: {  	_ = 	snop  }
0x5: {  	_ = 	snop  }
0x6: {  	_ = 	snop  }
0x7: {  	_ = 	snop  }
__scs_overlays_trampoline_lowered:
0x8: {  	[smem:$0x3FA4] =	sst s0  }
0x9: {  	[smem:$0x3FA5] =	sst s1  }
0xa: {  	[smem:$0x3FA6] =	sst s2  }
0xb: {  	[smem:$0x3FA7] =	sst s3  }
0xc: {  	[smem:$0x3FA8] =	sst s4  }
0xd: {  	[smem:$0x3FA9] =	sst s5  }
0xe: {  	[smem:$0x3FAA] =	sst s6  }
0xf: {  	[smem:$0x3FAB] =	sst s7  }
0x10: {  	[smem:$0x3FAC] =	sst s8  }
0x11: {  	[smem:$0x3FAD] =	sst s9;
	s0 =	simm.s32 @!p0 $0x0  }
0x12: {  	s1 =	sld [smem:$0x3F93];
	s0 =	simm.s32 @p0 $0x1  }
0x13: {  	[smem:$0x3FAE] =	sst s0;
	s0 =	simm.s32 @!p1 $0x0  }
0x14: {  	s2 =	sld [smem:$0x3F92];
	s0 =	simm.s32 @p1 $0x1  }
0x15: {  	[smem:$0x3FAF] =	sst s0;
	s0 =	simm.s32 @!p2 $0x0  }
0x16: {  	s3 =	sld [smem:$0x3FDB];
	s0 =	simm.s32 @p2 $0x1  }
0x17: {  	s4 =	simm.s32 $0x1BF5;
	[smem:$0x3FB1] =	sst s0  }
0x18: {  	s0 =	sld [smem:$0x3F94];
	_ =	swait.ge [sflag:s4], $0x0  }
0x19: {  	s7 =	sld [smem:$0x3F95]  }
0x1a: {  	s8 =	sadd.s32 $0xFFFFE003, lr  }
0x1b: {  	s9 =	sadd.s32 $0xFFFFFEF7, lr;
	s5 =	simm.s32 $0xFFFFFFFF;
	p2 =	slt.u32 s8, $0xFFFFF086  }
0x1c: {  	p1 =	slt.u32 s9, $0xF7A;
	s5 =	simm.s32 @!p2 $0x0  }
0x1d: {  	s5 =	simm.s32 @p1 $0x1;
	p0 =	seq.s32 s7, s2  }
0x1e: {  	s7 =	smul.u32 @!p0 $0xF7A, s2;
	p2 =	seq.s32 @!p0 s5, $0x0  }
0x1f: {  	s9 =	smul.u32 $0xF7A, s1;
	s8 =	simm.s32 @!p0 $0x1BF5;
	p2 =	por !p2, p0  }
0x20: {  	[sflag:s8] =	ssyncset.s32 @!p0 $0xFFFFF086;
	s6 =	sadd.s32 @!p0 s3, s7;
	s7 =	simm.s32 @!p0 $0x108  }
0x21: {  	s3 =	sadd.s32 s3, s9;
	s6 =	sadd.s32 @!p0 $0x88, s6;
	s7 =	simm.s32 @p2 $0x1082  }
0x22: {  	[simem:s7], [sflag:s8] =	dma.local @!p0 [hbm:s6], $0xF7A  }
0x23: {  	s9 =	sor.u32 $0xD0000000, s2;
	s6 =	simm.s32 $0x108;
	_ =	swait.ge @!p0 [sflag:s8], $0x0  }
0x24: {  	s3 =	sadd.s32 $0x88, s3;
	s6 =	simm.s32 @!p1 $0x1082;
	[sflag:s4] =	ssyncset.s32 $0xFFFFF086  }
0x25: {  	[simem:s6], [sflag:s4] =	dma.local [hbm:s3], $0xF7A  }
0x26: {  	[smem:$0x3F95] =	sst s1;
	(tag) =	ssettag s2;
	_ =	strace s9  }
0x27: {  	s1 =	sld [smem:$0x3FA5]  }
0x28: {  	s2 =	sld [smem:$0x3FA6]  }
0x29: {  	s4 =	sld [smem:$0x3FA8]  }
0x2a: {  	p0 =	seq.s32 s5, $0x0;
	s5 =	sld [smem:$0x3FA9]  }
0x2b: {  	s6 =	sld [smem:$0x3FAA]  }
0x2c: {  	s7 =	sld [smem:$0x3FAB]  }
0x2d: {  	s3 =	simm.s32 $0x108;
	s8 =	sld [smem:$0x3FAC]  }
0x2e: {  	s3 =	simm.s32 @!p0 $0x1082;
	s9 =	sld [smem:$0x3FAD]  }
0x2f: {  	lr =	sadd.s32 s0, s3;
	s0 =	sld [smem:$0x3FA4]  }
0x30: {  	s3 =	sld [smem:$0x3FA7]  }
0x31: {  	[smem:$0x3FB0] =	sst s10  }
0x32: {  	s10 =	sld [smem:$0x3FAE];
	_ =	sdelay $0x3  }
0x33: {  	p0 =	seq.s32 s10, $0x1;
	s10 =	sld [smem:$0x3FB0];
	_ =	sdelay $0x3  }
0x34: {  	[smem:$0x3FB0] =	sst s10  }
0x35: {  	s10 =	sld [smem:$0x3FAF];
	_ =	sdelay $0x3  }
0x36: {  	p1 =	seq.s32 s10, $0x1;
	s10 =	sld [smem:$0x3FB0];
	_ =	sdelay $0x3  }
0x37: {  	[smem:$0x3FB0] =	sst s10  }
0x38: {  	s10 =	sld [smem:$0x3FB1]  }
0x39: {  	_ = 	snop;
	(pc) =	sbr.ind lr, $3  }
0x3a: {  	_ = 	snop  }
0x3b: {  	_ = 	snop  }
0x3c: {  	p2 =	seq.s32 s10, $0x1;
	s10 =	sld [smem:$0x3FB0]  }
0x3d: {  	_ =	shalt  }
0x3e: {  	_ =	shalt  }
0x3f: {  	_ =	shalt  }
0x40: {  	_ =	shalt  }
0x41: {  	_ =	shalt  }
0x42: {  	_ =	shalt  }
0x43: {  	_ =	shalt  }
0x44: {  	_ =	shalt  }
0x45: {  	_ =	shalt  }
0x46: {  	_ =	shalt  }
0x47: {  	_ =	shalt  }
0x48: {  	_ =	shalt  }
0x49: {  	_ =	shalt  }
0x4a: {  	_ =	shalt  }
0x4b: {  	_ =	shalt  }
0x4c: {  	_ =	shalt  }
0x4d: {  	_ =	shalt  }
0x4e: {  	_ =	shalt  }
0x4f: {  	_ =	shalt  }
0x50: {  	_ =	shalt  }
0x51: {  	_ =	shalt  }
0x52: {  	_ =	shalt  }
0x53: {  	_ =	shalt  }
0x54: {  	_ =	shalt  }
0x55: {  	_ =	shalt  }
0x56: {  	_ =	shalt  }
0x57: {  	_ =	shalt  }
0x58: {  	_ =	shalt  }
0x59: {  	_ =	shalt  }
0x5a: {  	_ =	shalt  }
0x5b: {  	_ =	shalt  }
0x5c: {  	_ =	shalt  }
0x5d: {  	_ =	shalt  }
0x5e: {  	_ =	shalt  }
0x5f: {  	_ =	shalt  }
0x60: {  	_ =	shalt  }
0x61: {  	_ =	shalt  }
0x62: {  	_ =	shalt  }
0x63: {  	_ =	shalt  }
0x64: {  	_ =	shalt  }
0x65: {  	_ =	shalt  }
0x66: {  	_ =	shalt  }
0x67: {  	_ =	shalt  }
0x68: {  	_ =	shalt  }
0x69: {  	_ =	shalt  }
0x6a: {  	_ =	shalt  }
0x6b: {  	_ =	shalt  }
0x6c: {  	_ =	shalt  }
0x6d: {  	_ =	shalt  }
0x6e: {  	_ =	shalt  }
0x6f: {  	_ =	shalt  }
0x70: {  	_ =	shalt  }
0x71: {  	_ =	shalt  }
0x72: {  	_ =	shalt  }
0x73: {  	_ =	shalt  }
0x74: {  	_ =	shalt  }
0x75: {  	_ =	shalt  }
0x76: {  	_ =	shalt  }
0x77: {  	_ =	shalt  }
0x78: {  	_ =	shalt  }
0x79: {  	_ =	shalt  }
0x7a: {  	_ =	shalt  }
0x7b: {  	_ =	shalt  }
0x7c: {  	_ =	shalt  }
0x7d: {  	_ =	shalt  }
0x7e: {  	_ =	shalt  }
0x7f: {  	_ =	shalt  }
0x80: {  	_ =	shalt  }
0x81: {  	_ =	shalt  }
0x82: {  	_ =	shalt  }
0x83: {  	_ =	shalt  }
0x84: {  	_ =	shalt  }
0x85: {  	_ =	shalt  }
0x86: {  	_ =	shalt  }
0x87: {  	_ =	shalt  }
.Lfunc_end0:
.L_simem_size_0:
called_computation.2_lowered:
.L_overlay_start_0:
0x88: {  	s2 =	sld [smem:$0x3FD9]  }
0x89: {  	s3 =	sld [smem:$0x3FFE];
	_ =	sdelay $0x1  }
0x8a: {  	s1 =	srdreg.scid  }
0x8b: {  	s0 =	sand.u32 $0x1, s1  }
0x8c: {  	s14 =	sshll.u32 s0, $0xA;
	s2 =	sadd.s32 s3, s2  }
0x8d: {  	s2 =	sadd.s32 s2, s14  }
0x8e: {  	[smem:$0x3FBC] =	sst s2  }
0x8f: {  	_ = 	snop  }
0x90: {  	s2 =	sld [smem:$0x3FD0];
	_ =	sdelay $0x2  }
0x91: {  	s15 =	simm.s32 $0xB;
	s4 =	simm.s32 $0x10  }
0x92: {  	[smem:s4], [sflag:s15] =	dma.local [hbm:s2], $0x1  }
0x93: {  	_ =	swait.eq [sflag:s15], $0x1  }
0x94: {  	[sflag:s15] =	ssyncset.done $0x0  }
0x95: {  	[sflag:s15] =	ssyncadd.s32 $0xFFFFFFFF  }
0x96: {  	s16 =	sld [smem:$0x11];
	(tm) =	ssettm $0x1  }
0x97: {  	s17 =	sld [smem:$0x3FFB];
	_ =	sdelay $0x3  }
0x98: {  	_ =	strace s17  }
0x99: {  	s3 =	sld [smem:$0x3FFC];
	_ =	sdelay $0x3  }
0x9a: {  	_ =	strace s3  }
0x9b: {  	s3 =	sld [smem:$0x3FFD];
	_ =	sdelay $0x3  }
0x9c: {  	_ =	strace s3  }
0x9d: {  	_ =	strace $0x8FFFFFFF  }
0x9e: {  	s18 =	sld [smem:$0x3FDB];
	_ =	sdelay $0x1  }
0x9f: {  	s19 =	simm.s32 $_scs_section_size  }
0xa0: {  	s5 =	simm.s32 $_size__tile_overlayer_lowered;
	s6 =	simm.s32 $_tile_overlayer_lowered  }
0xa1: {  	s22 =	simm.s32 $0x1BFF;
	s21 =	sshll.u32 s6, $0x1;
	s3 =	sadd.s32 s19, s18  }
0xa2: {  	s7 =	simm.s32 $0x0;
	s20 =	sshll.u32 s5, $0x1;
	s5 =	sadd.s32 s21, s3  }
0xa3: {  	[timem:s7], [sflag:s22] =	dma.local [hbm:s5], s20  }
0xa4: {  	_ =	swait.ge [sflag:s22], s20  }
0xa5: {  	s4 =	ssub.s32 $0x0, s20;
	[sflag:s22] =	ssyncset.done $0x0  }
0xa6: {  	[sflag:s22] =	ssyncadd.s32 s4;
	_ =	sdelay $0x1  }
0xa7: {  	s23 =	simm.s32 $0x1B8B  }
0xa8: {  	_ =	swait.ge [sflag:s23], $0x1  }
0xa9: {  	[sflag:s23] =	ssyncset.done $0x0  }
0xaa: {  	s25 =	simm.s32 $0x1B8E;
	s24 =	sld [smem:$0x3FFE];
	[sflag:s23] =	ssyncadd.s32 $0xFFFFFFFF  }
0xab: {  	s26 =	simm.s32 $execute0_lowered;
	[smem:$0x3FD2] =	sst s25  }
0xac: {  	s5 =	sshll.u32 s26, $0x1;
	_ =	strace $0x8000004C;
	[dreg:$0x1] =	wrdreg $0xFFFFFFFF  }
0xad: {  	s28 =	simm.s32 $_size_execute0_lowered;
	s3 =	sadd.s32 s3, s5;
	[dreg:$0x0] =	wrdreg $0x0  }
0xae: {  	s5 =	sshll.u32 s28, $0x1;
	[dreg:$0x2] =	wrdreg s3  }
0xaf: {  	[dreg:$0x3] =	wrdreg s5  }
0xb0: {  	[dreg:$0x4] =	wrdreg $0xC0  }
0xb1: {  	_ =	task [dreg:s7], $0x5FFFF  }
0xb2: {  	[dreg:$0x1] =	wrdreg $0xFFFFFFFF  }
0xb3: {  	[dreg:$0x0] =	wrdreg $0x60  }
0xb4: {  	[dreg:$0x2] =	wrdreg s24  }
0xb5: {  	[dreg:$0x3] =	wrdreg s16  }
0xb6: {  	[dreg:$0x4] =	wrdreg $0xA8000  }
0xb7: {  	[dreg:$0x5] =	wrdreg $0x9  }
0xb8: {  	_ =	task.clear_ibuf [dreg:s7], $0x6FFFF;
	_ =	strace $0x9000004C  }
0xb9: {  	s29 =	simm.s32 $0x9;
	_ =	strace $0x8000004E  }
0xba: {  	_ =	swait.ge [sflag:s29], $0x1  }
0xbb: {  	[sflag:s29] =	ssyncadd.s32 $0xFFFFFFFF  }
0xbc: {  	_ =	strace $0x9000004E  }
0xbd: {  	_ =	sfence  }
0xbe: {  	s30 =	sld [smem:$0x0];
	_ =	sdelay $0x2  }
0xbf: {  	s31 =	sshll.u32 s1, $0xD;
	s1 =	sshrl.u32 s1, $0x2  }
0xc0: {  	s3 =	sand.u32 $0x4000, s31;
	s1 =	sadd.s32 s1, s30  }
0xc1: {  	s0 =	sor.u32 s3, s0;
	s1 =	sshll.u32 s1, $0x11  }
0xc2: {  	s0 =	sor.u32 s1, s0  }
0xc3: {  	s0 =	sadd.s32 $0x8F2B, s0  }
0xc4: {  	[sflag:s0] =	ssyncadd.remote.s32 $0x1  }
0xc5: {  	_ =	sfence.sel $0xFFFF  }
0xc6: {  	[dreg:$0x0] =	wrdreg $0xFFFFFFFF;
	(pc) =	sbr.abs _section_cstart, $3  }
0xc7: {  	[dreg:$0x1] =	wrdreg $0xFFFFFFFF  }
0xc8: {  	_ =	task.clear_ibuf [dreg:s7], $0x2FFFF;
	_ =	strace $0x9FFFFFFF  }
0xc9: {  	(tm) =	ssettm $0x7FFFFFFF  }
tec
execute0_lowered:
.L_overlay_start_1:
0x0: {  	(tag) =	ssettag $0x1  }
0x1: {  	s5 =	rddreg [dreg:$0x0]  }
0x2: {  	s9 =	rddreg [dreg:$0x1]  }
0x3: {  	s2 =	rddreg [dreg:$0x2]  }
0x4: {  	s0 =	rddreg [dreg:$0x3]  }
0x5: {  	s1 =	stileid.u32;
	s3 =	simm.s32 $0x0;
	s4 =	srdreg.scid  }
0x6: {  	s15 =	simm.s32 $0x1400;
	s16 =	simm.s32 $0x80;
	s17 =	simm.s32 $0x2800  }
0x7: {  	s18 =	simm.s32 $0x6800;
	s19 =	simm.s32 $0x1;
	s20 =	simm.s32 $0x2  }
0x8: {  	s21 =	simm.s32 $0x3;
	s22 =	simm.s32 $0x4;
	s23 =	simm.s32 $0x2700  }
0x9: {  	s24 =	simm.s32 $0x2780;
	s6 =	smul.u32 $0x13C00, s1;
	[smem:$0x7FF] =	sst s3  }
0xa: {  	s7 =	sand.u32 $0x1, s4;
	s4 =	sadd.s32 $0xE400, s5;
	s11 =	sadd.s32 $0x4400, s5  }
0xb: {  	s25 =	smul.u32 $0x4F000, s1;
	s12 =	sshll.u32 s1, $0x1;
	s29 =	sshll.u32 s1, $0x6  }
0xc: {  	_ =	strace $0x8000004D;
	s10 =	smul.u32 $0x13C000, s7;
	s13 =	ssub.s32 $0x2, s7  }
0xd: {  	s7 =	sor.u32 s7, s12;
	s8 =	sshrl.u32 s6, $0x3;
	s26 =	sshrl.u32 s13, $0x1  }
0xe: {  	s7 =	smul.u32 $0x2800, s7;
	s8 =	sadd.s32 s8, s5;
	s6 =	sadd.s32 s6, s10  }
0xf: {  	s10 =	sshrl.u32 s25, $0x2;
	s12 =	ssub.s32 s13, s26;
	s25 =	simm.s32 $0x0  }
0x10: {  	s6 =	sshrl.u32 s6, $0x3;
	s28 =	sadd.s32 s10, s2;
	s30 =	sshrl.u32 s7, $0x3  }
0x11: {  	s12 =	smax.u32 s12, $0x1;
	s14 =	sadd.s32 s6, s5;
	s5 =	sadd.s32 $0x66600, s8  }
0x12: {  	s6 =	sor.u32 $0x1C05, s29;
	s7 =	sadd.s32 s9, s30;
	s31 =	sadd.s32 $0x280, s30  }
0x13: {  	s8 =	sadd.s32 s11, s30;
	s13 =	sshrl.u32 s28, $0x3;
	s9 =	sadd.s32 s9, s31  }
0x14: {  	s10 =	sadd.s32 s11, s31;
	s11 =	sadd.s32 $0x8DE00, s14;
	s14 =	simm.s32 $0x5  }
.LBB2_1:
0x15: {  	[spmem:s13], [sflag:s6] =	dma.local [hbm:s5], $0x2780  }
0x16: {  	_ =	swait.ge [sflag:s14], $0x2780  }
0x17: {  	[sflag:s14] =	ssyncset.done $0x0  }
0x18: {  	[sflag:s14] =	ssyncadd.s32 $0xFFFFD880  }
0x19: {  	[bflag:$0x0] =	sbarrier.arrive $0xFFFF  }
0x1a: {  	[tilespmem:s3], [sflag:$0x5] =	stream.linear.gather [hbm4b:s7+s3], $0x1400, $0x38;
	[tilespmem:$0x1E400] =	vst v63  }
0x1b: {  	_ =	swait.ge [sflag:s14], $0x1400  }
0x1c: {  	[sflag:s14] =	ssyncset.done $0x0  }
0x1d: {  	[sflag:s14] =	ssyncadd.s32 $0xFFFFEC00  }
0x1e: {  	[tilespmem:s15], [sflag:$0x5] =	stream.linear.gather [hbm4b:s8+s3], $0x1400, $0x38;
	[tilespmem:$0x1E400] =	vst v63  }
0x1f: {  	_ =	swait.ge [sflag:s14], $0x1400  }
0x20: {  	[sflag:s14] =	ssyncset.done $0x0  }
0x21: {  	[sflag:s14] =	ssyncadd.s32 $0xFFFFEC00  }
0x22: {  	[tilespmem:s17], [sflag:$0x1] =	stream.indirect.gather [hbm4b:s4+s16], $0x80, s3, s16, $0xb8;
	[tilespmem:$0x1E400] =	vst v63  }
0x23: {  	_ = 	snop  }
0x24: {  	[tilespmem:s18], [sflag:$0x2] =	stream.indirect.gather [hbm4b:s4+s16], $0x80, s16, s16, $0xb8;
	[tilespmem:$0x1E400] =	vst v63  }
0x25: {  	_ =	swait.ge [sflag:s19], $0x4000  }
0x26: {  	[sflag:s19] =	ssyncset.done $0x0  }
0x27: {  	s26 =	simm.s32 $0x1400;
	[sflag:s19] =	ssyncadd.s32 $0xFFFFC000  }
0x28: {  	[spmem:s2] =	stream.indirect.scatter.add.f32 [tilespmem:s17], [sflag:$0x3], $0x80, s26, s16, $0xb8;
	[tilespmem:$0x1E400] =	vst v63  }
0x29: {  	_ =	swait.ge [sflag:s20], $0x4000  }
0x2a: {  	[sflag:s20] =	ssyncset.done $0x0  }
0x2b: {  	s30 =	simm.s32 $0x1480;
	[sflag:s20] =	ssyncadd.s32 $0xFFFFC000  }
0x2c: {  	[spmem:s2] =	stream.indirect.scatter.add.f32 [tilespmem:s18], [sflag:$0x4], $0x80, s30, s16, $0xb8;
	[tilespmem:$0x1E400] =	vst v63  }
0x2d: {  	_ =	swait.ge [sflag:s21], $0x4000  }
0x2e: {  	[sflag:s21] =	ssyncset.done $0x0  }
0x2f: {  	s31 =	simm.s32 $0x100;
	[sflag:s21] =	ssyncadd.s32 $0xFFFFC000  }
0x30: {  	[tilespmem:s17], [sflag:$0x1] =	stream.indirect.gather [hbm4b:s4+s16], $0x80, s31, s16, $0xb8;
	[tilespmem:$0x1E400] =	vst v63  }
0x31: {  	_ =	swait.ge [sflag:s22], $0x4000  }
0x32: {  	[sflag:s22] =	ssyncset.done $0x0  }
0x33: {  	s28 =	simm.s32 $0x180;
	s26 =	simm.s32 $0x400;
	[sflag:s22] =	ssyncadd.s32 $0xFFFFC000  }
.LBB2_2:
0x34: {  	[tilespmem:s18], [sflag:$0x2] =	stream.indirect.gather [hbm4b:s4+s16], $0x80, s28, s16, $0xb8;
	[tilespmem:$0x1E400] =	vst v63  }
0x35: {  	s28 =	smov.u32 s26  }
0x36: {  	p0 =	sne.s32 s26, $0x4800;
	s26 =	sadd.s32 $0x400, s26;
	_ =	swait.ge [sflag:s19], $0x4000  }
0x37: {  	s28 =	sshra.s32 s28, $0x2;
	[sflag:s19] =	ssyncset.done $0x0  }
0x38: {  	s29 =	sadd.s32 $0x1400, s28;
	[sflag:s19] =	ssyncadd.s32 $0xFFFFC000  }
0x39: {  	[spmem:s2] =	stream.indirect.scatter.add.f32 [tilespmem:s17], [sflag:$0x3], $0x80, s29, s16, $0xb8;
	[tilespmem:$0x1E400] =	vst v63  }
0x3a: {  	_ =	swait.ge [sflag:s20], $0x4000  }
0x3b: {  	[sflag:s20] =	ssyncset.done $0x0  }
0x3c: {  	s29 =	sadd.s32 $0x1480, s28;
	[sflag:s20] =	ssyncadd.s32 $0xFFFFC000  }
0x3d: {  	[spmem:s2] =	stream.indirect.scatter.add.f32 [tilespmem:s18], [sflag:$0x4], $0x80, s29, s16, $0xb8;
	[tilespmem:$0x1E400] =	vst v63  }
0x3e: {  	_ =	swait.ge [sflag:s21], $0x4000  }
0x3f: {  	[sflag:s21] =	ssyncset.done $0x0  }
.Ltmp0:
0x40: {  	s29 =	sadd.s32 $0x100, s28;
	[sflag:s21] =	ssyncadd.s32 $0xFFFFC000;
	(pc) =	sbr.rel @p0 .LBB2_2-.Ltmp0, $4  }
0x41: {  	[tilespmem:s17], [sflag:$0x1] =	stream.indirect.gather [hbm4b:s4+s16], $0x80, s29, s16, $0xb8;
	[tilespmem:$0x1E400] =	vst v63  }
0x42: {  	_ =	swait.ge [sflag:s22], $0x4000  }
0x43: {  	[sflag:s22] =	ssyncset.done $0x0  }
0x44: {  	s28 =	sadd.s32 $0x180, s28;
	[sflag:s22] =	ssyncadd.s32 $0xFFFFC000  }
0x45: {  	[tilespmem:s18], [sflag:$0x2] =	stream.indirect.gather [hbm4b:s4+s16], $0x80, s28, s16, $0xb8;
	[tilespmem:$0x1E400] =	vst v63  }
0x46: {  	_ =	swait.ge [sflag:s19], $0x4000  }
0x47: {  	[sflag:s19] =	ssyncset.done $0x0  }
0x48: {  	[sflag:s19] =	ssyncadd.s32 $0xFFFFC000  }
0x49: {  	[spmem:s2] =	stream.indirect.scatter.add.f32 [tilespmem:s17], [sflag:$0x3], $0x80, s23, s16, $0xb8;
	[tilespmem:$0x1E400] =	vst v63  }
0x4a: {  	_ =	swait.ge [sflag:s20], $0x4000  }
0x4b: {  	[sflag:s20] =	ssyncset.done $0x0  }
0x4c: {  	[sflag:s20] =	ssyncadd.s32 $0xFFFFC000  }
0x4d: {  	[spmem:s2] =	stream.indirect.scatter.add.f32 [tilespmem:s18], [sflag:$0x4], $0x80, s24, s16, $0xb8;
	[tilespmem:$0x1E400] =	vst v63  }
0x4e: {  	_ =	swait.ge [sflag:s21], $0x4000  }
0x4f: {  	[sflag:s21] =	ssyncset.done $0x0  }
0x50: {  	[sflag:s21] =	ssyncadd.s32 $0xFFFFC000  }
0x51: {  	_ =	swait.ge [sflag:s22], $0x4000  }
0x52: {  	[sflag:s22] =	ssyncset.done $0x0  }
0x53: {  	s26 =	simm.s32 $0x0;
	[sflag:s22] =	ssyncadd.s32 $0xFFFFC000  }
0x54: {  	[tilespmem:s26], [sflag:$0x5] =	stream.linear.gather [hbm4b:s9+s26], $0x1400, $0x38;
	[tilespmem:$0x1E400] =	vst v63  }
0x55: {  	_ =	swait.ge [sflag:s14], $0x1400  }
0x56: {  	[sflag:s14] =	ssyncset.done $0x0  }
0x57: {  	[sflag:s14] =	ssyncadd.s32 $0xFFFFEC00  }
0x58: {  	[tilespmem:s15], [sflag:$0x5] =	stream.linear.gather [hbm4b:s10+s26], $0x1400, $0x38;
	[tilespmem:$0x1E400] =	vst v63  }
0x59: {  	_ =	swait.ge [sflag:s14], $0x1400  }
0x5a: {  	[sflag:s14] =	ssyncset.done $0x0  }
0x5b: {  	[sflag:s14] =	ssyncadd.s32 $0xFFFFEC00  }
0x5c: {  	[tilespmem:s17], [sflag:$0x1] =	stream.indirect.gather [hbm4b:s4+s16], $0x80, s26, s16, $0xb8;
	[tilespmem:$0x1E400] =	vst v63  }
0x5d: {  	_ = 	snop  }
0x5e: {  	[tilespmem:s18], [sflag:$0x2] =	stream.indirect.gather [hbm4b:s4+s16], $0x80, s16, s16, $0xb8;
	[tilespmem:$0x1E400] =	vst v63  }
0x5f: {  	_ =	swait.ge [sflag:s19], $0x4000  }
0x60: {  	[sflag:s19] =	ssyncset.done $0x0  }
0x61: {  	s29 =	simm.s32 $0x1400;
	[sflag:s19] =	ssyncadd.s32 $0xFFFFC000  }
0x62: {  	[spmem:s2] =	stream.indirect.scatter.add.f32 [tilespmem:s17], [sflag:$0x3], $0x80, s29, s16, $0xb8;
	[tilespmem:$0x1E400] =	vst v63  }
0x63: {  	_ =	swait.ge [sflag:s20], $0x4000  }
0x64: {  	[sflag:s20] =	ssyncset.done $0x0  }
0x65: {  	s30 =	simm.s32 $0x1480;
	[sflag:s20] =	ssyncadd.s32 $0xFFFFC000  }
0x66: {  	[spmem:s2] =	stream.indirect.scatter.add.f32 [tilespmem:s18], [sflag:$0x4], $0x80, s30, s16, $0xb8;
	[tilespmem:$0x1E400] =	vst v63  }
0x67: {  	_ =	swait.ge [sflag:s21], $0x4000  }
0x68: {  	[sflag:s21] =	ssyncset.done $0x0  }
0x69: {  	s31 =	simm.s32 $0x100;
	[sflag:s21] =	ssyncadd.s32 $0xFFFFC000  }
0x6a: {  	[tilespmem:s17], [sflag:$0x1] =	stream.indirect.gather [hbm4b:s4+s16], $0x80, s31, s16, $0xb8;
	[tilespmem:$0x1E400] =	vst v63  }
0x6b: {  	_ =	swait.ge [sflag:s22], $0x4000  }
0x6c: {  	[sflag:s22] =	ssyncset.done $0x0  }
0x6d: {  	s28 =	simm.s32 $0x180;
	s26 =	simm.s32 $0x400;
	[sflag:s22] =	ssyncadd.s32 $0xFFFFC000  }
.LBB2_4:
0x6e: {  	[tilespmem:s18], [sflag:$0x2] =	stream.indirect.gather [hbm4b:s4+s16], $0x80, s28, s16, $0xb8;
	[tilespmem:$0x1E400] =	vst v63  }
0x6f: {  	s28 =	smov.u32 s26  }
0x70: {  	p0 =	sne.s32 s26, $0x4800;
	s26 =	sadd.s32 $0x400, s26;
	_ =	swait.ge [sflag:s19], $0x4000  }
0x71: {  	s28 =	sshra.s32 s28, $0x2;
	[sflag:s19] =	ssyncset.done $0x0  }
0x72: {  	s29 =	sadd.s32 $0x1400, s28;
	[sflag:s19] =	ssyncadd.s32 $0xFFFFC000  }
0x73: {  	[spmem:s2] =	stream.indirect.scatter.add.f32 [tilespmem:s17], [sflag:$0x3], $0x80, s29, s16, $0xb8;
	[tilespmem:$0x1E400] =	vst v63  }
0x74: {  	_ =	swait.ge [sflag:s20], $0x4000  }
0x75: {  	[sflag:s20] =	ssyncset.done $0x0  }
0x76: {  	s29 =	sadd.s32 $0x1480, s28;
	[sflag:s20] =	ssyncadd.s32 $0xFFFFC000  }
0x77: {  	[spmem:s2] =	stream.indirect.scatter.add.f32 [tilespmem:s18], [sflag:$0x4], $0x80, s29, s16, $0xb8;
	[tilespmem:$0x1E400] =	vst v63  }
0x78: {  	_ =	swait.ge [sflag:s21], $0x4000  }
0x79: {  	[sflag:s21] =	ssyncset.done $0x0  }
.Ltmp1:
0x7a: {  	s29 =	sadd.s32 $0x100, s28;
	[sflag:s21] =	ssyncadd.s32 $0xFFFFC000;
	(pc) =	sbr.rel @p0 .LBB2_4-.Ltmp1, $4  }
0x7b: {  	[tilespmem:s17], [sflag:$0x1] =	stream.indirect.gather [hbm4b:s4+s16], $0x80, s29, s16, $0xb8;
	[tilespmem:$0x1E400] =	vst v63  }
0x7c: {  	_ =	swait.ge [sflag:s22], $0x4000  }
0x7d: {  	[sflag:s22] =	ssyncset.done $0x0  }
0x7e: {  	s28 =	sadd.s32 $0x180, s28;
	[sflag:s22] =	ssyncadd.s32 $0xFFFFC000  }
0x7f: {  	[tilespmem:s18], [sflag:$0x2] =	stream.indirect.gather [hbm4b:s4+s16], $0x80, s28, s16, $0xb8;
	[tilespmem:$0x1E400] =	vst v63  }
0x80: {  	_ =	swait.ge [sflag:s19], $0x4000  }
0x81: {  	[sflag:s19] =	ssyncset.done $0x0  }
0x82: {  	[sflag:s19] =	ssyncadd.s32 $0xFFFFC000  }
0x83: {  	[spmem:s2] =	stream.indirect.scatter.add.f32 [tilespmem:s17], [sflag:$0x3], $0x80, s23, s16, $0xb8;
	[tilespmem:$0x1E400] =	vst v63  }
0x84: {  	_ =	swait.ge [sflag:s20], $0x4000  }
0x85: {  	[sflag:s20] =	ssyncset.done $0x0  }
0x86: {  	[sflag:s20] =	ssyncadd.s32 $0xFFFFC000  }
0x87: {  	[spmem:s2] =	stream.indirect.scatter.add.f32 [tilespmem:s18], [sflag:$0x4], $0x80, s24, s16, $0xb8;
	[tilespmem:$0x1E400] =	vst v63  }
0x88: {  	_ =	swait.ge [sflag:s21], $0x4000  }
0x89: {  	[sflag:s21] =	ssyncset.done $0x0  }
0x8a: {  	[sflag:s21] =	ssyncadd.s32 $0xFFFFC000  }
0x8b: {  	_ =	swait.ge [sflag:s22], $0x4000  }
0x8c: {  	s25 =	sadd.s32 $0x1, s25;
	[sflag:s22] =	ssyncset.done $0x0  }
0x8d: {  	p0 =	sne.s32 s25, s12;
	[sflag:s22] =	ssyncadd.s32 $0xFFFFC000  }
.Ltmp2:
0x8e: {  	[bflag:$0x0] =	sbarrier.arrive $0xFFFF;
	(pc) =	sbr.rel @p0 .LBB2_1-.Ltmp2, $4  }
0x8f: {  	[hbm:s11], [sflag:s6] =	dma.local [spmem:s13], $0x2780  }
0x90: {  	_ =	swait.ge [sflag:s14], $0x2780  }
0x91: {  	[sflag:s14] =	ssyncset.done $0x0  }
0x92: {  	[sflag:s14] =	ssyncadd.s32 $0xFFFFD880  }
0x93: {  	_ =	sfence.sel $0x180000  }
0x94: {  	[bflag:$0x0] =	sbarrier.arrive $0xFFFF  }
0x95: {  	p0 =	sne.s32 s1, $0x0;
	_ =	strace $0x9000004D  }
0x96: {  	s0 =	sadd.s32 @!p0 $0x100000, s0;
	[bflag:$0x2] =	sbarrier.arrive $0xFFFF  }
0x97: {  	[sflag:s0] =	ssyncadd.tile.s32 @!p0 $0x1;
	_ =	shalt  }
.Lfunc_end2:
_tile_overlayer_lowered:
.L_overlay_start_2:
0x98: {  	(tag) =	ssettag $0x2  }
0x99: {  	s0 =	rddreg [dreg:$0x0];
	s2 =	stileid.u32  }
0x9a: {  	s1 =	rddreg [dreg:$0x1];
	p0 =	sne.s32 s2, $0x0  }
0x9b: {  	s3 =	rddreg [dreg:$0x2];
	[bflag:$0x3] =	sbarrier.arrive $0xFFFF;
	s2 =	simm.s32 @!p0 $0x1C05  }
0x9c: {  	[timem:s3], [sflag:s2] =	dma.local @!p0 [hbm:s0], s1  }
0x9d: {  	s0 =	simm.s32 @!p0 $0x5  }
0x9e: {  	_ =	swait.ge @!p0 [sflag:s0], s1  }
0x9f: {  	s1 =	ssub.s32 @!p0 $0x0, s1;
	[sflag:s0] =	ssyncset.done @!p0 $0x0  }
0xa0: {  	[sflag:s0] =	ssyncadd.s32 @!p0 s1  }
0xa1: {  	[bflag:$0x3] =	sbarrier.arrive $0xFFFF  }
0xa2: {  	_ =	shalt  }

// kernel: kernel.19.cloned.1.call-start
scs
__scs_entry_jumppad:
0x0: {  	(pc) =	sbr.rel $0x88, $3  }
0x1: {  	(tag) =	ssettag $0x0;
	lr =	simm.s32 $0x1  }
0x2: {  	[smem:$0x3F95] =	sst lr;
	_ =	strace $0xD0000000  }
0x3: {  	_ = 	snop  }
0x4: {  	_ = 	snop  }
0x5: {  	_ = 	snop  }
0x6: {  	_ = 	snop  }
0x7: {  	_ = 	snop  }
__scs_overlays_trampoline_lowered:
0x8: {  	[smem:$0x3FA4] =	sst s0  }
0x9: {  	[smem:$0x3FA5] =	sst s1  }
0xa: {  	[smem:$0x3FA6] =	sst s2  }
0xb: {  	[smem:$0x3FA7] =	sst s3  }
0xc: {  	[smem:$0x3FA8] =	sst s4  }
0xd: {  	[smem:$0x3FA9] =	sst s5  }
0xe: {  	[smem:$0x3FAA] =	sst s6  }
0xf: {  	[smem:$0x3FAB] =	sst s7  }
0x10: {  	[smem:$0x3FAC] =	sst s8  }
0x11: {  	[smem:$0x3FAD] =	sst s9;
	s0 =	simm.s32 @!p0 $0x0  }
0x12: {  	s1 =	sld [smem:$0x3F93];
	s0 =	simm.s32 @p0 $0x1  }
0x13: {  	[smem:$0x3FAE] =	sst s0;
	s0 =	simm.s32 @!p1 $0x0  }
0x14: {  	s2 =	sld [smem:$0x3F92];
	s0 =	simm.s32 @p1 $0x1  }
0x15: {  	[smem:$0x3FAF] =	sst s0;
	s0 =	simm.s32 @!p2 $0x0  }
0x16: {  	s3 =	sld [smem:$0x3FDB];
	s0 =	simm.s32 @p2 $0x1  }
0x17: {  	s4 =	simm.s32 $0x1BF5;
	[smem:$0x3FB1] =	sst s0  }
0x18: {  	s0 =	sld [smem:$0x3F94];
	_ =	swait.ge [sflag:s4], $0x0  }
0x19: {  	s7 =	sld [smem:$0x3F95]  }
0x1a: {  	s8 =	sadd.s32 $0xFFFFE003, lr  }
0x1b: {  	s9 =	sadd.s32 $0xFFFFFEF7, lr;
	s5 =	simm.s32 $0xFFFFFFFF;
	p2 =	slt.u32 s8, $0xFFFFF086  }
0x1c: {  	p1 =	slt.u32 s9, $0xF7A;
	s5 =	simm.s32 @!p2 $0x0  }
0x1d: {  	s5 =	simm.s32 @p1 $0x1;
	p0 =	seq.s32 s7, s2  }
0x1e: {  	s7 =	smul.u32 @!p0 $0xF7A, s2;
	p2 =	seq.s32 @!p0 s5, $0x0  }
0x1f: {  	s9 =	smul.u32 $0xF7A, s1;
	s8 =	simm.s32 @!p0 $0x1BF5;
	p2 =	por !p2, p0  }
0x20: {  	[sflag:s8] =	ssyncset.s32 @!p0 $0xFFFFF086;
	s6 =	sadd.s32 @!p0 s3, s7;
	s7 =	simm.s32 @!p0 $0x108  }
0x21: {  	s3 =	sadd.s32 s3, s9;
	s6 =	sadd.s32 @!p0 $0x88, s6;
	s7 =	simm.s32 @p2 $0x1082  }
0x22: {  	[simem:s7], [sflag:s8] =	dma.local @!p0 [hbm:s6], $0xF7A  }
0x23: {  	s9 =	sor.u32 $0xD0000000, s2;
	s6 =	simm.s32 $0x108;
	_ =	swait.ge @!p0 [sflag:s8], $0x0  }
0x24: {  	s3 =	sadd.s32 $0x88, s3;
	s6 =	simm.s32 @!p1 $0x1082;
	[sflag:s4] =	ssyncset.s32 $0xFFFFF086  }
0x25: {  	[simem:s6], [sflag:s4] =	dma.local [hbm:s3], $0xF7A  }
0x26: {  	[smem:$0x3F95] =	sst s1;
	(tag) =	ssettag s2;
	_ =	strace s9  }
0x27: {  	s1 =	sld [smem:$0x3FA5]  }
0x28: {  	s2 =	sld [smem:$0x3FA6]  }
0x29: {  	s4 =	sld [smem:$0x3FA8]  }
0x2a: {  	p0 =	seq.s32 s5, $0x0;
	s5 =	sld [smem:$0x3FA9]  }
0x2b: {  	s6 =	sld [smem:$0x3FAA]  }
0x2c: {  	s7 =	sld [smem:$0x3FAB]  }
0x2d: {  	s3 =	simm.s32 $0x108;
	s8 =	sld [smem:$0x3FAC]  }
0x2e: {  	s3 =	simm.s32 @!p0 $0x1082;
	s9 =	sld [smem:$0x3FAD]  }
0x2f: {  	lr =	sadd.s32 s0, s3;
	s0 =	sld [smem:$0x3FA4]  }
0x30: {  	s3 =	sld [smem:$0x3FA7]  }
0x31: {  	[smem:$0x3FB0] =	sst s10  }
0x32: {  	s10 =	sld [smem:$0x3FAE];
	_ =	sdelay $0x3  }
0x33: {  	p0 =	seq.s32 s10, $0x1;
	s10 =	sld [smem:$0x3FB0];
	_ =	sdelay $0x3  }
0x34: {  	[smem:$0x3FB0] =	sst s10  }
0x35: {  	s10 =	sld [smem:$0x3FAF];
	_ =	sdelay $0x3  }
0x36: {  	p1 =	seq.s32 s10, $0x1;
	s10 =	sld [smem:$0x3FB0];
	_ =	sdelay $0x3  }
0x37: {  	[smem:$0x3FB0] =	sst s10  }
0x38: {  	s10 =	sld [smem:$0x3FB1]  }
0x39: {  	_ = 	snop;
	(pc) =	sbr.ind lr, $3  }
0x3a: {  	_ = 	snop  }
0x3b: {  	_ = 	snop  }
0x3c: {  	p2 =	seq.s32 s10, $0x1;
	s10 =	sld [smem:$0x3FB0]  }
0x3d: {  	_ =	shalt  }
0x3e: {  	_ =	shalt  }
0x3f: {  	_ =	shalt  }
0x40: {  	_ =	shalt  }
0x41: {  	_ =	shalt  }
0x42: {  	_ =	shalt  }
0x43: {  	_ =	shalt  }
0x44: {  	_ =	shalt  }
0x45: {  	_ =	shalt  }
0x46: {  	_ =	shalt  }
0x47: {  	_ =	shalt  }
0x48: {  	_ =	shalt  }
0x49: {  	_ =	shalt  }
0x4a: {  	_ =	shalt  }
0x4b: {  	_ =	shalt  }
0x4c: {  	_ =	shalt  }
0x4d: {  	_ =	shalt  }
0x4e: {  	_ =	shalt  }
0x4f: {  	_ =	shalt  }
0x50: {  	_ =	shalt  }
0x51: {  	_ =	shalt  }
0x52: {  	_ =	shalt  }
0x53: {  	_ =	shalt  }
0x54: {  	_ =	shalt  }
0x55: {  	_ =	shalt  }
0x56: {  	_ =	shalt  }
0x57: {  	_ =	shalt  }
0x58: {  	_ =	shalt  }
0x59: {  	_ =	shalt  }
0x5a: {  	_ =	shalt  }
0x5b: {  	_ =	shalt  }
0x5c: {  	_ =	shalt  }
0x5d: {  	_ =	shalt  }
0x5e: {  	_ =	shalt  }
0x5f: {  	_ =	shalt  }
0x60: {  	_ =	shalt  }
0x61: {  	_ =	shalt  }
0x62: {  	_ =	shalt  }
0x63: {  	_ =	shalt  }
0x64: {  	_ =	shalt  }
0x65: {  	_ =	shalt  }
0x66: {  	_ =	shalt  }
0x67: {  	_ =	shalt  }
0x68: {  	_ =	shalt  }
0x69: {  	_ =	shalt  }
0x6a: {  	_ =	shalt  }
0x6b: {  	_ =	shalt  }
0x6c: {  	_ =	shalt  }
0x6d: {  	_ =	shalt  }
0x6e: {  	_ =	shalt  }
0x6f: {  	_ =	shalt  }
0x70: {  	_ =	shalt  }
0x71: {  	_ =	shalt  }
0x72: {  	_ =	shalt  }
0x73: {  	_ =	shalt  }
0x74: {  	_ =	shalt  }
0x75: {  	_ =	shalt  }
0x76: {  	_ =	shalt  }
0x77: {  	_ =	shalt  }
0x78: {  	_ =	shalt  }
0x79: {  	_ =	shalt  }
0x7a: {  	_ =	shalt  }
0x7b: {  	_ =	shalt  }
0x7c: {  	_ =	shalt  }
0x7d: {  	_ =	shalt  }
0x7e: {  	_ =	shalt  }
0x7f: {  	_ =	shalt  }
0x80: {  	_ =	shalt  }
0x81: {  	_ =	shalt  }
0x82: {  	_ =	shalt  }
0x83: {  	_ =	shalt  }
0x84: {  	_ =	shalt  }
0x85: {  	_ =	shalt  }
0x86: {  	_ =	shalt  }
0x87: {  	_ =	shalt  }
.Lfunc_end0:
.L_simem_size_0:
called_computation.3_lowered:
.L_overlay_start_0:
0x88: {  	s2 =	sld [smem:$0x3FD9]  }
0x89: {  	s3 =	sld [smem:$0x3FFE];
	_ =	sdelay $0x1  }
0x8a: {  	s1 =	srdreg.scid  }
0x8b: {  	s0 =	sand.u32 $0x1, s1  }
0x8c: {  	s14 =	sshll.u32 s0, $0xA;
	s2 =	sadd.s32 s3, s2  }
0x8d: {  	s2 =	sadd.s32 s2, s14  }
0x8e: {  	[smem:$0x3FBC] =	sst s2  }
0x8f: {  	_ = 	snop  }
0x90: {  	s2 =	sld [smem:$0x3FD0];
	_ =	sdelay $0x2  }
0x91: {  	s15 =	simm.s32 $0xB;
	s4 =	simm.s32 $0x10  }
0x92: {  	[smem:s4], [sflag:s15] =	dma.local [hbm:s2], $0x1  }
0x93: {  	_ =	swait.eq [sflag:s15], $0x1  }
0x94: {  	[sflag:s15] =	ssyncset.done $0x0  }
0x95: {  	[sflag:s15] =	ssyncadd.s32 $0xFFFFFFFF  }
0x96: {  	s16 =	sld [smem:$0x11];
	(tm) =	ssettm $0x1  }
0x97: {  	s17 =	sld [smem:$0x3FFB];
	_ =	sdelay $0x3  }
0x98: {  	_ =	strace s17  }
0x99: {  	s3 =	sld [smem:$0x3FFC];
	_ =	sdelay $0x3  }
0x9a: {  	_ =	strace s3  }
0x9b: {  	s3 =	sld [smem:$0x3FFD];
	_ =	sdelay $0x3  }
0x9c: {  	_ =	strace s3  }
0x9d: {  	_ =	strace $0x8FFFFFFF  }
0x9e: {  	s18 =	sld [smem:$0x3FDB];
	_ =	sdelay $0x1  }
0x9f: {  	s19 =	simm.s32 $_scs_section_size  }
0xa0: {  	s5 =	simm.s32 $_size__tile_overlayer_lowered;
	s6 =	simm.s32 $_tile_overlayer_lowered  }
0xa1: {  	s22 =	simm.s32 $0x1BFF;
	s21 =	sshll.u32 s6, $0x1;
	s3 =	sadd.s32 s19, s18  }
0xa2: {  	s7 =	simm.s32 $0x0;
	s20 =	sshll.u32 s5, $0x1;
	s5 =	sadd.s32 s21, s3  }
0xa3: {  	[timem:s7], [sflag:s22] =	dma.local [hbm:s5], s20  }
0xa4: {  	_ =	swait.ge [sflag:s22], s20  }
0xa5: {  	s4 =	ssub.s32 $0x0, s20;
	[sflag:s22] =	ssyncset.done $0x0  }
0xa6: {  	[sflag:s22] =	ssyncadd.s32 s4;
	_ =	sdelay $0x1  }
0xa7: {  	s23 =	simm.s32 $0x1B8B  }
0xa8: {  	_ =	swait.ge [sflag:s23], $0x1  }
0xa9: {  	[sflag:s23] =	ssyncset.done $0x0  }
0xaa: {  	s25 =	simm.s32 $0x1B8E;
	s24 =	sld [smem:$0x3FFE];
	[sflag:s23] =	ssyncadd.s32 $0xFFFFFFFF  }
0xab: {  	s26 =	simm.s32 $execute0_lowered;
	[smem:$0x3FD2] =	sst s25  }
0xac: {  	s5 =	sshll.u32 s26, $0x1;
	_ =	strace $0x8000004F;
	[dreg:$0x1] =	wrdreg $0xFFFFFFFF  }
0xad: {  	s28 =	simm.s32 $_size_execute0_lowered;
	s3 =	sadd.s32 s3, s5;
	[dreg:$0x0] =	wrdreg $0x0  }
0xae: {  	s5 =	sshll.u32 s28, $0x1;
	[dreg:$0x2] =	wrdreg s3  }
0xaf: {  	[dreg:$0x3] =	wrdreg s5  }
0xb0: {  	[dreg:$0x4] =	wrdreg $0xC0  }
0xb1: {  	_ =	task [dreg:s7], $0x5FFFF  }
0xb2: {  	[dreg:$0x1] =	wrdreg $0xFFFFFFFF  }
0xb3: {  	[dreg:$0x0] =	wrdreg $0x60  }
0xb4: {  	[dreg:$0x2] =	wrdreg s24  }
0xb5: {  	[dreg:$0x3] =	wrdreg s16  }
0xb6: {  	[dreg:$0x4] =	wrdreg $0x9  }
0xb7: {  	_ =	task.clear_ibuf [dreg:s7], $0x5FFFF;
	_ =	strace $0x9000004F  }
0xb8: {  	s29 =	simm.s32 $0x9;
	_ =	strace $0x80000051  }
0xb9: {  	_ =	swait.ge [sflag:s29], $0x1  }
0xba: {  	[sflag:s29] =	ssyncadd.s32 $0xFFFFFFFF  }
0xbb: {  	_ =	strace $0x90000051  }
0xbc: {  	_ =	sfence  }
0xbd: {  	s30 =	sld [smem:$0x0];
	_ =	sdelay $0x2  }
0xbe: {  	s31 =	sshll.u32 s1, $0xD;
	s1 =	sshrl.u32 s1, $0x2  }
0xbf: {  	s3 =	sand.u32 $0x4000, s31;
	s1 =	sadd.s32 s1, s30  }
0xc0: {  	s0 =	sor.u32 s3, s0;
	s1 =	sshll.u32 s1, $0x11  }
0xc1: {  	s0 =	sor.u32 s1, s0  }
0xc2: {  	s0 =	sadd.s32 $0x8F2B, s0  }
0xc3: {  	[sflag:s0] =	ssyncadd.remote.s32 $0x1  }
0xc4: {  	_ =	sfence.sel $0xFFFF  }
0xc5: {  	[dreg:$0x0] =	wrdreg $0xFFFFFFFF;
	(pc) =	sbr.abs _section_cstart, $3  }
0xc6: {  	[dreg:$0x1] =	wrdreg $0xFFFFFFFF  }
0xc7: {  	_ =	task.clear_ibuf [dreg:s7], $0x2FFFF;
	_ =	strace $0x9FFFFFFF  }
0xc8: {  	(tm) =	ssettm $0x7FFFFFFF  }
0xc9: {  	_ =	shalt  }
tec
execute0_lowered:
.L_overlay_start_1:
0x0: {  	(tag) =	ssettag $0x1  }
0x1: {  	s0 =	rddreg [dreg:$0x0];
	s1 =	srdreg.scid  }
0x2: {  	s14 =	stileid.u32;
	s5 =	rddreg [dreg:$0x1]  }
0x3: {  	s2 =	simm.s32 $0x0;
	s16 =	simm.s32 $0x9;
	s28 =	simm.s32 $0x4  }
0x4: {  	s29 =	simm.s32 $0x5;
	s30 =	simm.s32 $0x80;
	s31 =	simm.s32 $0x6  }
0x5: {  	s1 =	sand.u32 $0x1, s1;
	s3 =	sshll.u32 s14, $0x1;
	[smem:$0x7FF] =	sst s2  }
0x6: {  	s4 =	sadd.s32 $0x70E00, s0;
	s9 =	sadd.s32 $0x98600, s0;
	s10 =	sadd.s32 $0x598600, s0  }
0x7: {  	s11 =	sadd.s32 $0xA98600, s0;
	s14 =	smul.u32 $0x280000, s14;
	s6 =	sor.u32 s1, s3  }
0x8: {  	_ =	strace $0x80000050;
	s12 =	ssub.s32 $0x2, s1;
	s1 =	smul.u32 $0x140000, s1  }
0x9: {  	s3 =	sadd.s32 $0x49600, s0;
	s7 =	smul.u32 $0x500, s6;
	s13 =	sshrl.u32 s12, $0x1  }
0xa: {  	s6 =	smul.u32 $0x140000, s6;
	s12 =	ssub.s32 s12, s13;
	s1 =	sadd.s32 s1, s14  }
0xb: {  	s8 =	sadd.s32 s7, s0;
	s0 =	sadd.s32 $0xF98600, s0;
	s5 =	sadd.s32 s5, s7  }
0xc: {  	s19 =	sshrl.u32 s6, $0x3;
	s21 =	smax.u32 s12, $0x1;
	s1 =	sshrl.u32 s1, $0x3  }
0xd: {  	[dreg:$0x5] =	wrdreg s5;
	s17 =	sadd.s32 $0x4400, s8;
	s18 =	sadd.s32 $0x3F600, s8  }
0xe: {  	s20 =	sadd.s32 $0x35600, s8;
	s5 =	sadd.s32 $0x27800, s19;
	[dreg:$0x9] =	wrdreg s21  }
0xf: {  	s25 =	sadd.s32 s1, s0;
	s26 =	sadd.s32 s1, s11;
	[dreg:$0x6] =	wrdreg s17  }
0x10: {  	s14 =	sadd.s32 s1, s10;
	s15 =	sadd.s32 s1, s9;
	[dreg:$0x7] =	wrdreg s18  }
0x11: {  	s19 =	simm.s32 $0x7800;
	s21 =	simm.s32 $0xE000;
	[dreg:$0x8] =	wrdreg s20  }
0x12: {  	s1 =	simm.s32 $0x7;
	s22 =	sadd.s32 s9, s5;
	[dreg:$0x3] =	wrdreg s25  }
0x13: {  	s23 =	sadd.s32 s10, s5;
	s24 =	sadd.s32 s11, s5;
	[dreg:$0x4] =	wrdreg s26  }
0x14: {  	s0 =	sadd.s32 s0, s5;
	s17 =	simm.s32 $0x2800;
	[dreg:$0xa] =	wrdreg s22  }
0x15: {  	s18 =	simm.s32 $0x5000;
	s20 =	simm.s32 $0xA000;
	[dreg:$0xb] =	wrdreg s23  }
0x16: {  	s25 =	simm.s32 $0x2;
	s26 =	simm.s32 $0x3;
	[dreg:$0xc] =	wrdreg s24  }
0x17: {  	s5 =	simm.s32 $0x0;
	[dreg:$0xd] =	wrdreg s0;
	s22 =	simm.s32 $0x12000  }
0x18: {  	s23 =	simm.s32 $0x16000;
	s24 =	simm.s32 $0x1;
	s0 =	simm.s32 $0x8  }
.LBB2_1:
0x19: {  	s6 =	rddreg [dreg:$0x5]  }
0x1a: {  	[tilespmem:s2], [sflag:$0x9] =	stream.linear.gather [hbm4b:s6+s2], $0x2800, $0x38;
	[tilespmem:$0x1A000] =	vst v63  }
0x1b: {  	_ =	swait.ge [sflag:s16], $0x2800  }
0x1c: {  	[sflag:s16] =	ssyncset.done $0x0  }
0x1d: {  	s12 =	rddreg [dreg:$0x6];
	[sflag:s16] =	ssyncadd.s32 $0xFFFFD800  }
0x1e: {  	[tilespmem:s17], [sflag:$0x9] =	stream.linear.gather [hbm4b:s12+s2], $0x2800, $0x38;
	[tilespmem:$0x1A000] =	vst v63  }
0x1f: {  	_ =	swait.ge [sflag:s16], $0x2800  }
0x20: {  	[sflag:s16] =	ssyncset.done $0x0  }
0x21: {  	s13 =	rddreg [dreg:$0x7];
	[sflag:s16] =	ssyncadd.s32 $0xFFFFD800  }
0x22: {  	[tilespmem:s18], [sflag:$0x9] =	stream.linear.gather [hbm4b:s13+s2], $0x2800, $0x38;
	[tilespmem:$0x1A000] =	vst v63  }
0x23: {  	_ =	swait.ge [sflag:s16], $0x2800  }
0x24: {  	[sflag:s16] =	ssyncset.done $0x0  }
0x25: {  	s7 =	rddreg [dreg:$0x8];
	[sflag:s16] =	ssyncadd.s32 $0xFFFFD800  }
0x26: {  	[tilespmem:s19], [sflag:$0x9] =	stream.linear.gather [hbm4b:s7+s2], $0x2800, $0x38;
	[tilespmem:$0x1A000] =	vst v63  }
0x27: {  	_ =	swait.ge [sflag:s16], $0x2800  }
0x28: {  	[sflag:s16] =	ssyncset.done $0x0  }
0x29: {  	[sflag:s16] =	ssyncadd.s32 $0xFFFFD800  }
0x2a: {  	[tilespmem:s20], [sflag:$0x1] =	stream.indirect.gather [hbm4b:s3+s30], $0x80, s2, s30, $0xb8;
	[tilespmem:$0x1A000] =	vst v63  }
0x2b: {  	_ = 	snop  }
0x2c: {  	[tilespmem:s21], [sflag:$0x2] =	stream.indirect.gather [hbm4b:s4+s30], $0x80, s17, s30, $0xb8;
	[tilespmem:$0x1A000] =	vst v63  }
0x2d: {  	_ = 	snop  }
0x2e: {  	[tilespmem:s22], [sflag:$0x3] =	stream.indirect.gather [hbm4b:s4+s30], $0x80, s18, s30, $0xb8;
	[tilespmem:$0x1A000] =	vst v63  }
0x2f: {  	_ = 	snop  }
0x30: {  	[tilespmem:s23], [sflag:$0x4] =	stream.indirect.gather [hbm4b:s4+s30], $0x80, s19, s30, $0xb8;
	[tilespmem:$0x1A000] =	vst v63  }
0x31: {  	_ =	swait.ge [sflag:s24], $0x4000  }
0x32: {  	[sflag:s24] =	ssyncset.done $0x0  }
0x33: {  	s8 =	sadd.s32 $0x0, s15;
	[sflag:s24] =	ssyncadd.s32 $0xFFFFC000  }
0x34: {  	[hbm4b:s8+s2] =	stream.linear.scatter [tilespmem:s20], [sflag:$0x5], $0x4000, $0x38;
	[tilespmem:$0x1A000] =	vst v63  }
0x35: {  	_ =	swait.ge [sflag:s25], $0x4000  }
0x36: {  	[sflag:s25] =	ssyncset.done $0x0  }
0x37: {  	s9 =	sadd.s32 $0x0, s14;
	[sflag:s25] =	ssyncadd.s32 $0xFFFFC000  }
0x38: {  	[hbm4b:s9+s2] =	stream.linear.scatter [tilespmem:s21], [sflag:$0x6], $0x4000, $0x38;
	[tilespmem:$0x1A000] =	vst v63  }
0x39: {  	_ =	swait.ge [sflag:s26], $0x4000  }
0x3a: {  	s10 =	rddreg [dreg:$0x4];
	[sflag:s26] =	ssyncset.done $0x0  }
0x3b: {  	[sflag:s26] =	ssyncadd.s32 $0xFFFFC000;
	s6 =	sadd.s32 $0x0, s10  }
0x3c: {  	[hbm4b:s6+s2] =	stream.linear.scatter [tilespmem:s22], [sflag:$0x7], $0x4000, $0x38;
	[tilespmem:$0x1A000] =	vst v63  }
0x3d: {  	_ =	swait.ge [sflag:s28], $0x4000  }
0x3e: {  	s11 =	rddreg [dreg:$0x3];
	[sflag:s28] =	ssyncset.done $0x0  }
0x3f: {  	[sflag:s28] =	ssyncadd.s32 $0xFFFFC000;
	s6 =	sadd.s32 $0x0, s11  }
0x40: {  	[hbm4b:s6+s2] =	stream.linear.scatter [tilespmem:s23], [sflag:$0x8], $0x4000, $0x38;
	[tilespmem:$0x1A000] =	vst v63  }
0x41: {  	_ =	swait.ge [sflag:s29], $0x4000  }
0x42: {  	[sflag:s29] =	ssyncset.done $0x0  }
0x43: {  	[sflag:s29] =	ssyncadd.s32 $0xFFFFC000  }
0x44: {  	[tilespmem:s20], [sflag:$0x1] =	stream.indirect.gather [hbm4b:s3+s30], $0x80, s30, s30, $0xb8;
	[tilespmem:$0x1A000] =	vst v63  }
0x45: {  	_ =	swait.ge [sflag:s31], $0x4000  }
0x46: {  	[sflag:s31] =	ssyncset.done $0x0  }
0x47: {  	s12 =	simm.s32 $0x2880;
	[sflag:s31] =	ssyncadd.s32 $0xFFFFC000  }
0x48: {  	[tilespmem:s21], [sflag:$0x2] =	stream.indirect.gather [hbm4b:s4+s30], $0x80, s12, s30, $0xb8;
	[tilespmem:$0x1A000] =	vst v63  }
0x49: {  	_ =	swait.ge [sflag:s1], $0x4000  }
0x4a: {  	[sflag:s1] =	ssyncset.done $0x0  }
0x4b: {  	s13 =	simm.s32 $0x5080;
	[sflag:s1] =	ssyncadd.s32 $0xFFFFC000  }
0x4c: {  	[tilespmem:s22], [sflag:$0x3] =	stream.indirect.gather [hbm4b:s4+s30], $0x80, s13, s30, $0xb8;
	[tilespmem:$0x1A000] =	vst v63  }
0x4d: {  	s7 =	simm.s32 $0x800;
	s8 =	simm.s32 $0x5100;
	_ =	swait.ge [sflag:s0], $0x4000  }
0x4e: {  	s9 =	simm.s32 $0x7900;
	s10 =	simm.s32 $0x100;
	[sflag:s0] =	ssyncset.done $0x0  }
0x4f: {  	s11 =	simm.s32 $0x2900;
	s6 =	simm.s32 $0x7880;
	[sflag:s0] =	ssyncadd.s32 $0xFFFFC000  }
.LBB2_2:
0x50: {  	[tilespmem:s23], [sflag:$0x4] =	stream.indirect.gather [hbm4b:s4+s30], $0x80, s6, s30, $0xb8;
	[tilespmem:$0x1A000] =	vst v63  }
0x51: {  	_ =	swait.ge [sflag:s24], $0x4000  }
0x52: {  	s12 =	smov.u32 s7;
	[sflag:s24] =	ssyncset.done $0x0  }
0x53: {  	s13 =	sadd.s32 s12, s15;
	[sflag:s24] =	ssyncadd.s32 $0xFFFFC000  }
0x54: {  	[hbm4b:s13+s2] =	stream.linear.scatter [tilespmem:s20], [sflag:$0x5], $0x4000, $0x38;
	[tilespmem:$0x1A000] =	vst v63  }
0x55: {  	_ =	swait.ge [sflag:s25], $0x4000  }
0x56: {  	[sflag:s25] =	ssyncset.done $0x0  }
0x57: {  	s13 =	sadd.s32 s12, s14;
	[sflag:s25] =	ssyncadd.s32 $0xFFFFC000  }
0x58: {  	[hbm4b:s13+s2] =	stream.linear.scatter [tilespmem:s21], [sflag:$0x6], $0x4000, $0x38;
	[tilespmem:$0x1A000] =	vst v63  }
0x59: {  	_ =	swait.ge [sflag:s26], $0x4000  }
0x5a: {  	s13 =	rddreg [dreg:$0x4];
	[sflag:s26] =	ssyncset.done $0x0  }
0x5b: {  	[sflag:s26] =	ssyncadd.s32 $0xFFFFC000;
	s13 =	sadd.s32 s12, s13  }
0x5c: {  	[hbm4b:s13+s2] =	stream.linear.scatter [tilespmem:s22], [sflag:$0x7], $0x4000, $0x38;
	[tilespmem:$0x1A000] =	vst v63  }
0x5d: {  	_ =	swait.ge [sflag:s28], $0x4000  }
0x5e: {  	s13 =	rddreg [dreg:$0x3];
	[sflag:s28] =	ssyncset.done $0x0  }
0x5f: {  	[sflag:s28] =	ssyncadd.s32 $0xFFFFC000;
	s12 =	sadd.s32 s12, s13  }
0x60: {  	[hbm4b:s12+s2] =	stream.linear.scatter [tilespmem:s23], [sflag:$0x8], $0x4000, $0x38;
	[tilespmem:$0x1A000] =	vst v63  }
0x61: {  	_ =	swait.ge [sflag:s29], $0x4000  }
0x62: {  	[sflag:s29] =	ssyncset.done $0x0  }
0x63: {  	[sflag:s29] =	ssyncadd.s32 $0xFFFFC000  }
0x64: {  	[tilespmem:s20], [sflag:$0x1] =	stream.indirect.gather [hbm4b:s3+s30], $0x80, s10, s30, $0xb8;
	[tilespmem:$0x1A000] =	vst v63  }
0x65: {  	_ =	swait.ge [sflag:s31], $0x4000  }
0x66: {  	[sflag:s31] =	ssyncset.done $0x0  }
0x67: {  	[sflag:s31] =	ssyncadd.s32 $0xFFFFC000  }
0x68: {  	[tilespmem:s21], [sflag:$0x2] =	stream.indirect.gather [hbm4b:s4+s30], $0x80, s11, s30, $0xb8;
	[tilespmem:$0x1A000] =	vst v63  }
0x69: {  	_ =	swait.ge [sflag:s1], $0x4000  }
0x6a: {  	p0 =	sne.s32 s7, $0x27000;
	[sflag:s1] =	ssyncset.done $0x0  }
.Ltmp0:
0x6b: {  	[sflag:s1] =	ssyncadd.s32 $0xFFFFC000;
	(pc) =	sbr.rel @p0 .LBB2_2-.Ltmp0, $4  }
0x6c: {  	[tilespmem:s22], [sflag:$0x3] =	stream.indirect.gather [hbm4b:s4+s30], $0x80, s8, s30, $0xb8;
	[tilespmem:$0x1A000] =	vst v63  }
0x6d: {  	s6 =	smov.u32 s9;
	s7 =	sadd.s32 $0x800, s7;
	_ =	swait.ge [sflag:s0], $0x4000  }
0x6e: {  	s9 =	sadd.s32 $0x80, s9;
	s10 =	sadd.s32 $0x80, s10;
	[sflag:s0] =	ssyncset.done $0x0  }
0x6f: {  	s11 =	sadd.s32 $0x80, s11;
	s8 =	sadd.s32 $0x80, s8;
	[sflag:s0] =	ssyncadd.s32 $0xFFFFC000  }
0x70: {  	[tilespmem:s23], [sflag:$0x4] =	stream.indirect.gather [hbm4b:s4+s30], $0x80, s6, s30, $0xb8;
	[tilespmem:$0x1A000] =	vst v63  }
0x71: {  	_ =	swait.ge [sflag:s24], $0x4000  }
0x72: {  	[sflag:s24] =	ssyncset.done $0x0  }
0x73: {  	s9 =	rddreg [dreg:$0xa];
	[sflag:s24] =	ssyncadd.s32 $0xFFFFC000  }
0x74: {  	[hbm4b:s9+s2] =	stream.linear.scatter [tilespmem:s20], [sflag:$0x5], $0x4000, $0x38;
	[tilespmem:$0x1A000] =	vst v63  }
0x75: {  	_ =	swait.ge [sflag:s25], $0x4000  }
0x76: {  	[sflag:s25] =	ssyncset.done $0x0  }
0x77: {  	s10 =	rddreg [dreg:$0xb];
	[sflag:s25] =	ssyncadd.s32 $0xFFFFC000  }
0x78: {  	[hbm4b:s10+s2] =	stream.linear.scatter [tilespmem:s21], [sflag:$0x6], $0x4000, $0x38;
	[tilespmem:$0x1A000] =	vst v63  }
0x79: {  	_ =	swait.ge [sflag:s26], $0x4000  }
0x7a: {  	[sflag:s26] =	ssyncset.done $0x0  }
0x7b: {  	s11 =	rddreg [dreg:$0xc];
	[sflag:s26] =	ssyncadd.s32 $0xFFFFC000  }
0x7c: {  	[hbm4b:s11+s2] =	stream.linear.scatter [tilespmem:s22], [sflag:$0x7], $0x4000, $0x38;
	[tilespmem:$0x1A000] =	vst v63  }
0x7d: {  	_ =	swait.ge [sflag:s28], $0x4000  }
0x7e: {  	[sflag:s28] =	ssyncset.done $0x0  }
0x7f: {  	s12 =	rddreg [dreg:$0xd];
	[sflag:s28] =	ssyncadd.s32 $0xFFFFC000  }
0x80: {  	[hbm4b:s12+s2] =	stream.linear.scatter [tilespmem:s23], [sflag:$0x8], $0x4000, $0x38;
	[tilespmem:$0x1A000] =	vst v63  }
0x81: {  	_ =	swait.ge [sflag:s29], $0x4000  }
0x82: {  	[sflag:s29] =	ssyncset.done $0x0  }
0x83: {  	[sflag:s29] =	ssyncadd.s32 $0xFFFFC000  }
0x84: {  	_ =	swait.ge [sflag:s31], $0x4000  }
0x85: {  	[sflag:s31] =	ssyncset.done $0x0  }
0x86: {  	[sflag:s31] =	ssyncadd.s32 $0xFFFFC000  }
0x87: {  	_ =	swait.ge [sflag:s1], $0x4000  }
0x88: {  	[sflag:s1] =	ssyncset.done $0x0  }
0x89: {  	[sflag:s1] =	ssyncadd.s32 $0xFFFFC000  }
0x8a: {  	_ =	swait.ge [sflag:s0], $0x4000  }
0x8b: {  	s5 =	sadd.s32 $0x1, s5;
	s13 =	rddreg [dreg:$0x9]  }
0x8c: {  	p0 =	sne.s32 s5, s13  }
.Ltmp1:
0x8d: {  	_ = 	snop;
	(pc) =	sbr.rel @p0 .LBB2_1-.Ltmp1, $3  }
0x8e: {  	_ =	sdelay $0x1  }
0x8f: {  	[sflag:s0] =	ssyncset.done $0x0  }
0x90: {  	[sflag:s0] =	ssyncadd.s32 $0xFFFFC000  }
0x91: {  	_ =	sfence.sel $0x180000  }
0x92: {  	[bflag:$0x0] =	sbarrier.arrive $0xFFFF  }
0x93: {  	_ =	strace $0x90000050  }
0x94: {  	s0 =	stileid.u32;
	[bflag:$0x2] =	sbarrier.arrive $0xFFFF  }
0x95: {  	p0 =	sne.s32 s0, $0x0;
	s0 =	rddreg [dreg:$0x2]  }
0x96: {  	s0 =	sadd.s32 @!p0 $0x100000, s0  }
0x97: {  	[sflag:s0] =	ssyncadd.tile.s32 @!p0 $0x1;
	_ =	shalt  }
.Lfunc_end2:
_tile_overlayer_lowered:
.L_overlay_start_2:
0x98: {  	(tag) =	ssettag $0x2  }
0x99: {  	s0 =	rddreg [dreg:$0x0];
	s2 =	stileid.u32  }
0x9a: {  	s1 =	rddreg [dreg:$0x1];
	p0 =	sne.s32 s2, $0x0  }
0x9b: {  	s3 =	rddreg [dreg:$0x2];
	[bflag:$0x3] =	sbarrier.arrive $0xFFFF;
	s2 =	simm.s32 @!p0 $0x1C09  }
0x9c: {  	[timem:s3], [sflag:s2] =	dma.local @!p0 [hbm:s0], s1  }
0x9d: {  	s0 =	simm.s32 @!p0 $0x9  }
0x9e: {  	_ =	swait.ge @!p0 [sflag:s0], s1  }
0x9f: {  	s1 =	ssub.s32 @!p0 $0x0, s1;
	[sflag:s0] =	ssyncset.done @!p0 $0x0  }
0xa0: {  	[sflag:s0] =	ssyncadd.s32 @!p0 s1  }
0xa1: {  	[bflag:$0x3] =	sbarrier.arrive $0xFFFF  }
0xa2: {  	_ =	shalt  }

</sc_bundles>
